<compile_context>
chip_gen: v7x
topology: tpu7x:2x2x1
jax: 0.10.2.dev20260603
libtpu: 0.0.44.dev20260713+nightly
codegen_flags: <defaults>
</compile_context>

<pallas_src>
import functools

import jax
import jax.numpy as jnp
from jax import lax
from jax.experimental import pallas as pl
from jax.experimental.pallas import tpu as pltpu
from jax.experimental.pallas import tpu_sc as plsc

N = 10000
E = 160000
NP = 10240
EP = 163840
IN_DIM = 256
MID_DIM = 256
OUT_DIM = 128
PROJ_DIM = 256

NC = 2
NS = 16
CHUNK = 128
NBUF = 2
DQ = 64
ROWS_PER_SUB = NP // NS
PAD_ROW = NP - 1

_MESH = plsc.VectorSubcoreMesh(
    core_axis_name="c", subcore_axis_name="s", num_cores=NC, num_subcores=NS)
_SC_PARAMS = pltpu.CompilerParams(use_tc_tiling_on_sc=False)

R = 2048
_F32 = jnp.float32



def _deg_body(dst_hbm, zrow_hbm, out_hbm, acc, zbuf, ones_v, dst_v):
    c = lax.axis_index("c")
    s = lax.axis_index("s")
    pltpu.sync_copy(zrow_hbm.at[0],
                    acc.at[pl.ds(s * ROWS_PER_SUB, ROWS_PER_SUB)])
    for j in range(CHUNK // 16):
        ones_v[pl.ds(j * 16, 16)] = jnp.ones((16,), _F32)
    plsc.subcore_barrier()

    nchunks = EP // (NC * NS * CHUNK)
    base = (c * NS + s) * nchunks
    pltpu.sync_copy(dst_hbm.at[pl.ds(base, nchunks)], dst_v)

    def body(i, carry):
        pltpu.sync_copy(ones_v, acc.at[dst_v.at[i]], add=True)
        return carry

    lax.fori_loop(0, nchunks, body, 0)
    plsc.subcore_barrier()
    row0 = s * ROWS_PER_SUB
    pltpu.sync_copy(acc.at[pl.ds(row0, ROWS_PER_SUB)], zbuf)
    pltpu.sync_copy(zbuf, out_hbm.at[pl.ds(c * NP + row0, ROWS_PER_SUB)])


def _deg_kernel(dst2d, zrow1):
    return pl.kernel(
        _deg_body,
        out_type=jax.ShapeDtypeStruct((NC * NP,), _F32),
        mesh=_MESH,
        scratch_types=[
            pltpu.VMEM_SHARED((NP,), _F32),
            pltpu.VMEM((ROWS_PER_SUB,), _F32),
            pltpu.VMEM((CHUNK,), _F32),
            pltpu.VMEM((EP // (NC * NS * CHUNK), CHUNK), jnp.int32),
        ],
    )(dst2d, zrow1)


def _scatter_body(nphases,
                  table_hbm, idx_hbm, dst_hbm, zrows_hbm, out_hbm,
                  table_s, acc, idx_v, dst_v, *bufs_and_sems):
    c = lax.axis_index("c")
    s = lax.axis_index("s")
    n = EP // NS // CHUNK
    base = s * n
    row0 = s * ROWS_PER_SUB

    rows = bufs_and_sems[0:NBUF]
    gsem = bufs_and_sems[NBUF:2 * NBUF]
    isem = bufs_and_sems[2 * NBUF:3 * NBUF]
    dsem = bufs_and_sems[3 * NBUF:4 * NBUF]
    ssem = bufs_and_sems[4 * NBUF:5 * NBUF]

    def idx_load(i, p):
        pltpu.async_copy(idx_hbm.at[pl.ds(base + i, 1)],
                         idx_v.at[pl.ds(p, 1)], isem[p])

    def dst_load(i, p):
        pltpu.async_copy(dst_hbm.at[pl.ds(base + i, 1)],
                         dst_v.at[pl.ds(p, 1)], dsem[p])

    def idx_wait(p):
        pltpu.make_async_copy(idx_hbm.at[pl.ds(base, 1)],
                              idx_v.at[pl.ds(p, 1)], isem[p]).wait()

    def dst_wait(p):
        pltpu.make_async_copy(dst_hbm.at[pl.ds(base, 1)],
                              dst_v.at[pl.ds(p, 1)], dsem[p]).wait()

    def gather(p):
        pltpu.async_copy(table_s.at[idx_v.at[p]], rows[p], gsem[p])

    def gwait(p):
        pltpu.make_async_copy(table_s.at[idx_v.at[p]], rows[p],
                              gsem[p]).wait()

    def scatter(p):
        pltpu.async_copy(rows[p], acc.at[dst_v.at[p]], ssem[p], add=True)

    def swait(p):
        pltpu.make_async_copy(rows[p], acc.at[dst_v.at[p]], ssem[p]).wait()

    for phase in range(nphases):
        q = nphases * c + phase
        pltpu.sync_copy(table_hbm.at[pl.ds(q * NP + row0, ROWS_PER_SUB)],
                        table_s.at[pl.ds(row0, ROWS_PER_SUB)])

        def zinit(j, carry):
            pltpu.sync_copy(zrows_hbm,
                            acc.at[pl.ds(row0 + j * CHUNK, CHUNK)])
            return carry

        lax.fori_loop(0, ROWS_PER_SUB // CHUNK, zinit, 0)
        plsc.subcore_barrier()

        pltpu.sync_copy(idx_hbm.at[pl.ds(base, NBUF)], idx_v)
        for p in range(NBUF):
            gather(p)
            dst_load(p, p)

        def half(i, p):
            gwait(p)

            @pl.when(i + NBUF < n)
            def _():
                idx_load(i + NBUF, p)

            dst_wait(p)
            scatter(p)

        def refill(i, p):
            @pl.when(i + NBUF < n)
            def _():
                swait(p)
                dst_load(i + NBUF, p)
                idx_wait(p)
                gather(p)

        def body(k, carry):
            i0 = NBUF * k
            for p in range(NBUF):
                half(i0 + p, p)
            for p in range(NBUF):
                refill(i0 + p, p)
            return carry

        lax.fori_loop(0, n // NBUF, body, 0)
        for p in range(NBUF):
            swait(p)
        plsc.subcore_barrier()

        def wb(j, carry):
            pltpu.sync_copy(acc.at[pl.ds(row0 + j * CHUNK, CHUNK)], rows[0])
            pltpu.sync_copy(
                rows[0],
                out_hbm.at[pl.ds(q * NP + row0 + j * CHUNK, CHUNK)])
            return carry

        lax.fori_loop(0, ROWS_PER_SUB // CHUNK, wb, 0)
        if phase + 1 < nphases:
            plsc.subcore_barrier()


def _scatter_kernel(table, idx2d, dst2d, zrows, nphases):
    body = functools.partial(_scatter_body, nphases)
    nq = nphases * NC
    return pl.kernel(
        body,
        out_type=jax.ShapeDtypeStruct((nq * NP, DQ), _F32),
        mesh=_MESH,
        compiler_params=_SC_PARAMS,
        scratch_types=(
            [
                pltpu.VMEM_SHARED((NP, DQ), _F32),
                pltpu.VMEM_SHARED((NP, DQ), _F32),
                pltpu.VMEM((NBUF, CHUNK), jnp.int32),
                pltpu.VMEM((NBUF, CHUNK), jnp.int32),
            ]
            + [pltpu.VMEM((CHUNK, DQ), _F32) for _ in range(NBUF)]
            + [pltpu.SemaphoreType.DMA for _ in range(4 * NBUF)]
        ),
    )(table, idx2d, dst2d, zrows)



def _dinv_of(deg2_ref):
    deg = deg2_ref[0, :] + deg2_ref[1, :] + 1.0
    return lax.rsqrt(deg)


def _tc1_body(x_ref, w1_ref, deg2_ref, wf1_ref, wf2_ref, bf1_ref, bf2_ref,
              g1_ref, wc_ref, bc_ref):
    dinv = _dinv_of(deg2_ref)
    h = jnp.dot(x_ref[...], w1_ref[...], preferred_element_type=_F32)
    g = h * dinv[:, None]
    for q in range(4):
        g1_ref[q] = g[:, q * DQ:(q + 1) * DQ]

    @pl.when(pl.program_id(0) == 0)
    def _():
        wc_ref[...] = jnp.dot(wf1_ref[...], wf2_ref[...],
                              preferred_element_type=_F32)
        bc_ref[...] = jnp.dot(bf1_ref[...], wf2_ref[...],
                              preferred_element_type=_F32) + bf2_ref[...]


def _tc1(x_pad, W1, deg2, Wf1, Wf2, bf1r, bf2r):
    return pl.pallas_call(
        _tc1_body,
        grid=(NP // R,),
        in_specs=[
            pl.BlockSpec((R, IN_DIM), lambda i: (i, 0)),
            pl.BlockSpec((IN_DIM, MID_DIM), lambda i: (0, 0)),
            pl.BlockSpec((NC, R), lambda i: (0, i)),
            pl.BlockSpec((OUT_DIM, 256), lambda i: (0, 0)),
            pl.BlockSpec((256, PROJ_DIM), lambda i: (0, 0)),
            pl.BlockSpec((1, 256), lambda i: (0, 0)),
            pl.BlockSpec((1, PROJ_DIM), lambda i: (0, 0)),
        ],
        out_specs=[
            pl.BlockSpec((4, R, DQ), lambda i: (0, i, 0)),
            pl.BlockSpec((OUT_DIM, PROJ_DIM), lambda i: (0, 0)),
            pl.BlockSpec((1, PROJ_DIM), lambda i: (0, 0)),
        ],
        out_shape=[
            jax.ShapeDtypeStruct((4, NP, DQ), _F32),
            jax.ShapeDtypeStruct((OUT_DIM, PROJ_DIM), _F32),
            jax.ShapeDtypeStruct((1, PROJ_DIM), _F32),
        ],
    )(x_pad, W1, deg2, Wf1, Wf2, bf1r, bf2r)


def _tc2_body(s1_ref, g1_ref, deg2_ref, b1_ref, w2_ref, g2_ref):
    dinv = _dinv_of(deg2_ref)
    h = None
    for q in range(4):
        t = jnp.maximum((s1_ref[q] + g1_ref[q]) * dinv[:, None]
                        + b1_ref[0:1, q * DQ:(q + 1) * DQ], 0.0)
        part = jnp.dot(t, w2_ref[q * DQ:(q + 1) * DQ, :],
                       preferred_element_type=_F32)
        h = part if h is None else h + part
    g2 = h * dinv[:, None]
    g2_ref[0] = g2[:, :DQ]
    g2_ref[1] = g2[:, DQ:]


def _tc2(S1, g1, deg2, b1r, W2):
    return pl.pallas_call(
        _tc2_body,
        grid=(NP // R,),
        in_specs=[
            pl.BlockSpec((4, R, DQ), lambda i: (0, i, 0)),
            pl.BlockSpec((4, R, DQ), lambda i: (0, i, 0)),
            pl.BlockSpec((NC, R), lambda i: (0, i)),
            pl.BlockSpec((1, MID_DIM), lambda i: (0, 0)),
            pl.BlockSpec((MID_DIM, OUT_DIM), lambda i: (0, 0)),
        ],
        out_specs=pl.BlockSpec((2, R, DQ), lambda i: (0, i, 0)),
        out_shape=jax.ShapeDtypeStruct((2, NP, DQ), _F32),
    )(S1, g1, deg2, b1r, W2)


def _tc3_body(s2_ref, g2_ref, deg2_ref, b2_ref, wc_ref, bc_ref, out_ref):
    dinv = _dinv_of(deg2_ref)
    acc = None
    for hh in range(2):
        t = jnp.maximum((s2_ref[hh] + g2_ref[hh]) * dinv[:, None]
                        + b2_ref[0:1, hh * DQ:(hh + 1) * DQ], 0.0)
        part = jnp.dot(t, wc_ref[hh * DQ:(hh + 1) * DQ, :],
                       preferred_element_type=_F32)
        acc = part if acc is None else acc + part
    out_ref[...] = acc + bc_ref[...]


def _tc3(S2, g2, deg2, b2r, Wc, bc):
    return pl.pallas_call(
        _tc3_body,
        grid=(NP // R,),
        in_specs=[
            pl.BlockSpec((2, R, DQ), lambda i: (0, i, 0)),
            pl.BlockSpec((2, R, DQ), lambda i: (0, i, 0)),
            pl.BlockSpec((NC, R), lambda i: (0, i)),
            pl.BlockSpec((1, OUT_DIM), lambda i: (0, 0)),
            pl.BlockSpec((OUT_DIM, PROJ_DIM), lambda i: (0, 0)),
            pl.BlockSpec((1, PROJ_DIM), lambda i: (0, 0)),
        ],
        out_specs=pl.BlockSpec((R, PROJ_DIM), lambda i: (i, 0)),
        out_shape=jax.ShapeDtypeStruct((NP, PROJ_DIM), _F32),
    )(S2, g2, deg2, b2r, Wc, bc)



def kernel(x, edge_index, W1, b1, W2, b2, Wf1, bf1, Wf2, bf2):
    src = edge_index[0]
    dst = edge_index[1]
    pad = jnp.full((EP - E,), PAD_ROW, dtype=jnp.int32)
    src1 = jnp.concatenate([src, pad]).reshape(EP // CHUNK, CHUNK)
    dst2 = jnp.concatenate([dst, pad]).reshape(EP // CHUNK, CHUNK)

    x_pad = jnp.zeros((NP, IN_DIM), _F32).at[:N].set(x)
    b1r = b1.reshape(1, MID_DIM)
    b2r = b2.reshape(1, OUT_DIM)
    bf1r = bf1.reshape(1, 256)
    bf2r = bf2.reshape(1, PROJ_DIM)
    zrows = jnp.zeros((CHUNK, DQ), _F32)
    zrow1 = jnp.zeros((1, ROWS_PER_SUB), _F32)

    deg2 = _deg_kernel(dst2, zrow1).reshape(NC, NP)

    g1, Wc, bc = _tc1(x_pad, W1, deg2, Wf1, Wf2, bf1r, bf2r)

    S1 = _scatter_kernel(g1.reshape(4 * NP, DQ), src1, dst2, zrows,
                         nphases=2).reshape(4, NP, DQ)

    g2 = _tc2(S1, g1, deg2, b1r, W2)

    S2 = _scatter_kernel(g2.reshape(2 * NP, DQ), src1, dst2, zrows,
                         nphases=1).reshape(2, NP, DQ)

    out = _tc3(S2, g2, deg2, b2r, Wc, bc)
    return out[:N]

# --- scband reference (transcript-rebuilt; emitter-appended) ---
"""Pipeline reference for scband-mdgraph-encoder-25202868093391 (READ-ONLY COPY).

The authoritative reference and input builder live on the scoring server;
editing this copy changes nothing except your own understanding.
"""

import jax, jax.numpy as jnp
import numpy as np

N = 10000
E = 160000
IN_DIM = 256
MID_DIM = 256
OUT_DIM = 128
FC_MID = 256
PROJ_DIM = 256


def _glorot(key, shape):
    fan_in, fan_out = shape[0], shape[1]
    limit = np.sqrt(6.0 / (fan_in + fan_out))
    return jax.random.uniform(key, shape, dtype=jnp.float32, minval=-limit, maxval=limit)


def setup_inputs(seed: int = 0) -> dict:
    key = jax.random.key(seed)
    ks = jax.random.split(key, 10)
    x = jax.random.normal(ks[0], (N, IN_DIM), dtype=jnp.float32)
    edge_index = jax.random.randint(ks[1], (2, E), 0, N, dtype=jnp.int32)
    W1 = _glorot(ks[2], (IN_DIM, MID_DIM))
    b1 = jnp.zeros((MID_DIM,), dtype=jnp.float32)
    W2 = _glorot(ks[3], (MID_DIM, OUT_DIM))
    b2 = jnp.zeros((OUT_DIM,), dtype=jnp.float32)
    Wf1 = _glorot(ks[4], (OUT_DIM, FC_MID))
    bf1 = jax.random.normal(ks[5], (FC_MID,), dtype=jnp.float32) * 0.02
    Wf2 = _glorot(ks[6], (FC_MID, PROJ_DIM))
    bf2 = jax.random.normal(ks[7], (PROJ_DIM,), dtype=jnp.float32) * 0.02
    return {"x": x, "edge_index": edge_index, "W1": W1, "b1": b1, "W2": W2, "b2": b2,
            "Wf1": Wf1, "bf1": bf1, "Wf2": Wf2, "bf2": bf2}


def _gcn_conv(x, edge_index, W, b):
    # PyG GCNConv: add self-loops, symmetric D^-1/2 (A+I) D^-1/2 normalization
    n = x.shape[0]
    src = edge_index[0]
    dst = edge_index[1]
    loop = jnp.arange(n, dtype=src.dtype)
    src = jnp.concatenate([src, loop])
    dst = jnp.concatenate([dst, loop])
    deg = jnp.zeros((n,), dtype=x.dtype).at[dst].add(1.0)
    dinv = jnp.where(deg > 0, 1.0 / jnp.sqrt(deg), 0.0)
    norm = dinv[src] * dinv[dst]
    h = x @ W
    msg = h[src] * norm[:, None]
    out = jnp.zeros((n, W.shape[1]), dtype=x.dtype).at[dst].add(msg)
    return out + b


def reference(x, edge_index, W1, b1, W2, b2, Wf1, bf1, Wf2, bf2):
    h = _gcn_conv(x, edge_index, W1, b1)
    h = jax.nn.relu(h)
    h = _gcn_conv(h, edge_index, W2, b2)
    h = jax.nn.relu(h)
    h = h @ Wf1 + bf1
    # dropout p=0.0 / eval mode -> identity
    h = h @ Wf2 + bf2
    return h

if __name__ == "__main__":
    import jax
    _d = setup_inputs()
    print(jax.jit(kernel)(*tuple(_d.values())))

</pallas_src>

<mosaic_0001>
#map = affine_map<(d0, d1) -> (0, 0)>
#map1 = affine_map<(d0, d1) -> (0)>
module attributes {stable_mosaic.version = 14 : i64} {
  func.func @_deg_body(%arg0: i32, %arg1: i32, %arg2: memref<1280x128xi32, #tpu.memory_space<hbm>>, %arg3: memref<1x640xf32, #tpu.memory_space<hbm>>, %arg4: memref<20480xf32, #tpu.memory_space<hbm>>, %arg5: memref<10240xf32, #tpu.memory_space<vmem_shared>>, %arg6: memref<640xf32, #tpu.memory_space<vmem>>, %arg7: memref<128xf32, #tpu.memory_space<vmem>>, %arg8: memref<40x128xi32, #tpu.memory_space<vmem>>) attributes {dimension_semantics = [#tpu.dimension_semantics<core_parallel>, #tpu.dimension_semantics<subcore_parallel>], iteration_bounds = array<i64: 2, 16>, scalar_prefetch = 0 : i64, scratch_operands = 4 : i64, tpu.core_type = #tpu.core_type<sc_vector_subcore>, window_params = [{transform_indices = #map}, {transform_indices = #map}, {transform_indices = #map1}]} {
    %mul3A = arith.constant 640 : i32
    %mul3A_0 = arith.muli %arg1, %mul3A : i32
    %run_scoped3A = arith.constant 0 : i32
    "tpu.region"() ({
      %run_scoped3A_62 = tpu.sem_alloc : memref<!tpu.dma_semaphore, #tpu.memory_space<semaphore_mem>>
      %dma_start3A = tpu.memref_slice %arg5[%mul3A_0] : memref<10240xf32, #tpu.memory_space<vmem_shared>> -> memref<640xf32, #tpu.memory_space<vmem_shared>>
      %dma_start3A_63 = arith.constant 0 : i32
      %dma_start3A_64 = tpu.memref_slice %arg3[%run_scoped3A, %dma_start3A_63] : memref<1x640xf32, #tpu.memory_space<hbm>> -> memref<1x640xf32, #tpu.memory_space<hbm>>
      %dma_start3A_65 = tpu.memref_squeeze %dma_start3A_64 : memref<1x640xf32, #tpu.memory_space<hbm>> -> memref<640xf32, #tpu.memory_space<hbm>>
      tpu.enqueue_dma source(%dma_start3A_65 : memref<640xf32, #tpu.memory_space<hbm>>) target(%dma_start3A : memref<640xf32, #tpu.memory_space<vmem_shared>>) target_semaphore(%run_scoped3A_62 : memref<!tpu.dma_semaphore, #tpu.memory_space<semaphore_mem>>)
      %dma_wait3A = tpu.memref_slice %arg5[%mul3A_0] : memref<10240xf32, #tpu.memory_space<vmem_shared>> -> memref<640xf32, #tpu.memory_space<vmem_shared>>
      %dma_wait3A_66 = arith.constant 0 : i32
      %dma_wait3A_67 = tpu.memref_slice %arg3[%run_scoped3A, %dma_wait3A_66] : memref<1x640xf32, #tpu.memory_space<hbm>> -> memref<1x640xf32, #tpu.memory_space<hbm>>
      %dma_wait3A_68 = tpu.memref_squeeze %dma_wait3A_67 : memref<1x640xf32, #tpu.memory_space<hbm>> -> memref<640xf32, #tpu.memory_space<hbm>>
      tpu.wait_dma2 semaphore(%run_scoped3A_62 : memref<!tpu.dma_semaphore, #tpu.memory_space<semaphore_mem>>) src(%dma_wait3A_68 : memref<640xf32, #tpu.memory_space<hbm>>) dst(%dma_wait3A : memref<640xf32, #tpu.memory_space<vmem_shared>>)
      tpu.yield
    }) : () -> ()
    %broadcast_in_dim3A = arith.constant 1.000000e+00 : f32
    %broadcast_in_dim3A_1 = vector.broadcast %broadcast_in_dim3A : f32 to vector<16xf32>
    %swap3A = arith.constant 0 : index
    %swap3A_2 = tpu.vector_load %arg7[%swap3A] {strides = array<i32>} : memref<128xf32, #tpu.memory_space<vmem>>, vector<16xf32>,
    %swap3A_3 = vector.shape_cast %swap3A_2 : vector<16xf32> to vector<16xf32>
    %swap3A_4 = vector.shape_cast %broadcast_in_dim3A_1 : vector<16xf32> to vector<16xf32>
    tpu.vector_store %arg7[%swap3A], %swap3A_4 {strides = array<i32>} : memref<128xf32, #tpu.memory_space<vmem>>, vector<16xf32>,
    %broadcast_in_dim3A_5 = arith.constant 1.000000e+00 : f32
    %broadcast_in_dim3A_6 = vector.broadcast %broadcast_in_dim3A_5 : f32 to vector<16xf32>
    %swap3A_7 = arith.constant 16 : index
    %swap3A_8 = tpu.vector_load %arg7[%swap3A_7] {strides = array<i32>} : memref<128xf32, #tpu.memory_space<vmem>>, vector<16xf32>,
    %swap3A_9 = vector.shape_cast %swap3A_8 : vector<16xf32> to vector<16xf32>
    %swap3A_10 = vector.shape_cast %broadcast_in_dim3A_6 : vector<16xf32> to vector<16xf32>
    tpu.vector_store %arg7[%swap3A_7], %swap3A_10 {strides = array<i32>} : memref<128xf32, #tpu.memory_space<vmem>>, vector<16xf32>,
    %broadcast_in_dim3A_11 = arith.constant 1.000000e+00 : f32
    %broadcast_in_dim3A_12 = vector.broadcast %broadcast_in_dim3A_11 : f32 to vector<16xf32>
    %swap3A_13 = arith.constant 32 : index
    %swap3A_14 = tpu.vector_load %arg7[%swap3A_13] {strides = array<i32>} : memref<128xf32, #tpu.memory_space<vmem>>, vector<16xf32>,
    %swap3A_15 = vector.shape_cast %swap3A_14 : vector<16xf32> to vector<16xf32>
    %swap3A_16 = vector.shape_cast %broadcast_in_dim3A_12 : vector<16xf32> to vector<16xf32>
    tpu.vector_store %arg7[%swap3A_13], %swap3A_16 {strides = array<i32>} : memref<128xf32, #tpu.memory_space<vmem>>, vector<16xf32>,
    %broadcast_in_dim3A_17 = arith.constant 1.000000e+00 : f32
    %broadcast_in_dim3A_18 = vector.broadcast %broadcast_in_dim3A_17 : f32 to vector<16xf32>
    %swap3A_19 = arith.constant 48 : index
    %swap3A_20 = tpu.vector_load %arg7[%swap3A_19] {strides = array<i32>} : memref<128xf32, #tpu.memory_space<vmem>>, vector<16xf32>,
    %swap3A_21 = vector.shape_cast %swap3A_20 : vector<16xf32> to vector<16xf32>
    %swap3A_22 = vector.shape_cast %broadcast_in_dim3A_18 : vector<16xf32> to vector<16xf32>
    tpu.vector_store %arg7[%swap3A_19], %swap3A_22 {strides = array<i32>} : memref<128xf32, #tpu.memory_space<vmem>>, vector<16xf32>,
    %broadcast_in_dim3A_23 = arith.constant 1.000000e+00 : f32
    %broadcast_in_dim3A_24 = vector.broadcast %broadcast_in_dim3A_23 : f32 to vector<16xf32>
    %swap3A_25 = arith.constant 64 : index
    %swap3A_26 = tpu.vector_load %arg7[%swap3A_25] {strides = array<i32>} : memref<128xf32, #tpu.memory_space<vmem>>, vector<16xf32>,
    %swap3A_27 = vector.shape_cast %swap3A_26 : vector<16xf32> to vector<16xf32>
    %swap3A_28 = vector.shape_cast %broadcast_in_dim3A_24 : vector<16xf32> to vector<16xf32>
    tpu.vector_store %arg7[%swap3A_25], %swap3A_28 {strides = array<i32>} : memref<128xf32, #tpu.memory_space<vmem>>, vector<16xf32>,
    %broadcast_in_dim3A_29 = arith.constant 1.000000e+00 : f32
    %broadcast_in_dim3A_30 = vector.broadcast %broadcast_in_dim3A_29 : f32 to vector<16xf32>
    %swap3A_31 = arith.constant 80 : index
    %swap3A_32 = tpu.vector_load %arg7[%swap3A_31] {strides = array<i32>} : memref<128xf32, #tpu.memory_space<vmem>>, vector<16xf32>,
    %swap3A_33 = vector.shape_cast %swap3A_32 : vector<16xf32> to vector<16xf32>
    %swap3A_34 = vector.shape_cast %broadcast_in_dim3A_30 : vector<16xf32> to vector<16xf32>
    tpu.vector_store %arg7[%swap3A_31], %swap3A_34 {strides = array<i32>} : memref<128xf32, #tpu.memory_space<vmem>>, vector<16xf32>,
    %broadcast_in_dim3A_35 = arith.constant 1.000000e+00 : f32
    %broadcast_in_dim3A_36 = vector.broadcast %broadcast_in_dim3A_35 : f32 to vector<16xf32>
    %swap3A_37 = arith.constant 96 : index
    %swap3A_38 = tpu.vector_load %arg7[%swap3A_37] {strides = array<i32>} : memref<128xf32, #tpu.memory_space<vmem>>, vector<16xf32>,
    %swap3A_39 = vector.shape_cast %swap3A_38 : vector<16xf32> to vector<16xf32>
    %swap3A_40 = vector.shape_cast %broadcast_in_dim3A_36 : vector<16xf32> to vector<16xf32>
    tpu.vector_store %arg7[%swap3A_37], %swap3A_40 {strides = array<i32>} : memref<128xf32, #tpu.memory_space<vmem>>, vector<16xf32>,
    %broadcast_in_dim3A_41 = arith.constant 1.000000e+00 : f32
    %broadcast_in_dim3A_42 = vector.broadcast %broadcast_in_dim3A_41 : f32 to vector<16xf32>
    %swap3A_43 = arith.constant 112 : index
    %swap3A_44 = tpu.vector_load %arg7[%swap3A_43] {strides = array<i32>} : memref<128xf32, #tpu.memory_space<vmem>>, vector<16xf32>,
    %swap3A_45 = vector.shape_cast %swap3A_44 : vector<16xf32> to vector<16xf32>
    %swap3A_46 = vector.shape_cast %broadcast_in_dim3A_42 : vector<16xf32> to vector<16xf32>
    tpu.vector_store %arg7[%swap3A_43], %swap3A_46 {strides = array<i32>} : memref<128xf32, #tpu.memory_space<vmem>>, vector<16xf32>,
    %barrier3A = arith.constant 0 : index
    tpu.barrier barrier_id(%barrier3A)
    %mul3A_47 = arith.constant 16 : i32
    %mul3A_48 = arith.muli %arg0, %mul3A_47 : i32
    %add3A = arith.addi %mul3A_48, %arg1 : i32
    %mul3A_49 = arith.constant 40 : i32
    %mul3A_50 = arith.muli %add3A, %mul3A_49 : i32
    "tpu.region"() ({
      %run_scoped3A_62 = tpu.sem_alloc : memref<!tpu.dma_semaphore, #tpu.memory_space<semaphore_mem>>
      %dma_start3A = arith.constant 0 : i32
      %dma_start3A_63 = tpu.memref_slice %arg2[%mul3A_50, %dma_start3A] : memref<1280x128xi32, #tpu.memory_space<hbm>> -> memref<40x128xi32, #tpu.memory_space<hbm>>
      %dma_start3A_64 = arith.constant 0 : i32
      %dma_start3A_65 = tpu.memref_slice %arg2[%mul3A_50, %dma_start3A_64] : memref<1280x128xi32, #tpu.memory_space<hbm>> -> memref<40x128xi32, #tpu.memory_space<hbm>>
      tpu.enqueue_dma source(%dma_start3A_65 : memref<40x128xi32, #tpu.memory_space<hbm>>) target(%arg8 : memref<40x128xi32, #tpu.memory_space<vmem>>) target_semaphore(%run_scoped3A_62 : memref<!tpu.dma_semaphore, #tpu.memory_space<semaphore_mem>>)
      %dma_wait3A = arith.constant 0 : i32
      %dma_wait3A_66 = tpu.memref_slice %arg2[%mul3A_50, %dma_wait3A] : memref<1280x128xi32, #tpu.memory_space<hbm>> -> memref<40x128xi32, #tpu.memory_space<hbm>>
      %dma_wait3A_67 = arith.constant 0 : i32
      %dma_wait3A_68 = tpu.memref_slice %arg2[%mul3A_50, %dma_wait3A_67] : memref<1280x128xi32, #tpu.memory_space<hbm>> -> memref<40x128xi32, #tpu.memory_space<hbm>>
      tpu.wait_dma2 semaphore(%run_scoped3A_62 : memref<!tpu.dma_semaphore, #tpu.memory_space<semaphore_mem>>) src(%dma_wait3A_68 : memref<40x128xi32, #tpu.memory_space<hbm>>) dst(%arg8 : memref<40x128xi32, #tpu.memory_space<vmem>>)
      tpu.yield
    }) : () -> ()
    %scan3A = arith.constant 0 : i32
    %scan3A_51 = arith.constant 0 : i32
    %scan3A_52 = arith.constant 40 : i32
    %scan3A_53 = arith.addi %scan3A_51, %scan3A_52 : i32
    %scan3A_54 = arith.constant 1 : i32
    scf.for %scan3A_62 = %scan3A_51 to %scan3A_53 step %scan3A_54  : i32 {
      "tpu.region"() ({
        %run_scoped3A_63 = tpu.sem_alloc : memref<!tpu.dma_semaphore, #tpu.memory_space<semaphore_mem>>
        %dma_start3A = arith.constant 0 : i32
        %dma_start3A_64 = tpu.memref_slice %arg8[%scan3A_62, %dma_start3A] : memref<40x128xi32, #tpu.memory_space<vmem>> -> memref<1x128xi32, #tpu.memory_space<vmem>>
        %dma_start3A_65 = tpu.memref_squeeze %dma_start3A_64 : memref<1x128xi32, #tpu.memory_space<vmem>> -> memref<128xi32, #tpu.memory_space<vmem>>
        %dma_start3A_66 = arith.constant 0 : i32
        %dma_start3A_67 = tpu.memref_slice %arg5[%dma_start3A_66] : memref<10240xf32, #tpu.memory_space<vmem_shared>> -> memref<10240xf32, #tpu.memory_space<vmem_shared>>
        tpu.enqueue_indirect_dma source(%arg7 : memref<128xf32, #tpu.memory_space<vmem>>) target(%dma_start3A_67 : memref<10240xf32, #tpu.memory_space<vmem_shared>>) offsets(%dma_start3A_65 : memref<128xi32, #tpu.memory_space<vmem>>) semaphore(%run_scoped3A_63 : memref<!tpu.dma_semaphore, #tpu.memory_space<semaphore_mem>>) {add = true}
        %dma_wait3A = arith.constant 0 : i32
        %dma_wait3A_68 = tpu.memref_slice %arg8[%scan3A_62, %dma_wait3A] : memref<40x128xi32, #tpu.memory_space<vmem>> -> memref<1x128xi32, #tpu.memory_space<vmem>>
        %dma_wait3A_69 = tpu.memref_squeeze %dma_wait3A_68 : memref<1x128xi32, #tpu.memory_space<vmem>> -> memref<128xi32, #tpu.memory_space<vmem>>
        %dma_wait3A_70 = arith.constant 0 : i32
        %dma_wait3A_71 = tpu.memref_slice %arg5[%dma_wait3A_70] : memref<10240xf32, #tpu.memory_space<vmem_shared>> -> memref<10240xf32, #tpu.memory_space<vmem_shared>>
        tpu.wait_indirect_dma semaphore(%run_scoped3A_63 : memref<!tpu.dma_semaphore, #tpu.memory_space<semaphore_mem>>) src(%arg7 : memref<128xf32, #tpu.memory_space<vmem>>) dst(%dma_wait3A_71 : memref<10240xf32, #tpu.memory_space<vmem_shared>>)
        tpu.yield
      }) : () -> ()
    }
    %scan3A_55 = arith.constant 40 : i32
    %barrier3A_56 = arith.constant 0 : index
    tpu.barrier barrier_id(%barrier3A_56)
    %mul3A_57 = arith.constant 640 : i32
    %mul3A_58 = arith.muli %arg1, %mul3A_57 : i32
    "tpu.region"() ({
      %run_scoped3A_62 = tpu.sem_alloc : memref<!tpu.dma_semaphore, #tpu.memory_space<semaphore_mem>>
      %dma_start3A = tpu.memref_slice %arg5[%mul3A_58] : memref<10240xf32, #tpu.memory_space<vmem_shared>> -> memref<640xf32, #tpu.memory_space<vmem_shared>>
      %dma_start3A_63 = tpu.memref_slice %arg5[%mul3A_58] : memref<10240xf32, #tpu.memory_space<vmem_shared>> -> memref<640xf32, #tpu.memory_space<vmem_shared>>
      tpu.enqueue_dma source(%dma_start3A_63 : memref<640xf32, #tpu.memory_space<vmem_shared>>) target(%arg6 : memref<640xf32, #tpu.memory_space<vmem>>) target_semaphore(%run_scoped3A_62 : memref<!tpu.dma_semaphore, #tpu.memory_space<semaphore_mem>>)
      %dma_wait3A = tpu.memref_slice %arg5[%mul3A_58] : memref<10240xf32, #tpu.memory_space<vmem_shared>> -> memref<640xf32, #tpu.memory_space<vmem_shared>>
      %dma_wait3A_64 = tpu.memref_slice %arg5[%mul3A_58] : memref<10240xf32, #tpu.memory_space<vmem_shared>> -> memref<640xf32, #tpu.memory_space<vmem_shared>>
      tpu.wait_dma2 semaphore(%run_scoped3A_62 : memref<!tpu.dma_semaphore, #tpu.memory_space<semaphore_mem>>) src(%dma_wait3A_64 : memref<640xf32, #tpu.memory_space<vmem_shared>>) dst(%arg6 : memref<640xf32, #tpu.memory_space<vmem>>)
      tpu.yield
    }) : () -> ()
    %mul3A_59 = arith.constant 10240 : i32
    %mul3A_60 = arith.muli %arg0, %mul3A_59 : i32
    %add3A_61 = arith.addi %mul3A_60, %mul3A_58 : i32
    "tpu.region"() ({
      %run_scoped3A_62 = tpu.sem_alloc : memref<!tpu.dma_semaphore, #tpu.memory_space<semaphore_mem>>
      %dma_start3A = tpu.memref_slice %arg4[%add3A_61] : memref<20480xf32, #tpu.memory_space<hbm>> -> memref<640xf32, #tpu.memory_space<hbm>>
      %dma_start3A_63 = tpu.memref_slice %arg4[%add3A_61] : memref<20480xf32, #tpu.memory_space<hbm>> -> memref<640xf32, #tpu.memory_space<hbm>>
      tpu.enqueue_dma source(%arg6 : memref<640xf32, #tpu.memory_space<vmem>>) target(%dma_start3A_63 : memref<640xf32, #tpu.memory_space<hbm>>) target_semaphore(%run_scoped3A_62 : memref<!tpu.dma_semaphore, #tpu.memory_space<semaphore_mem>>)
      %dma_wait3A = tpu.memref_slice %arg4[%add3A_61] : memref<20480xf32, #tpu.memory_space<hbm>> -> memref<640xf32, #tpu.memory_space<hbm>>
      %dma_wait3A_64 = tpu.memref_slice %arg4[%add3A_61] : memref<20480xf32, #tpu.memory_space<hbm>> -> memref<640xf32, #tpu.memory_space<hbm>>
      tpu.wait_dma2 semaphore(%run_scoped3A_62 : memref<!tpu.dma_semaphore, #tpu.memory_space<semaphore_mem>>) src(%arg6 : memref<640xf32, #tpu.memory_space<vmem>>) dst(%dma_wait3A_64 : memref<640xf32, #tpu.memory_space<hbm>>)
      tpu.yield
    }) : () -> ()
    return
  }
}

#map = affine_map<(d0, d1) -> (0, 0)>
module attributes {stable_mosaic.version = 14 : i64} {
  func.func @_scatter_body(%arg0: i32, %arg1: i32, %arg2: memref<20480x64xf32, #tpu.memory_space<hbm>>, %arg3: memref<1280x128xi32, #tpu.memory_space<hbm>>, %arg4: memref<1280x128xi32, #tpu.memory_space<hbm>>, %arg5: memref<128x64xf32, #tpu.memory_space<hbm>>, %arg6: memref<20480x64xf32, #tpu.memory_space<hbm>>, %arg7: memref<10240x64xf32, #tpu.memory_space<vmem_shared>>, %arg8: memref<10240x64xf32, #tpu.memory_space<vmem_shared>>, %arg9: memref<2x128xi32, #tpu.memory_space<vmem>>, %arg10: memref<2x128xi32, #tpu.memory_space<vmem>>, %arg11: memref<128x64xf32, #tpu.memory_space<vmem>>, %arg12: memref<128x64xf32, #tpu.memory_space<vmem>>, %arg13: memref<!tpu.dma_semaphore, #tpu.memory_space<semaphore_mem>>, %arg14: memref<!tpu.dma_semaphore, #tpu.memory_space<semaphore_mem>>, %arg15: memref<!tpu.dma_semaphore, #tpu.memory_space<semaphore_mem>>, %arg16: memref<!tpu.dma_semaphore, #tpu.memory_space<semaphore_mem>>, %arg17: memref<!tpu.dma_semaphore, #tpu.memory_space<semaphore_mem>>, %arg18: memref<!tpu.dma_semaphore, #tpu.memory_space<semaphore_mem>>, %arg19: memref<!tpu.dma_semaphore, #tpu.memory_space<semaphore_mem>>, %arg20: memref<!tpu.dma_semaphore, #tpu.memory_space<semaphore_mem>>) attributes {dimension_semantics = [#tpu.dimension_semantics<core_parallel>, #tpu.dimension_semantics<subcore_parallel>], iteration_bounds = array<i64: 2, 16>, scalar_prefetch = 0 : i64, scratch_operands = 14 : i64, tpu.core_type = #tpu.core_type<sc_vector_subcore>, window_params = [{transform_indices = #map}, {transform_indices = #map}, {transform_indices = #map}, {transform_indices = #map}, {transform_indices = #map}]} {
    %mul3A = arith.constant 80 : i32
    %mul3A_0 = arith.muli %arg1, %mul3A : i32
    %mul3A_1 = arith.constant 640 : i32
    %mul3A_2 = arith.muli %arg1, %mul3A_1 : i32
    %mul3A_3 = arith.constant 1 : i32
    %mul3A_4 = arith.muli %mul3A_3, %arg0 : i32
    %add3A = arith.constant 0 : i32
    %add3A_5 = arith.addi %mul3A_4, %add3A : i32
    %mul3A_6 = arith.constant 10240 : i32
    %mul3A_7 = arith.muli %add3A_5, %mul3A_6 : i32
    %add3A_8 = arith.addi %mul3A_7, %mul3A_2 : i32
    "tpu.region"() ({
      %run_scoped3A = tpu.sem_alloc : memref<!tpu.dma_semaphore, #tpu.memory_space<semaphore_mem>>
      %dma_start3A_77 = arith.constant 0 : i32
      %dma_start3A_78 = tpu.memref_slice %arg7[%mul3A_2, %dma_start3A_77] : memref<10240x64xf32, #tpu.memory_space<vmem_shared>> -> memref<640x64xf32, #tpu.memory_space<vmem_shared>>
      %dma_start3A_79 = arith.constant 0 : i32
      %dma_start3A_80 = tpu.memref_slice %arg2[%add3A_8, %dma_start3A_79] : memref<20480x64xf32, #tpu.memory_space<hbm>> -> memref<640x64xf32, #tpu.memory_space<hbm>>
      tpu.enqueue_dma source(%dma_start3A_80 : memref<640x64xf32, #tpu.memory_space<hbm>>) target(%dma_start3A_78 : memref<640x64xf32, #tpu.memory_space<vmem_shared>>) target_semaphore(%run_scoped3A : memref<!tpu.dma_semaphore, #tpu.memory_space<semaphore_mem>>)
      %dma_wait3A_81 = arith.constant 0 : i32
      %dma_wait3A_82 = tpu.memref_slice %arg7[%mul3A_2, %dma_wait3A_81] : memref<10240x64xf32, #tpu.memory_space<vmem_shared>> -> memref<640x64xf32, #tpu.memory_space<vmem_shared>>
      %dma_wait3A_83 = arith.constant 0 : i32
      %dma_wait3A_84 = tpu.memref_slice %arg2[%add3A_8, %dma_wait3A_83] : memref<20480x64xf32, #tpu.memory_space<hbm>> -> memref<640x64xf32, #tpu.memory_space<hbm>>
      tpu.wait_dma2 semaphore(%run_scoped3A : memref<!tpu.dma_semaphore, #tpu.memory_space<semaphore_mem>>) src(%dma_wait3A_84 : memref<640x64xf32, #tpu.memory_space<hbm>>) dst(%dma_wait3A_82 : memref<640x64xf32, #tpu.memory_space<vmem_shared>>)
      tpu.yield
    }) : () -> ()
    %scan3A = arith.constant 0 : i32
    %scan3A_9 = arith.constant 0 : i32
    %scan3A_10 = arith.constant 5 : i32
    %scan3A_11 = arith.addi %scan3A_9, %scan3A_10 : i32
    %scan3A_12 = arith.constant 1 : i32
    scf.for %scan3A_77 = %scan3A_9 to %scan3A_11 step %scan3A_12  : i32 {
      %mul3A_78 = arith.constant 128 : i32
      %mul3A_79 = arith.muli %scan3A_77, %mul3A_78 : i32
      %add3A_80 = arith.addi %mul3A_2, %mul3A_79 : i32
      "tpu.region"() ({
        %run_scoped3A = tpu.sem_alloc : memref<!tpu.dma_semaphore, #tpu.memory_space<semaphore_mem>>
        %dma_start3A_81 = arith.constant 0 : i32
        %dma_start3A_82 = tpu.memref_slice %arg8[%add3A_80, %dma_start3A_81] : memref<10240x64xf32, #tpu.memory_space<vmem_shared>> -> memref<128x64xf32, #tpu.memory_space<vmem_shared>>
        tpu.enqueue_dma source(%arg5 : memref<128x64xf32, #tpu.memory_space<hbm>>) target(%dma_start3A_82 : memref<128x64xf32, #tpu.memory_space<vmem_shared>>) target_semaphore(%run_scoped3A : memref<!tpu.dma_semaphore, #tpu.memory_space<semaphore_mem>>)
        %dma_wait3A_83 = arith.constant 0 : i32
        %dma_wait3A_84 = tpu.memref_slice %arg8[%add3A_80, %dma_wait3A_83] : memref<10240x64xf32, #tpu.memory_space<vmem_shared>> -> memref<128x64xf32, #tpu.memory_space<vmem_shared>>
        tpu.wait_dma2 semaphore(%run_scoped3A : memref<!tpu.dma_semaphore, #tpu.memory_space<semaphore_mem>>) src(%arg5 : memref<128x64xf32, #tpu.memory_space<hbm>>) dst(%dma_wait3A_84 : memref<128x64xf32, #tpu.memory_space<vmem_shared>>)
        tpu.yield
      }) : () -> ()
    }
    %scan3A_13 = arith.constant 5 : i32
    %barrier3A = arith.constant 0 : index
    tpu.barrier barrier_id(%barrier3A)
    "tpu.region"() ({
      %run_scoped3A = tpu.sem_alloc : memref<!tpu.dma_semaphore, #tpu.memory_space<semaphore_mem>>
      %dma_start3A_77 = arith.constant 0 : i32
      %dma_start3A_78 = tpu.memref_slice %arg3[%mul3A_0, %dma_start3A_77] : memref<1280x128xi32, #tpu.memory_space<hbm>> -> memref<2x128xi32, #tpu.memory_space<hbm>>
      %dma_start3A_79 = arith.constant 0 : i32
      %dma_start3A_80 = tpu.memref_slice %arg3[%mul3A_0, %dma_start3A_79] : memref<1280x128xi32, #tpu.memory_space<hbm>> -> memref<2x128xi32, #tpu.memory_space<hbm>>
      tpu.enqueue_dma source(%dma_start3A_80 : memref<2x128xi32, #tpu.memory_space<hbm>>) target(%arg9 : memref<2x128xi32, #tpu.memory_space<vmem>>) target_semaphore(%run_scoped3A : memref<!tpu.dma_semaphore, #tpu.memory_space<semaphore_mem>>)
      %dma_wait3A_81 = arith.constant 0 : i32
      %dma_wait3A_82 = tpu.memref_slice %arg3[%mul3A_0, %dma_wait3A_81] : memref<1280x128xi32, #tpu.memory_space<hbm>> -> memref<2x128xi32, #tpu.memory_space<hbm>>
      %dma_wait3A_83 = arith.constant 0 : i32
      %dma_wait3A_84 = tpu.memref_slice %arg3[%mul3A_0, %dma_wait3A_83] : memref<1280x128xi32, #tpu.memory_space<hbm>> -> memref<2x128xi32, #tpu.memory_space<hbm>>
      tpu.wait_dma2 semaphore(%run_scoped3A : memref<!tpu.dma_semaphore, #tpu.memory_space<semaphore_mem>>) src(%dma_wait3A_84 : memref<2x128xi32, #tpu.memory_space<hbm>>) dst(%arg9 : memref<2x128xi32, #tpu.memory_space<vmem>>)
      tpu.yield
    }) : () -> ()
    %dma_start3A = arith.constant 0 : i32
    %dma_start3A_14 = arith.constant 0 : i32
    %dma_start3A_15 = tpu.memref_slice %arg9[%dma_start3A, %dma_start3A_14] : memref<2x128xi32, #tpu.memory_space<vmem>> -> memref<1x128xi32, #tpu.memory_space<vmem>>
    %dma_start3A_16 = tpu.memref_squeeze %dma_start3A_15 : memref<1x128xi32, #tpu.memory_space<vmem>> -> memref<128xi32, #tpu.memory_space<vmem>>
    %dma_start3A_17 = arith.constant 0 : i32
    %dma_start3A_18 = arith.constant 0 : i32
    %dma_start3A_19 = tpu.memref_slice %arg7[%dma_start3A_17, %dma_start3A_18] : memref<10240x64xf32, #tpu.memory_space<vmem_shared>> -> memref<10240x64xf32, #tpu.memory_space<vmem_shared>>
    tpu.enqueue_indirect_dma source(%dma_start3A_19 : memref<10240x64xf32, #tpu.memory_space<vmem_shared>>) target(%arg11 : memref<128x64xf32, #tpu.memory_space<vmem>>) offsets(%dma_start3A_16 : memref<128xi32, #tpu.memory_space<vmem>>) semaphore(%arg13 : memref<!tpu.dma_semaphore, #tpu.memory_space<semaphore_mem>>)
    %add3A_20 = arith.constant 0 : i32
    %add3A_21 = arith.addi %mul3A_0, %add3A_20 : i32
    %dma_start3A_22 = arith.constant 0 : i32
    %dma_start3A_23 = arith.constant 0 : i32
    %dma_start3A_24 = tpu.memref_slice %arg10[%dma_start3A_22, %dma_start3A_23] : memref<2x128xi32, #tpu.memory_space<vmem>> -> memref<1x128xi32, #tpu.memory_space<vmem>>
    %dma_start3A_25 = arith.constant 0 : i32
    %dma_start3A_26 = tpu.memref_slice %arg4[%add3A_21, %dma_start3A_25] : memref<1280x128xi32, #tpu.memory_space<hbm>> -> memref<1x128xi32, #tpu.memory_space<hbm>>
    %dma_start3A_27 = arith.constant 0 : i32
    %dma_start3A_28 = arith.constant 0 : i32
    %dma_start3A_29 = tpu.memref_slice %arg10[%dma_start3A_27, %dma_start3A_28] : memref<2x128xi32, #tpu.memory_space<vmem>> -> memref<1x128xi32, #tpu.memory_space<vmem>>
    %dma_start3A_30 = arith.constant 0 : i32
    %dma_start3A_31 = tpu.memref_slice %arg4[%add3A_21, %dma_start3A_30] : memref<1280x128xi32, #tpu.memory_space<hbm>> -> memref<1x128xi32, #tpu.memory_space<hbm>>
    tpu.enqueue_dma source(%dma_start3A_31 : memref<1x128xi32, #tpu.memory_space<hbm>>) target(%dma_start3A_29 : memref<1x128xi32, #tpu.memory_space<vmem>>) target_semaphore(%arg17 : memref<!tpu.dma_semaphore, #tpu.memory_space<semaphore_mem>>)
    %dma_start3A_32 = arith.constant 1 : i32
    %dma_start3A_33 = arith.constant 0 : i32
    %dma_start3A_34 = tpu.memref_slice %arg9[%dma_start3A_32, %dma_start3A_33] : memref<2x128xi32, #tpu.memory_space<vmem>> -> memref<1x128xi32, #tpu.memory_space<vmem>>
    %dma_start3A_35 = tpu.memref_squeeze %dma_start3A_34 : memref<1x128xi32, #tpu.memory_space<vmem>> -> memref<128xi32, #tpu.memory_space<vmem>>
    %dma_start3A_36 = arith.constant 0 : i32
    %dma_start3A_37 = arith.constant 0 : i32
    %dma_start3A_38 = tpu.memref_slice %arg7[%dma_start3A_36, %dma_start3A_37] : memref<10240x64xf32, #tpu.memory_space<vmem_shared>> -> memref<10240x64xf32, #tpu.memory_space<vmem_shared>>
    tpu.enqueue_indirect_dma source(%dma_start3A_38 : memref<10240x64xf32, #tpu.memory_space<vmem_shared>>) target(%arg12 : memref<128x64xf32, #tpu.memory_space<vmem>>) offsets(%dma_start3A_35 : memref<128xi32, #tpu.memory_space<vmem>>) semaphore(%arg14 : memref<!tpu.dma_semaphore, #tpu.memory_space<semaphore_mem>>)
    %add3A_39 = arith.constant 1 : i32
    %add3A_40 = arith.addi %mul3A_0, %add3A_39 : i32
    %dma_start3A_41 = arith.constant 1 : i32
    %dma_start3A_42 = arith.constant 0 : i32
    %dma_start3A_43 = tpu.memref_slice %arg10[%dma_start3A_41, %dma_start3A_42] : memref<2x128xi32, #tpu.memory_space<vmem>> -> memref<1x128xi32, #tpu.memory_space<vmem>>
    %dma_start3A_44 = arith.constant 0 : i32
    %dma_start3A_45 = tpu.memref_slice %arg4[%add3A_40, %dma_start3A_44] : memref<1280x128xi32, #tpu.memory_space<hbm>> -> memref<1x128xi32, #tpu.memory_space<hbm>>
    %dma_start3A_46 = arith.constant 1 : i32
    %dma_start3A_47 = arith.constant 0 : i32
    %dma_start3A_48 = tpu.memref_slice %arg10[%dma_start3A_46, %dma_start3A_47] : memref<2x128xi32, #tpu.memory_space<vmem>> -> memref<1x128xi32, #tpu.memory_space<vmem>>
    %dma_start3A_49 = arith.constant 0 : i32
    %dma_start3A_50 = tpu.memref_slice %arg4[%add3A_40, %dma_start3A_49] : memref<1280x128xi32, #tpu.memory_space<hbm>> -> memref<1x128xi32, #tpu.memory_space<hbm>>
    tpu.enqueue_dma source(%dma_start3A_50 : memref<1x128xi32, #tpu.memory_space<hbm>>) target(%dma_start3A_48 : memref<1x128xi32, #tpu.memory_space<vmem>>) target_semaphore(%arg18 : memref<!tpu.dma_semaphore, #tpu.memory_space<semaphore_mem>>)
    %scan3A_51 = arith.constant 0 : i32
    %scan3A_52 = arith.constant 0 : i32
    %scan3A_53 = arith.constant 40 : i32
    %scan3A_54 = arith.addi %scan3A_52, %scan3A_53 : i32
    %scan3A_55 = arith.constant 1 : i32
    scf.for %scan3A_77 = %scan3A_52 to %scan3A_54 step %scan3A_55  : i32 {
      %mul3A_78 = arith.constant 2 : i32
      %mul3A_79 = arith.muli %mul3A_78, %scan3A_77 : i32
      %add3A_80 = arith.constant 0 : i32
      %add3A_81 = arith.addi %mul3A_79, %add3A_80 : i32
      %dma_wait3A_82 = arith.constant 0 : i32
      %dma_wait3A_83 = arith.constant 0 : i32
      %dma_wait3A_84 = tpu.memref_slice %arg9[%dma_wait3A_82, %dma_wait3A_83] : memref<2x128xi32, #tpu.memory_space<vmem>> -> memref<1x128xi32, #tpu.memory_space<vmem>>
      %dma_wait3A_85 = tpu.memref_squeeze %dma_wait3A_84 : memref<1x128xi32, #tpu.memory_space<vmem>> -> memref<128xi32, #tpu.memory_space<vmem>>
      %dma_wait3A_86 = arith.constant 0 : i32
      %dma_wait3A_87 = arith.constant 0 : i32
      %dma_wait3A_88 = tpu.memref_slice %arg7[%dma_wait3A_86, %dma_wait3A_87] : memref<10240x64xf32, #tpu.memory_space<vmem_shared>> -> memref<10240x64xf32, #tpu.memory_space<vmem_shared>>
      tpu.wait_indirect_dma semaphore(%arg13 : memref<!tpu.dma_semaphore, #tpu.memory_space<semaphore_mem>>) src(%dma_wait3A_88 : memref<10240x64xf32, #tpu.memory_space<vmem_shared>>) dst(%arg11 : memref<128x64xf32, #tpu.memory_space<vmem>>)
      %add3A_89 = arith.constant 2 : i32
      %add3A_90 = arith.addi %add3A_81, %add3A_89 : i32
      %lt3A = arith.constant 80 : i32
      %lt3A_91 = arith.cmpi slt, %add3A_90, %lt3A : i32
      %convert_element_type3A = arith.extui %lt3A_91 : i1 to i32
      %cond3A = arith.constant 0 : i32
      %cond3A_92 = arith.cmpi ne, %convert_element_type3A, %cond3A : i32
      scf.if %cond3A_92 {
        %add3A_161 = arith.constant 2 : i32
        %add3A_162 = arith.addi %add3A_81, %add3A_161 : i32
        %add3A_163 = arith.addi %mul3A_0, %add3A_162 : i32
        %dma_start3A_164 = arith.constant 0 : i32
        %dma_start3A_165 = arith.constant 0 : i32
        %dma_start3A_166 = tpu.memref_slice %arg9[%dma_start3A_164, %dma_start3A_165] : memref<2x128xi32, #tpu.memory_space<vmem>> -> memref<1x128xi32, #tpu.memory_space<vmem>>
        %dma_start3A_167 = arith.constant 0 : i32
        %dma_start3A_168 = tpu.memref_slice %arg3[%add3A_163, %dma_start3A_167] : memref<1280x128xi32, #tpu.memory_space<hbm>> -> memref<1x128xi32, #tpu.memory_space<hbm>>
        %dma_start3A_169 = arith.constant 0 : i32
        %dma_start3A_170 = arith.constant 0 : i32
        %dma_start3A_171 = tpu.memref_slice %arg9[%dma_start3A_169, %dma_start3A_170] : memref<2x128xi32, #tpu.memory_space<vmem>> -> memref<1x128xi32, #tpu.memory_space<vmem>>
        %dma_start3A_172 = arith.constant 0 : i32
        %dma_start3A_173 = tpu.memref_slice %arg3[%add3A_163, %dma_start3A_172] : memref<1280x128xi32, #tpu.memory_space<hbm>> -> memref<1x128xi32, #tpu.memory_space<hbm>>
        tpu.enqueue_dma source(%dma_start3A_173 : memref<1x128xi32, #tpu.memory_space<hbm>>) target(%dma_start3A_171 : memref<1x128xi32, #tpu.memory_space<vmem>>) target_semaphore(%arg15 : memref<!tpu.dma_semaphore, #tpu.memory_space<semaphore_mem>>)
      } else {
      }
      %dma_wait3A_93 = arith.constant 0 : i32
      %dma_wait3A_94 = arith.constant 0 : i32
      %dma_wait3A_95 = tpu.memref_slice %arg10[%dma_wait3A_93, %dma_wait3A_94] : memref<2x128xi32, #tpu.memory_space<vmem>> -> memref<1x128xi32, #tpu.memory_space<vmem>>
      %dma_wait3A_96 = arith.constant 0 : i32
      %dma_wait3A_97 = tpu.memref_slice %arg4[%mul3A_0, %dma_wait3A_96] : memref<1280x128xi32, #tpu.memory_space<hbm>> -> memref<1x128xi32, #tpu.memory_space<hbm>>
      %dma_wait3A_98 = arith.constant 0 : i32
      %dma_wait3A_99 = arith.constant 0 : i32
      %dma_wait3A_100 = tpu.memref_slice %arg10[%dma_wait3A_98, %dma_wait3A_99] : memref<2x128xi32, #tpu.memory_space<vmem>> -> memref<1x128xi32, #tpu.memory_space<vmem>>
      %dma_wait3A_101 = arith.constant 0 : i32
      %dma_wait3A_102 = tpu.memref_slice %arg4[%mul3A_0, %dma_wait3A_101] : memref<1280x128xi32, #tpu.memory_space<hbm>> -> memref<1x128xi32, #tpu.memory_space<hbm>>
      tpu.wait_dma2 semaphore(%arg17 : memref<!tpu.dma_semaphore, #tpu.memory_space<semaphore_mem>>) src(%dma_wait3A_102 : memref<1x128xi32, #tpu.memory_space<hbm>>) dst(%dma_wait3A_100 : memref<1x128xi32, #tpu.memory_space<vmem>>)
      %dma_start3A_103 = arith.constant 0 : i32
      %dma_start3A_104 = arith.constant 0 : i32
      %dma_start3A_105 = tpu.memref_slice %arg10[%dma_start3A_103, %dma_start3A_104] : memref<2x128xi32, #tpu.memory_space<vmem>> -> memref<1x128xi32, #tpu.memory_space<vmem>>
      %dma_start3A_106 = tpu.memref_squeeze %dma_start3A_105 : memref<1x128xi32, #tpu.memory_space<vmem>> -> memref<128xi32, #tpu.memory_space<vmem>>
      %dma_start3A_107 = arith.constant 0 : i32
      %dma_start3A_108 = arith.constant 0 : i32
      %dma_start3A_109 = tpu.memref_slice %arg8[%dma_start3A_107, %dma_start3A_108] : memref<10240x64xf32, #tpu.memory_space<vmem_shared>> -> memref<10240x64xf32, #tpu.memory_space<vmem_shared>>
      tpu.enqueue_indirect_dma source(%arg11 : memref<128x64xf32, #tpu.memory_space<vmem>>) target(%dma_start3A_109 : memref<10240x64xf32, #tpu.memory_space<vmem_shared>>) offsets(%dma_start3A_106 : memref<128xi32, #tpu.memory_space<vmem>>) semaphore(%arg19 : memref<!tpu.dma_semaphore, #tpu.memory_space<semaphore_mem>>) {add = true}
      %add3A_110 = arith.constant 1 : i32
      %add3A_111 = arith.addi %mul3A_79, %add3A_110 : i32
      %dma_wait3A_112 = arith.constant 1 : i32
      %dma_wait3A_113 = arith.constant 0 : i32
      %dma_wait3A_114 = tpu.memref_slice %arg9[%dma_wait3A_112, %dma_wait3A_113] : memref<2x128xi32, #tpu.memory_space<vmem>> -> memref<1x128xi32, #tpu.memory_space<vmem>>
      %dma_wait3A_115 = tpu.memref_squeeze %dma_wait3A_114 : memref<1x128xi32, #tpu.memory_space<vmem>> -> memref<128xi32, #tpu.memory_space<vmem>>
      %dma_wait3A_116 = arith.constant 0 : i32
      %dma_wait3A_117 = arith.constant 0 : i32
      %dma_wait3A_118 = tpu.memref_slice %arg7[%dma_wait3A_116, %dma_wait3A_117] : memref<10240x64xf32, #tpu.memory_space<vmem_shared>> -> memref<10240x64xf32, #tpu.memory_space<vmem_shared>>
      tpu.wait_indirect_dma semaphore(%arg14 : memref<!tpu.dma_semaphore, #tpu.memory_space<semaphore_mem>>) src(%dma_wait3A_118 : memref<10240x64xf32, #tpu.memory_space<vmem_shared>>) dst(%arg12 : memref<128x64xf32, #tpu.memory_space<vmem>>)
      %add3A_119 = arith.constant 2 : i32
      %add3A_120 = arith.addi %add3A_111, %add3A_119 : i32
      %lt3A_121 = arith.constant 80 : i32
      %lt3A_122 = arith.cmpi slt, %add3A_120, %lt3A_121 : i32
      %convert_element_type3A_123 = arith.extui %lt3A_122 : i1 to i32
      %cond3A_124 = arith.constant 0 : i32
      %cond3A_125 = arith.cmpi ne, %convert_element_type3A_123, %cond3A_124 : i32
      scf.if %cond3A_125 {
        %add3A_161 = arith.constant 2 : i32
        %add3A_162 = arith.addi %add3A_111, %add3A_161 : i32
        %add3A_163 = arith.addi %mul3A_0, %add3A_162 : i32
        %dma_start3A_164 = arith.constant 1 : i32
        %dma_start3A_165 = arith.constant 0 : i32
        %dma_start3A_166 = tpu.memref_slice %arg9[%dma_start3A_164, %dma_start3A_165] : memref<2x128xi32, #tpu.memory_space<vmem>> -> memref<1x128xi32, #tpu.memory_space<vmem>>
        %dma_start3A_167 = arith.constant 0 : i32
        %dma_start3A_168 = tpu.memref_slice %arg3[%add3A_163, %dma_start3A_167] : memref<1280x128xi32, #tpu.memory_space<hbm>> -> memref<1x128xi32, #tpu.memory_space<hbm>>
        %dma_start3A_169 = arith.constant 1 : i32
        %dma_start3A_170 = arith.constant 0 : i32
        %dma_start3A_171 = tpu.memref_slice %arg9[%dma_start3A_169, %dma_start3A_170] : memref<2x128xi32, #tpu.memory_space<vmem>> -> memref<1x128xi32, #tpu.memory_space<vmem>>
        %dma_start3A_172 = arith.constant 0 : i32
        %dma_start3A_173 = tpu.memref_slice %arg3[%add3A_163, %dma_start3A_172] : memref<1280x128xi32, #tpu.memory_space<hbm>> -> memref<1x128xi32, #tpu.memory_space<hbm>>
        tpu.enqueue_dma source(%dma_start3A_173 : memref<1x128xi32, #tpu.memory_space<hbm>>) target(%dma_start3A_171 : memref<1x128xi32, #tpu.memory_space<vmem>>) target_semaphore(%arg16 : memref<!tpu.dma_semaphore, #tpu.memory_space<semaphore_mem>>)
      } else {
      }
      %dma_wait3A_126 = arith.constant 1 : i32
      %dma_wait3A_127 = arith.constant 0 : i32
      %dma_wait3A_128 = tpu.memref_slice %arg10[%dma_wait3A_126, %dma_wait3A_127] : memref<2x128xi32, #tpu.memory_space<vmem>> -> memref<1x128xi32, #tpu.memory_space<vmem>>
      %dma_wait3A_129 = arith.constant 0 : i32
      %dma_wait3A_130 = tpu.memref_slice %arg4[%mul3A_0, %dma_wait3A_129] : memref<1280x128xi32, #tpu.memory_space<hbm>> -> memref<1x128xi32, #tpu.memory_space<hbm>>
      %dma_wait3A_131 = arith.constant 1 : i32
      %dma_wait3A_132 = arith.constant 0 : i32
      %dma_wait3A_133 = tpu.memref_slice %arg10[%dma_wait3A_131, %dma_wait3A_132] : memref<2x128xi32, #tpu.memory_space<vmem>> -> memref<1x128xi32, #tpu.memory_space<vmem>>
      %dma_wait3A_134 = arith.constant 0 : i32
      %dma_wait3A_135 = tpu.memref_slice %arg4[%mul3A_0, %dma_wait3A_134] : memref<1280x128xi32, #tpu.memory_space<hbm>> -> memref<1x128xi32, #tpu.memory_space<hbm>>
      tpu.wait_dma2 semaphore(%arg18 : memref<!tpu.dma_semaphore, #tpu.memory_space<semaphore_mem>>) src(%dma_wait3A_135 : memref<1x128xi32, #tpu.memory_space<hbm>>) dst(%dma_wait3A_133 : memref<1x128xi32, #tpu.memory_space<vmem>>)
      %dma_start3A_136 = arith.constant 1 : i32
      %dma_start3A_137 = arith.constant 0 : i32
      %dma_start3A_138 = tpu.memref_slice %arg10[%dma_start3A_136, %dma_start3A_137] : memref<2x128xi32, #tpu.memory_space<vmem>> -> memref<1x128xi32, #tpu.memory_space<vmem>>
      %dma_start3A_139 = tpu.memref_squeeze %dma_start3A_138 : memref<1x128xi32, #tpu.memory_space<vmem>> -> memref<128xi32, #tpu.memory_space<vmem>>
      %dma_start3A_140 = arith.constant 0 : i32
      %dma_start3A_141 = arith.constant 0 : i32
      %dma_start3A_142 = tpu.memref_slice %arg8[%dma_start3A_140, %dma_start3A_141] : memref<10240x64xf32, #tpu.memory_space<vmem_shared>> -> memref<10240x64xf32, #tpu.memory_space<vmem_shared>>
      tpu.enqueue_indirect_dma source(%arg12 : memref<128x64xf32, #tpu.memory_space<vmem>>) target(%dma_start3A_142 : memref<10240x64xf32, #tpu.memory_space<vmem_shared>>) offsets(%dma_start3A_139 : memref<128xi32, #tpu.memory_space<vmem>>) semaphore(%arg20 : memref<!tpu.dma_semaphore, #tpu.memory_space<semaphore_mem>>) {add = true}
      %add3A_143 = arith.constant 0 : i32
      %add3A_144 = arith.addi %mul3A_79, %add3A_143 : i32
      %add3A_145 = arith.constant 2 : i32
      %add3A_146 = arith.addi %add3A_144, %add3A_145 : i32
      %lt3A_147 = arith.constant 80 : i32
      %lt3A_148 = arith.cmpi slt, %add3A_146, %lt3A_147 : i32
      %convert_element_type3A_149 = arith.extui %lt3A_148 : i1 to i32
      %cond3A_150 = arith.constant 0 : i32
      %cond3A_151 = arith.cmpi ne, %convert_element_type3A_149, %cond3A_150 : i32
      scf.if %cond3A_151 {
        %dma_wait3A_161 = arith.constant 0 : i32
        %dma_wait3A_162 = arith.constant 0 : i32
        %dma_wait3A_163 = tpu.memref_slice %arg10[%dma_wait3A_161, %dma_wait3A_162] : memref<2x128xi32, #tpu.memory_space<vmem>> -> memref<1x128xi32, #tpu.memory_space<vmem>>
        %dma_wait3A_164 = tpu.memref_squeeze %dma_wait3A_163 : memref<1x128xi32, #tpu.memory_space<vmem>> -> memref<128xi32, #tpu.memory_space<vmem>>
        %dma_wait3A_165 = arith.constant 0 : i32
        %dma_wait3A_166 = arith.constant 0 : i32
        %dma_wait3A_167 = tpu.memref_slice %arg8[%dma_wait3A_165, %dma_wait3A_166] : memref<10240x64xf32, #tpu.memory_space<vmem_shared>> -> memref<10240x64xf32, #tpu.memory_space<vmem_shared>>
        tpu.wait_indirect_dma semaphore(%arg19 : memref<!tpu.dma_semaphore, #tpu.memory_space<semaphore_mem>>) src(%arg11 : memref<128x64xf32, #tpu.memory_space<vmem>>) dst(%dma_wait3A_167 : memref<10240x64xf32, #tpu.memory_space<vmem_shared>>)
        %add3A_168 = arith.constant 2 : i32
        %add3A_169 = arith.addi %add3A_144, %add3A_168 : i32
        %add3A_170 = arith.addi %mul3A_0, %add3A_169 : i32
        %dma_start3A_171 = arith.constant 0 : i32
        %dma_start3A_172 = arith.constant 0 : i32
        %dma_start3A_173 = tpu.memref_slice %arg10[%dma_start3A_171, %dma_start3A_172] : memref<2x128xi32, #tpu.memory_space<vmem>> -> memref<1x128xi32, #tpu.memory_space<vmem>>
        %dma_start3A_174 = arith.constant 0 : i32
        %dma_start3A_175 = tpu.memref_slice %arg4[%add3A_170, %dma_start3A_174] : memref<1280x128xi32, #tpu.memory_space<hbm>> -> memref<1x128xi32, #tpu.memory_space<hbm>>
        %dma_start3A_176 = arith.constant 0 : i32
        %dma_start3A_177 = arith.constant 0 : i32
        %dma_start3A_178 = tpu.memref_slice %arg10[%dma_start3A_176, %dma_start3A_177] : memref<2x128xi32, #tpu.memory_space<vmem>> -> memref<1x128xi32, #tpu.memory_space<vmem>>
        %dma_start3A_179 = arith.constant 0 : i32
        %dma_start3A_180 = tpu.memref_slice %arg4[%add3A_170, %dma_start3A_179] : memref<1280x128xi32, #tpu.memory_space<hbm>> -> memref<1x128xi32, #tpu.memory_space<hbm>>
        tpu.enqueue_dma source(%dma_start3A_180 : memref<1x128xi32, #tpu.memory_space<hbm>>) target(%dma_start3A_178 : memref<1x128xi32, #tpu.memory_space<vmem>>) target_semaphore(%arg17 : memref<!tpu.dma_semaphore, #tpu.memory_space<semaphore_mem>>)
        %dma_wait3A_181 = arith.constant 0 : i32
        %dma_wait3A_182 = arith.constant 0 : i32
        %dma_wait3A_183 = tpu.memref_slice %arg9[%dma_wait3A_181, %dma_wait3A_182] : memref<2x128xi32, #tpu.memory_space<vmem>> -> memref<1x128xi32, #tpu.memory_space<vmem>>
        %dma_wait3A_184 = arith.constant 0 : i32
        %dma_wait3A_185 = tpu.memref_slice %arg3[%mul3A_0, %dma_wait3A_184] : memref<1280x128xi32, #tpu.memory_space<hbm>> -> memref<1x128xi32, #tpu.memory_space<hbm>>
        %dma_wait3A_186 = arith.constant 0 : i32
        %dma_wait3A_187 = arith.constant 0 : i32
        %dma_wait3A_188 = tpu.memref_slice %arg9[%dma_wait3A_186, %dma_wait3A_187] : memref<2x128xi32, #tpu.memory_space<vmem>> -> memref<1x128xi32, #tpu.memory_space<vmem>>
        %dma_wait3A_189 = arith.constant 0 : i32
        %dma_wait3A_190 = tpu.memref_slice %arg3[%mul3A_0, %dma_wait3A_189] : memref<1280x128xi32, #tpu.memory_space<hbm>> -> memref<1x128xi32, #tpu.memory_space<hbm>>
        tpu.wait_dma2 semaphore(%arg15 : memref<!tpu.dma_semaphore, #tpu.memory_space<semaphore_mem>>) src(%dma_wait3A_190 : memref<1x128xi32, #tpu.memory_space<hbm>>) dst(%dma_wait3A_188 : memref<1x128xi32, #tpu.memory_space<vmem>>)
        %dma_start3A_191 = arith.constant 0 : i32
        %dma_start3A_192 = arith.constant 0 : i32
        %dma_start3A_193 = tpu.memref_slice %arg9[%dma_start3A_191, %dma_start3A_192] : memref<2x128xi32, #tpu.memory_space<vmem>> -> memref<1x128xi32, #tpu.memory_space<vmem>>
        %dma_start3A_194 = tpu.memref_squeeze %dma_start3A_193 : memref<1x128xi32, #tpu.memory_space<vmem>> -> memref<128xi32, #tpu.memory_space<vmem>>
        %dma_start3A_195 = arith.constant 0 : i32
        %dma_start3A_196 = arith.constant 0 : i32
        %dma_start3A_197 = tpu.memref_slice %arg7[%dma_start3A_195, %dma_start3A_196] : memref<10240x64xf32, #tpu.memory_space<vmem_shared>> -> memref<10240x64xf32, #tpu.memory_space<vmem_shared>>
        tpu.enqueue_indirect_dma source(%dma_start3A_197 : memref<10240x64xf32, #tpu.memory_space<vmem_shared>>) target(%arg11 : memref<128x64xf32, #tpu.memory_space<vmem>>) offsets(%dma_start3A_194 : memref<128xi32, #tpu.memory_space<vmem>>) semaphore(%arg13 : memref<!tpu.dma_semaphore, #tpu.memory_space<semaphore_mem>>)
      } else {
      }
      %add3A_152 = arith.constant 1 : i32
      %add3A_153 = arith.addi %mul3A_79, %add3A_152 : i32
      %add3A_154 = arith.constant 2 : i32
      %add3A_155 = arith.addi %add3A_153, %add3A_154 : i32
      %lt3A_156 = arith.constant 80 : i32
      %lt3A_157 = arith.cmpi slt, %add3A_155, %lt3A_156 : i32
      %convert_element_type3A_158 = arith.extui %lt3A_157 : i1 to i32
      %cond3A_159 = arith.constant 0 : i32
      %cond3A_160 = arith.cmpi ne, %convert_element_type3A_158, %cond3A_159 : i32
      scf.if %cond3A_160 {
        %dma_wait3A_161 = arith.constant 1 : i32
        %dma_wait3A_162 = arith.constant 0 : i32
        %dma_wait3A_163 = tpu.memref_slice %arg10[%dma_wait3A_161, %dma_wait3A_162] : memref<2x128xi32, #tpu.memory_space<vmem>> -> memref<1x128xi32, #tpu.memory_space<vmem>>
        %dma_wait3A_164 = tpu.memref_squeeze %dma_wait3A_163 : memref<1x128xi32, #tpu.memory_space<vmem>> -> memref<128xi32, #tpu.memory_space<vmem>>
        %dma_wait3A_165 = arith.constant 0 : i32
        %dma_wait3A_166 = arith.constant 0 : i32
        %dma_wait3A_167 = tpu.memref_slice %arg8[%dma_wait3A_165, %dma_wait3A_166] : memref<10240x64xf32, #tpu.memory_space<vmem_shared>> -> memref<10240x64xf32, #tpu.memory_space<vmem_shared>>
        tpu.wait_indirect_dma semaphore(%arg20 : memref<!tpu.dma_semaphore, #tpu.memory_space<semaphore_mem>>) src(%arg12 : memref<128x64xf32, #tpu.memory_space<vmem>>) dst(%dma_wait3A_167 : memref<10240x64xf32, #tpu.memory_space<vmem_shared>>)
        %add3A_168 = arith.constant 2 : i32
        %add3A_169 = arith.addi %add3A_153, %add3A_168 : i32
        %add3A_170 = arith.addi %mul3A_0, %add3A_169 : i32
        %dma_start3A_171 = arith.constant 1 : i32
        %dma_start3A_172 = arith.constant 0 : i32
        %dma_start3A_173 = tpu.memref_slice %arg10[%dma_start3A_171, %dma_start3A_172] : memref<2x128xi32, #tpu.memory_space<vmem>> -> memref<1x128xi32, #tpu.memory_space<vmem>>
        %dma_start3A_174 = arith.constant 0 : i32
        %dma_start3A_175 = tpu.memref_slice %arg4[%add3A_170, %dma_start3A_174] : memref<1280x128xi32, #tpu.memory_space<hbm>> -> memref<1x128xi32, #tpu.memory_space<hbm>>
        %dma_start3A_176 = arith.constant 1 : i32
        %dma_start3A_177 = arith.constant 0 : i32
        %dma_start3A_178 = tpu.memref_slice %arg10[%dma_start3A_176, %dma_start3A_177] : memref<2x128xi32, #tpu.memory_space<vmem>> -> memref<1x128xi32, #tpu.memory_space<vmem>>
        %dma_start3A_179 = arith.constant 0 : i32
        %dma_start3A_180 = tpu.memref_slice %arg4[%add3A_170, %dma_start3A_179] : memref<1280x128xi32, #tpu.memory_space<hbm>> -> memref<1x128xi32, #tpu.memory_space<hbm>>
        tpu.enqueue_dma source(%dma_start3A_180 : memref<1x128xi32, #tpu.memory_space<hbm>>) target(%dma_start3A_178 : memref<1x128xi32, #tpu.memory_space<vmem>>) target_semaphore(%arg18 : memref<!tpu.dma_semaphore, #tpu.memory_space<semaphore_mem>>)
        %dma_wait3A_181 = arith.constant 1 : i32
        %dma_wait3A_182 = arith.constant 0 : i32
        %dma_wait3A_183 = tpu.memref_slice %arg9[%dma_wait3A_181, %dma_wait3A_182] : memref<2x128xi32, #tpu.memory_space<vmem>> -> memref<1x128xi32, #tpu.memory_space<vmem>>
        %dma_wait3A_184 = arith.constant 0 : i32
        %dma_wait3A_185 = tpu.memref_slice %arg3[%mul3A_0, %dma_wait3A_184] : memref<1280x128xi32, #tpu.memory_space<hbm>> -> memref<1x128xi32, #tpu.memory_space<hbm>>
        %dma_wait3A_186 = arith.constant 1 : i32
        %dma_wait3A_187 = arith.constant 0 : i32
        %dma_wait3A_188 = tpu.memref_slice %arg9[%dma_wait3A_186, %dma_wait3A_187] : memref<2x128xi32, #tpu.memory_space<vmem>> -> memref<1x128xi32, #tpu.memory_space<vmem>>
        %dma_wait3A_189 = arith.constant 0 : i32
        %dma_wait3A_190 = tpu.memref_slice %arg3[%mul3A_0, %dma_wait3A_189] : memref<1280x128xi32, #tpu.memory_space<hbm>> -> memref<1x128xi32, #tpu.memory_space<hbm>>
        tpu.wait_dma2 semaphore(%arg16 : memref<!tpu.dma_semaphore, #tpu.memory_space<semaphore_mem>>) src(%dma_wait3A_190 : memref<1x128xi32, #tpu.memory_space<hbm>>) dst(%dma_wait3A_188 : memref<1x128xi32, #tpu.memory_space<vmem>>)
        %dma_start3A_191 = arith.constant 1 : i32
        %dma_start3A_192 = arith.constant 0 : i32
        %dma_start3A_193 = tpu.memref_slice %arg9[%dma_start3A_191, %dma_start3A_192] : memref<2x128xi32, #tpu.memory_space<vmem>> -> memref<1x128xi32, #tpu.memory_space<vmem>>
        %dma_start3A_194 = tpu.memref_squeeze %dma_start3A_193 : memref<1x128xi32, #tpu.memory_space<vmem>> -> memref<128xi32, #tpu.memory_space<vmem>>
        %dma_start3A_195 = arith.constant 0 : i32
        %dma_start3A_196 = arith.constant 0 : i32
        %dma_start3A_197 = tpu.memref_slice %arg7[%dma_start3A_195, %dma_start3A_196] : memref<10240x64xf32, #tpu.memory_space<vmem_shared>> -> memref<10240x64xf32, #tpu.memory_space<vmem_shared>>
        tpu.enqueue_indirect_dma source(%dma_start3A_197 : memref<10240x64xf32, #tpu.memory_space<vmem_shared>>) target(%arg12 : memref<128x64xf32, #tpu.memory_space<vmem>>) offsets(%dma_start3A_194 : memref<128xi32, #tpu.memory_space<vmem>>) semaphore(%arg14 : memref<!tpu.dma_semaphore, #tpu.memory_space<semaphore_mem>>)
      } else {
      }
    }
    %scan3A_56 = arith.constant 40 : i32
    %dma_wait3A = arith.constant 0 : i32
    %dma_wait3A_57 = arith.constant 0 : i32
    %dma_wait3A_58 = tpu.memref_slice %arg10[%dma_wait3A, %dma_wait3A_57] : memref<2x128xi32, #tpu.memory_space<vmem>> -> memref<1x128xi32, #tpu.memory_space<vmem>>
    %dma_wait3A_59 = tpu.memref_squeeze %dma_wait3A_58 : memref<1x128xi32, #tpu.memory_space<vmem>> -> memref<128xi32, #tpu.memory_space<vmem>>
    %dma_wait3A_60 = arith.constant 0 : i32
    %dma_wait3A_61 = arith.constant 0 : i32
    %dma_wait3A_62 = tpu.memref_slice %arg8[%dma_wait3A_60, %dma_wait3A_61] : memref<10240x64xf32, #tpu.memory_space<vmem_shared>> -> memref<10240x64xf32, #tpu.memory_space<vmem_shared>>
    tpu.wait_indirect_dma semaphore(%arg19 : memref<!tpu.dma_semaphore, #tpu.memory_space<semaphore_mem>>) src(%arg11 : memref<128x64xf32, #tpu.memory_space<vmem>>) dst(%dma_wait3A_62 : memref<10240x64xf32, #tpu.memory_space<vmem_shared>>)
    %dma_wait3A_63 = arith.constant 1 : i32
    %dma_wait3A_64 = arith.constant 0 : i32
    %dma_wait3A_65 = tpu.memref_slice %arg10[%dma_wait3A_63, %dma_wait3A_64] : memref<2x128xi32, #tpu.memory_space<vmem>> -> memref<1x128xi32, #tpu.memory_space<vmem>>
    %dma_wait3A_66 = tpu.memref_squeeze %dma_wait3A_65 : memref<1x128xi32, #tpu.memory_space<vmem>> -> memref<128xi32, #tpu.memory_space<vmem>>
    %dma_wait3A_67 = arith.constant 0 : i32
    %dma_wait3A_68 = arith.constant 0 : i32
    %dma_wait3A_69 = tpu.memref_slice %arg8[%dma_wait3A_67, %dma_wait3A_68] : memref<10240x64xf32, #tpu.memory_space<vmem_shared>> -> memref<10240x64xf32, #tpu.memory_space<vmem_shared>>
    tpu.wait_indirect_dma semaphore(%arg20 : memref<!tpu.dma_semaphore, #tpu.memory_space<semaphore_mem>>) src(%arg12 : memref<128x64xf32, #tpu.memory_space<vmem>>) dst(%dma_wait3A_69 : memref<10240x64xf32, #tpu.memory_space<vmem_shared>>)
    %barrier3A_70 = arith.constant 0 : index
    tpu.barrier barrier_id(%barrier3A_70)
    %scan3A_71 = arith.constant 0 : i32
    %scan3A_72 = arith.constant 0 : i32
    %scan3A_73 = arith.constant 5 : i32
    %scan3A_74 = arith.addi %scan3A_72, %scan3A_73 : i32
    %scan3A_75 = arith.constant 1 : i32
    scf.for %scan3A_77 = %scan3A_72 to %scan3A_74 step %scan3A_75  : i32 {
      %mul3A_78 = arith.constant 128 : i32
      %mul3A_79 = arith.muli %scan3A_77, %mul3A_78 : i32
      %add3A_80 = arith.addi %mul3A_2, %mul3A_79 : i32
      "tpu.region"() ({
        %run_scoped3A = tpu.sem_alloc : memref<!tpu.dma_semaphore, #tpu.memory_space<semaphore_mem>>
        %dma_start3A_87 = arith.constant 0 : i32
        %dma_start3A_88 = tpu.memref_slice %arg8[%add3A_80, %dma_start3A_87] : memref<10240x64xf32, #tpu.memory_space<vmem_shared>> -> memref<128x64xf32, #tpu.memory_space<vmem_shared>>
        %dma_start3A_89 = arith.constant 0 : i32
        %dma_start3A_90 = tpu.memref_slice %arg8[%add3A_80, %dma_start3A_89] : memref<10240x64xf32, #tpu.memory_space<vmem_shared>> -> memref<128x64xf32, #tpu.memory_space<vmem_shared>>
        tpu.enqueue_dma source(%dma_start3A_90 : memref<128x64xf32, #tpu.memory_space<vmem_shared>>) target(%arg11 : memref<128x64xf32, #tpu.memory_space<vmem>>) target_semaphore(%run_scoped3A : memref<!tpu.dma_semaphore, #tpu.memory_space<semaphore_mem>>)
        %dma_wait3A_91 = arith.constant 0 : i32
        %dma_wait3A_92 = tpu.memref_slice %arg8[%add3A_80, %dma_wait3A_91] : memref<10240x64xf32, #tpu.memory_space<vmem_shared>> -> memref<128x64xf32, #tpu.memory_space<vmem_shared>>
        %dma_wait3A_93 = arith.constant 0 : i32
        %dma_wait3A_94 = tpu.memref_slice %arg8[%add3A_80, %dma_wait3A_93] : memref<10240x64xf32, #tpu.memory_space<vmem_shared>> -> memref<128x64xf32, #tpu.memory_space<vmem_shared>>
        tpu.wait_dma2 semaphore(%run_scoped3A : memref<!tpu.dma_semaphore, #tpu.memory_space<semaphore_mem>>) src(%dma_wait3A_94 : memref<128x64xf32, #tpu.memory_space<vmem_shared>>) dst(%arg11 : memref<128x64xf32, #tpu.memory_space<vmem>>)
        tpu.yield
      }) : () -> ()
      %mul3A_81 = arith.constant 10240 : i32
      %mul3A_82 = arith.muli %add3A_5, %mul3A_81 : i32
      %add3A_83 = arith.addi %mul3A_82, %mul3A_2 : i32
      %mul3A_84 = arith.constant 128 : i32
      %mul3A_85 = arith.muli %scan3A_77, %mul3A_84 : i32
      %add3A_86 = arith.addi %add3A_83, %mul3A_85 : i32
      "tpu.region"() ({
        %run_scoped3A = tpu.sem_alloc : memref<!tpu.dma_semaphore, #tpu.memory_space<semaphore_mem>>
        %dma_start3A_87 = arith.constant 0 : i32
        %dma_start3A_88 = tpu.memref_slice %arg6[%add3A_86, %dma_start3A_87] : memref<20480x64xf32, #tpu.memory_space<hbm>> -> memref<128x64xf32, #tpu.memory_space<hbm>>
        %dma_start3A_89 = arith.constant 0 : i32
        %dma_start3A_90 = tpu.memref_slice %arg6[%add3A_86, %dma_start3A_89] : memref<20480x64xf32, #tpu.memory_space<hbm>> -> memref<128x64xf32, #tpu.memory_space<hbm>>
        tpu.enqueue_dma source(%arg11 : memref<128x64xf32, #tpu.memory_space<vmem>>) target(%dma_start3A_90 : memref<128x64xf32, #tpu.memory_space<hbm>>) target_semaphore(%run_scoped3A : memref<!tpu.dma_semaphore, #tpu.memory_space<semaphore_mem>>)
        %dma_wait3A_91 = arith.constant 0 : i32
        %dma_wait3A_92 = tpu.memref_slice %arg6[%add3A_86, %dma_wait3A_91] : memref<20480x64xf32, #tpu.memory_space<hbm>> -> memref<128x64xf32, #tpu.memory_space<hbm>>
        %dma_wait3A_93 = arith.constant 0 : i32
        %dma_wait3A_94 = tpu.memref_slice %arg6[%add3A_86, %dma_wait3A_93] : memref<20480x64xf32, #tpu.memory_space<hbm>> -> memref<128x64xf32, #tpu.memory_space<hbm>>
        tpu.wait_dma2 semaphore(%run_scoped3A : memref<!tpu.dma_semaphore, #tpu.memory_space<semaphore_mem>>) src(%arg11 : memref<128x64xf32, #tpu.memory_space<vmem>>) dst(%dma_wait3A_94 : memref<128x64xf32, #tpu.memory_space<hbm>>)
        tpu.yield
      }) : () -> ()
    }
    %scan3A_76 = arith.constant 5 : i32
    return
  }
}

#map = affine_map<(d0, d1) -> (0, 0)>
module attributes {stable_mosaic.version = 14 : i64} {
  func.func @_scatter_body(%arg0: i32, %arg1: i32, %arg2: memref<40960x64xf32, #tpu.memory_space<hbm>>, %arg3: memref<1280x128xi32, #tpu.memory_space<hbm>>, %arg4: memref<1280x128xi32, #tpu.memory_space<hbm>>, %arg5: memref<128x64xf32, #tpu.memory_space<hbm>>, %arg6: memref<40960x64xf32, #tpu.memory_space<hbm>>, %arg7: memref<10240x64xf32, #tpu.memory_space<vmem_shared>>, %arg8: memref<10240x64xf32, #tpu.memory_space<vmem_shared>>, %arg9: memref<2x128xi32, #tpu.memory_space<vmem>>, %arg10: memref<2x128xi32, #tpu.memory_space<vmem>>, %arg11: memref<128x64xf32, #tpu.memory_space<vmem>>, %arg12: memref<128x64xf32, #tpu.memory_space<vmem>>, %arg13: memref<!tpu.dma_semaphore, #tpu.memory_space<semaphore_mem>>, %arg14: memref<!tpu.dma_semaphore, #tpu.memory_space<semaphore_mem>>, %arg15: memref<!tpu.dma_semaphore, #tpu.memory_space<semaphore_mem>>, %arg16: memref<!tpu.dma_semaphore, #tpu.memory_space<semaphore_mem>>, %arg17: memref<!tpu.dma_semaphore, #tpu.memory_space<semaphore_mem>>, %arg18: memref<!tpu.dma_semaphore, #tpu.memory_space<semaphore_mem>>, %arg19: memref<!tpu.dma_semaphore, #tpu.memory_space<semaphore_mem>>, %arg20: memref<!tpu.dma_semaphore, #tpu.memory_space<semaphore_mem>>) attributes {dimension_semantics = [#tpu.dimension_semantics<core_parallel>, #tpu.dimension_semantics<subcore_parallel>], iteration_bounds = array<i64: 2, 16>, scalar_prefetch = 0 : i64, scratch_operands = 14 : i64, tpu.core_type = #tpu.core_type<sc_vector_subcore>, window_params = [{transform_indices = #map}, {transform_indices = #map}, {transform_indices = #map}, {transform_indices = #map}, {transform_indices = #map}]} {
    %mul3A = arith.constant 80 : i32
    %mul3A_0 = arith.muli %arg1, %mul3A : i32
    %mul3A_1 = arith.constant 640 : i32
    %mul3A_2 = arith.muli %arg1, %mul3A_1 : i32
    %mul3A_3 = arith.constant 2 : i32
    %mul3A_4 = arith.muli %mul3A_3, %arg0 : i32
    %add3A = arith.constant 0 : i32
    %add3A_5 = arith.addi %mul3A_4, %add3A : i32
    %mul3A_6 = arith.constant 10240 : i32
    %mul3A_7 = arith.muli %add3A_5, %mul3A_6 : i32
    %add3A_8 = arith.addi %mul3A_7, %mul3A_2 : i32
    "tpu.region"() ({
      %run_scoped3A = tpu.sem_alloc : memref<!tpu.dma_semaphore, #tpu.memory_space<semaphore_mem>>
      %dma_start3A_157 = arith.constant 0 : i32
      %dma_start3A_158 = tpu.memref_slice %arg7[%mul3A_2, %dma_start3A_157] : memref<10240x64xf32, #tpu.memory_space<vmem_shared>> -> memref<640x64xf32, #tpu.memory_space<vmem_shared>>
      %dma_start3A_159 = arith.constant 0 : i32
      %dma_start3A_160 = tpu.memref_slice %arg2[%add3A_8, %dma_start3A_159] : memref<40960x64xf32, #tpu.memory_space<hbm>> -> memref<640x64xf32, #tpu.memory_space<hbm>>
      tpu.enqueue_dma source(%dma_start3A_160 : memref<640x64xf32, #tpu.memory_space<hbm>>) target(%dma_start3A_158 : memref<640x64xf32, #tpu.memory_space<vmem_shared>>) target_semaphore(%run_scoped3A : memref<!tpu.dma_semaphore, #tpu.memory_space<semaphore_mem>>)
      %dma_wait3A_161 = arith.constant 0 : i32
      %dma_wait3A_162 = tpu.memref_slice %arg7[%mul3A_2, %dma_wait3A_161] : memref<10240x64xf32, #tpu.memory_space<vmem_shared>> -> memref<640x64xf32, #tpu.memory_space<vmem_shared>>
      %dma_wait3A_163 = arith.constant 0 : i32
      %dma_wait3A_164 = tpu.memref_slice %arg2[%add3A_8, %dma_wait3A_163] : memref<40960x64xf32, #tpu.memory_space<hbm>> -> memref<640x64xf32, #tpu.memory_space<hbm>>
      tpu.wait_dma2 semaphore(%run_scoped3A : memref<!tpu.dma_semaphore, #tpu.memory_space<semaphore_mem>>) src(%dma_wait3A_164 : memref<640x64xf32, #tpu.memory_space<hbm>>) dst(%dma_wait3A_162 : memref<640x64xf32, #tpu.memory_space<vmem_shared>>)
      tpu.yield
    }) : () -> ()
    %scan3A = arith.constant 0 : i32
    %scan3A_9 = arith.constant 0 : i32
    %scan3A_10 = arith.constant 5 : i32
    %scan3A_11 = arith.addi %scan3A_9, %scan3A_10 : i32
    %scan3A_12 = arith.constant 1 : i32
    scf.for %scan3A_157 = %scan3A_9 to %scan3A_11 step %scan3A_12  : i32 {
      %mul3A_158 = arith.constant 128 : i32
      %mul3A_159 = arith.muli %scan3A_157, %mul3A_158 : i32
      %add3A_160 = arith.addi %mul3A_2, %mul3A_159 : i32
      "tpu.region"() ({
        %run_scoped3A = tpu.sem_alloc : memref<!tpu.dma_semaphore, #tpu.memory_space<semaphore_mem>>
        %dma_start3A_161 = arith.constant 0 : i32
        %dma_start3A_162 = tpu.memref_slice %arg8[%add3A_160, %dma_start3A_161] : memref<10240x64xf32, #tpu.memory_space<vmem_shared>> -> memref<128x64xf32, #tpu.memory_space<vmem_shared>>
        tpu.enqueue_dma source(%arg5 : memref<128x64xf32, #tpu.memory_space<hbm>>) target(%dma_start3A_162 : memref<128x64xf32, #tpu.memory_space<vmem_shared>>) target_semaphore(%run_scoped3A : memref<!tpu.dma_semaphore, #tpu.memory_space<semaphore_mem>>)
        %dma_wait3A_163 = arith.constant 0 : i32
        %dma_wait3A_164 = tpu.memref_slice %arg8[%add3A_160, %dma_wait3A_163] : memref<10240x64xf32, #tpu.memory_space<vmem_shared>> -> memref<128x64xf32, #tpu.memory_space<vmem_shared>>
        tpu.wait_dma2 semaphore(%run_scoped3A : memref<!tpu.dma_semaphore, #tpu.memory_space<semaphore_mem>>) src(%arg5 : memref<128x64xf32, #tpu.memory_space<hbm>>) dst(%dma_wait3A_164 : memref<128x64xf32, #tpu.memory_space<vmem_shared>>)
        tpu.yield
      }) : () -> ()
    }
    %scan3A_13 = arith.constant 5 : i32
    %barrier3A = arith.constant 0 : index
    tpu.barrier barrier_id(%barrier3A)
    "tpu.region"() ({
      %run_scoped3A = tpu.sem_alloc : memref<!tpu.dma_semaphore, #tpu.memory_space<semaphore_mem>>
      %dma_start3A_157 = arith.constant 0 : i32
      %dma_start3A_158 = tpu.memref_slice %arg3[%mul3A_0, %dma_start3A_157] : memref<1280x128xi32, #tpu.memory_space<hbm>> -> memref<2x128xi32, #tpu.memory_space<hbm>>
      %dma_start3A_159 = arith.constant 0 : i32
      %dma_start3A_160 = tpu.memref_slice %arg3[%mul3A_0, %dma_start3A_159] : memref<1280x128xi32, #tpu.memory_space<hbm>> -> memref<2x128xi32, #tpu.memory_space<hbm>>
      tpu.enqueue_dma source(%dma_start3A_160 : memref<2x128xi32, #tpu.memory_space<hbm>>) target(%arg9 : memref<2x128xi32, #tpu.memory_space<vmem>>) target_semaphore(%run_scoped3A : memref<!tpu.dma_semaphore, #tpu.memory_space<semaphore_mem>>)
      %dma_wait3A_161 = arith.constant 0 : i32
      %dma_wait3A_162 = tpu.memref_slice %arg3[%mul3A_0, %dma_wait3A_161] : memref<1280x128xi32, #tpu.memory_space<hbm>> -> memref<2x128xi32, #tpu.memory_space<hbm>>
      %dma_wait3A_163 = arith.constant 0 : i32
      %dma_wait3A_164 = tpu.memref_slice %arg3[%mul3A_0, %dma_wait3A_163] : memref<1280x128xi32, #tpu.memory_space<hbm>> -> memref<2x128xi32, #tpu.memory_space<hbm>>
      tpu.wait_dma2 semaphore(%run_scoped3A : memref<!tpu.dma_semaphore, #tpu.memory_space<semaphore_mem>>) src(%dma_wait3A_164 : memref<2x128xi32, #tpu.memory_space<hbm>>) dst(%arg9 : memref<2x128xi32, #tpu.memory_space<vmem>>)
      tpu.yield
    }) : () -> ()
    %dma_start3A = arith.constant 0 : i32
    %dma_start3A_14 = arith.constant 0 : i32
    %dma_start3A_15 = tpu.memref_slice %arg9[%dma_start3A, %dma_start3A_14] : memref<2x128xi32, #tpu.memory_space<vmem>> -> memref<1x128xi32, #tpu.memory_space<vmem>>
    %dma_start3A_16 = tpu.memref_squeeze %dma_start3A_15 : memref<1x128xi32, #tpu.memory_space<vmem>> -> memref<128xi32, #tpu.memory_space<vmem>>
    %dma_start3A_17 = arith.constant 0 : i32
    %dma_start3A_18 = arith.constant 0 : i32
    %dma_start3A_19 = tpu.memref_slice %arg7[%dma_start3A_17, %dma_start3A_18] : memref<10240x64xf32, #tpu.memory_space<vmem_shared>> -> memref<10240x64xf32, #tpu.memory_space<vmem_shared>>
    tpu.enqueue_indirect_dma source(%dma_start3A_19 : memref<10240x64xf32, #tpu.memory_space<vmem_shared>>) target(%arg11 : memref<128x64xf32, #tpu.memory_space<vmem>>) offsets(%dma_start3A_16 : memref<128xi32, #tpu.memory_space<vmem>>) semaphore(%arg13 : memref<!tpu.dma_semaphore, #tpu.memory_space<semaphore_mem>>)
    %add3A_20 = arith.constant 0 : i32
    %add3A_21 = arith.addi %mul3A_0, %add3A_20 : i32
    %dma_start3A_22 = arith.constant 0 : i32
    %dma_start3A_23 = arith.constant 0 : i32
    %dma_start3A_24 = tpu.memref_slice %arg10[%dma_start3A_22, %dma_start3A_23] : memref<2x128xi32, #tpu.memory_space<vmem>> -> memref<1x128xi32, #tpu.memory_space<vmem>>
    %dma_start3A_25 = arith.constant 0 : i32
    %dma_start3A_26 = tpu.memref_slice %arg4[%add3A_21, %dma_start3A_25] : memref<1280x128xi32, #tpu.memory_space<hbm>> -> memref<1x128xi32, #tpu.memory_space<hbm>>
    %dma_start3A_27 = arith.constant 0 : i32
    %dma_start3A_28 = arith.constant 0 : i32
    %dma_start3A_29 = tpu.memref_slice %arg10[%dma_start3A_27, %dma_start3A_28] : memref<2x128xi32, #tpu.memory_space<vmem>> -> memref<1x128xi32, #tpu.memory_space<vmem>>
    %dma_start3A_30 = arith.constant 0 : i32
    %dma_start3A_31 = tpu.memref_slice %arg4[%add3A_21, %dma_start3A_30] : memref<1280x128xi32, #tpu.memory_space<hbm>> -> memref<1x128xi32, #tpu.memory_space<hbm>>
    tpu.enqueue_dma source(%dma_start3A_31 : memref<1x128xi32, #tpu.memory_space<hbm>>) target(%dma_start3A_29 : memref<1x128xi32, #tpu.memory_space<vmem>>) target_semaphore(%arg17 : memref<!tpu.dma_semaphore, #tpu.memory_space<semaphore_mem>>)
    %dma_start3A_32 = arith.constant 1 : i32
    %dma_start3A_33 = arith.constant 0 : i32
    %dma_start3A_34 = tpu.memref_slice %arg9[%dma_start3A_32, %dma_start3A_33] : memref<2x128xi32, #tpu.memory_space<vmem>> -> memref<1x128xi32, #tpu.memory_space<vmem>>
    %dma_start3A_35 = tpu.memref_squeeze %dma_start3A_34 : memref<1x128xi32, #tpu.memory_space<vmem>> -> memref<128xi32, #tpu.memory_space<vmem>>
    %dma_start3A_36 = arith.constant 0 : i32
    %dma_start3A_37 = arith.constant 0 : i32
    %dma_start3A_38 = tpu.memref_slice %arg7[%dma_start3A_36, %dma_start3A_37] : memref<10240x64xf32, #tpu.memory_space<vmem_shared>> -> memref<10240x64xf32, #tpu.memory_space<vmem_shared>>
    tpu.enqueue_indirect_dma source(%dma_start3A_38 : memref<10240x64xf32, #tpu.memory_space<vmem_shared>>) target(%arg12 : memref<128x64xf32, #tpu.memory_space<vmem>>) offsets(%dma_start3A_35 : memref<128xi32, #tpu.memory_space<vmem>>) semaphore(%arg14 : memref<!tpu.dma_semaphore, #tpu.memory_space<semaphore_mem>>)
    %add3A_39 = arith.constant 1 : i32
    %add3A_40 = arith.addi %mul3A_0, %add3A_39 : i32
    %dma_start3A_41 = arith.constant 1 : i32
    %dma_start3A_42 = arith.constant 0 : i32
    %dma_start3A_43 = tpu.memref_slice %arg10[%dma_start3A_41, %dma_start3A_42] : memref<2x128xi32, #tpu.memory_space<vmem>> -> memref<1x128xi32, #tpu.memory_space<vmem>>
    %dma_start3A_44 = arith.constant 0 : i32
    %dma_start3A_45 = tpu.memref_slice %arg4[%add3A_40, %dma_start3A_44] : memref<1280x128xi32, #tpu.memory_space<hbm>> -> memref<1x128xi32, #tpu.memory_space<hbm>>
    %dma_start3A_46 = arith.constant 1 : i32
    %dma_start3A_47 = arith.constant 0 : i32
    %dma_start3A_48 = tpu.memref_slice %arg10[%dma_start3A_46, %dma_start3A_47] : memref<2x128xi32, #tpu.memory_space<vmem>> -> memref<1x128xi32, #tpu.memory_space<vmem>>
    %dma_start3A_49 = arith.constant 0 : i32
    %dma_start3A_50 = tpu.memref_slice %arg4[%add3A_40, %dma_start3A_49] : memref<1280x128xi32, #tpu.memory_space<hbm>> -> memref<1x128xi32, #tpu.memory_space<hbm>>
    tpu.enqueue_dma source(%dma_start3A_50 : memref<1x128xi32, #tpu.memory_space<hbm>>) target(%dma_start3A_48 : memref<1x128xi32, #tpu.memory_space<vmem>>) target_semaphore(%arg18 : memref<!tpu.dma_semaphore, #tpu.memory_space<semaphore_mem>>)
    %scan3A_51 = arith.constant 0 : i32
    %scan3A_52 = arith.constant 0 : i32
    %scan3A_53 = arith.constant 40 : i32
    %scan3A_54 = arith.addi %scan3A_52, %scan3A_53 : i32
    %scan3A_55 = arith.constant 1 : i32
    scf.for %scan3A_157 = %scan3A_52 to %scan3A_54 step %scan3A_55  : i32 {
      %mul3A_158 = arith.constant 2 : i32
      %mul3A_159 = arith.muli %mul3A_158, %scan3A_157 : i32
      %add3A_160 = arith.constant 0 : i32
      %add3A_161 = arith.addi %mul3A_159, %add3A_160 : i32
      %dma_wait3A_162 = arith.constant 0 : i32
      %dma_wait3A_163 = arith.constant 0 : i32
      %dma_wait3A_164 = tpu.memref_slice %arg9[%dma_wait3A_162, %dma_wait3A_163] : memref<2x128xi32, #tpu.memory_space<vmem>> -> memref<1x128xi32, #tpu.memory_space<vmem>>
      %dma_wait3A_165 = tpu.memref_squeeze %dma_wait3A_164 : memref<1x128xi32, #tpu.memory_space<vmem>> -> memref<128xi32, #tpu.memory_space<vmem>>
      %dma_wait3A_166 = arith.constant 0 : i32
      %dma_wait3A_167 = arith.constant 0 : i32
      %dma_wait3A_168 = tpu.memref_slice %arg7[%dma_wait3A_166, %dma_wait3A_167] : memref<10240x64xf32, #tpu.memory_space<vmem_shared>> -> memref<10240x64xf32, #tpu.memory_space<vmem_shared>>
      tpu.wait_indirect_dma semaphore(%arg13 : memref<!tpu.dma_semaphore, #tpu.memory_space<semaphore_mem>>) src(%dma_wait3A_168 : memref<10240x64xf32, #tpu.memory_space<vmem_shared>>) dst(%arg11 : memref<128x64xf32, #tpu.memory_space<vmem>>)
      %add3A_169 = arith.constant 2 : i32
      %add3A_170 = arith.addi %add3A_161, %add3A_169 : i32
      %lt3A = arith.constant 80 : i32
      %lt3A_171 = arith.cmpi slt, %add3A_170, %lt3A : i32
      %convert_element_type3A = arith.extui %lt3A_171 : i1 to i32
      %cond3A = arith.constant 0 : i32
      %cond3A_172 = arith.cmpi ne, %convert_element_type3A, %cond3A : i32
      scf.if %cond3A_172 {
        %add3A_241 = arith.constant 2 : i32
        %add3A_242 = arith.addi %add3A_161, %add3A_241 : i32
        %add3A_243 = arith.addi %mul3A_0, %add3A_242 : i32
        %dma_start3A_244 = arith.constant 0 : i32
        %dma_start3A_245 = arith.constant 0 : i32
        %dma_start3A_246 = tpu.memref_slice %arg9[%dma_start3A_244, %dma_start3A_245] : memref<2x128xi32, #tpu.memory_space<vmem>> -> memref<1x128xi32, #tpu.memory_space<vmem>>
        %dma_start3A_247 = arith.constant 0 : i32
        %dma_start3A_248 = tpu.memref_slice %arg3[%add3A_243, %dma_start3A_247] : memref<1280x128xi32, #tpu.memory_space<hbm>> -> memref<1x128xi32, #tpu.memory_space<hbm>>
        %dma_start3A_249 = arith.constant 0 : i32
        %dma_start3A_250 = arith.constant 0 : i32
        %dma_start3A_251 = tpu.memref_slice %arg9[%dma_start3A_249, %dma_start3A_250] : memref<2x128xi32, #tpu.memory_space<vmem>> -> memref<1x128xi32, #tpu.memory_space<vmem>>
        %dma_start3A_252 = arith.constant 0 : i32
        %dma_start3A_253 = tpu.memref_slice %arg3[%add3A_243, %dma_start3A_252] : memref<1280x128xi32, #tpu.memory_space<hbm>> -> memref<1x128xi32, #tpu.memory_space<hbm>>
        tpu.enqueue_dma source(%dma_start3A_253 : memref<1x128xi32, #tpu.memory_space<hbm>>) target(%dma_start3A_251 : memref<1x128xi32, #tpu.memory_space<vmem>>) target_semaphore(%arg15 : memref<!tpu.dma_semaphore, #tpu.memory_space<semaphore_mem>>)
      } else {
      }
      %dma_wait3A_173 = arith.constant 0 : i32
      %dma_wait3A_174 = arith.constant 0 : i32
      %dma_wait3A_175 = tpu.memref_slice %arg10[%dma_wait3A_173, %dma_wait3A_174] : memref<2x128xi32, #tpu.memory_space<vmem>> -> memref<1x128xi32, #tpu.memory_space<vmem>>
      %dma_wait3A_176 = arith.constant 0 : i32
      %dma_wait3A_177 = tpu.memref_slice %arg4[%mul3A_0, %dma_wait3A_176] : memref<1280x128xi32, #tpu.memory_space<hbm>> -> memref<1x128xi32, #tpu.memory_space<hbm>>
      %dma_wait3A_178 = arith.constant 0 : i32
      %dma_wait3A_179 = arith.constant 0 : i32
      %dma_wait3A_180 = tpu.memref_slice %arg10[%dma_wait3A_178, %dma_wait3A_179] : memref<2x128xi32, #tpu.memory_space<vmem>> -> memref<1x128xi32, #tpu.memory_space<vmem>>
      %dma_wait3A_181 = arith.constant 0 : i32
      %dma_wait3A_182 = tpu.memref_slice %arg4[%mul3A_0, %dma_wait3A_181] : memref<1280x128xi32, #tpu.memory_space<hbm>> -> memref<1x128xi32, #tpu.memory_space<hbm>>
      tpu.wait_dma2 semaphore(%arg17 : memref<!tpu.dma_semaphore, #tpu.memory_space<semaphore_mem>>) src(%dma_wait3A_182 : memref<1x128xi32, #tpu.memory_space<hbm>>) dst(%dma_wait3A_180 : memref<1x128xi32, #tpu.memory_space<vmem>>)
      %dma_start3A_183 = arith.constant 0 : i32
      %dma_start3A_184 = arith.constant 0 : i32
      %dma_start3A_185 = tpu.memref_slice %arg10[%dma_start3A_183, %dma_start3A_184] : memref<2x128xi32, #tpu.memory_space<vmem>> -> memref<1x128xi32, #tpu.memory_space<vmem>>
      %dma_start3A_186 = tpu.memref_squeeze %dma_start3A_185 : memref<1x128xi32, #tpu.memory_space<vmem>> -> memref<128xi32, #tpu.memory_space<vmem>>
      %dma_start3A_187 = arith.constant 0 : i32
      %dma_start3A_188 = arith.constant 0 : i32
      %dma_start3A_189 = tpu.memref_slice %arg8[%dma_start3A_187, %dma_start3A_188] : memref<10240x64xf32, #tpu.memory_space<vmem_shared>> -> memref<10240x64xf32, #tpu.memory_space<vmem_shared>>
      tpu.enqueue_indirect_dma source(%arg11 : memref<128x64xf32, #tpu.memory_space<vmem>>) target(%dma_start3A_189 : memref<10240x64xf32, #tpu.memory_space<vmem_shared>>) offsets(%dma_start3A_186 : memref<128xi32, #tpu.memory_space<vmem>>) semaphore(%arg19 : memref<!tpu.dma_semaphore, #tpu.memory_space<semaphore_mem>>) {add = true}
      %add3A_190 = arith.constant 1 : i32
      %add3A_191 = arith.addi %mul3A_159, %add3A_190 : i32
      %dma_wait3A_192 = arith.constant 1 : i32
      %dma_wait3A_193 = arith.constant 0 : i32
      %dma_wait3A_194 = tpu.memref_slice %arg9[%dma_wait3A_192, %dma_wait3A_193] : memref<2x128xi32, #tpu.memory_space<vmem>> -> memref<1x128xi32, #tpu.memory_space<vmem>>
      %dma_wait3A_195 = tpu.memref_squeeze %dma_wait3A_194 : memref<1x128xi32, #tpu.memory_space<vmem>> -> memref<128xi32, #tpu.memory_space<vmem>>
      %dma_wait3A_196 = arith.constant 0 : i32
      %dma_wait3A_197 = arith.constant 0 : i32
      %dma_wait3A_198 = tpu.memref_slice %arg7[%dma_wait3A_196, %dma_wait3A_197] : memref<10240x64xf32, #tpu.memory_space<vmem_shared>> -> memref<10240x64xf32, #tpu.memory_space<vmem_shared>>
      tpu.wait_indirect_dma semaphore(%arg14 : memref<!tpu.dma_semaphore, #tpu.memory_space<semaphore_mem>>) src(%dma_wait3A_198 : memref<10240x64xf32, #tpu.memory_space<vmem_shared>>) dst(%arg12 : memref<128x64xf32, #tpu.memory_space<vmem>>)
      %add3A_199 = arith.constant 2 : i32
      %add3A_200 = arith.addi %add3A_191, %add3A_199 : i32
      %lt3A_201 = arith.constant 80 : i32
      %lt3A_202 = arith.cmpi slt, %add3A_200, %lt3A_201 : i32
      %convert_element_type3A_203 = arith.extui %lt3A_202 : i1 to i32
      %cond3A_204 = arith.constant 0 : i32
      %cond3A_205 = arith.cmpi ne, %convert_element_type3A_203, %cond3A_204 : i32
      scf.if %cond3A_205 {
        %add3A_241 = arith.constant 2 : i32
        %add3A_242 = arith.addi %add3A_191, %add3A_241 : i32
        %add3A_243 = arith.addi %mul3A_0, %add3A_242 : i32
        %dma_start3A_244 = arith.constant 1 : i32
        %dma_start3A_245 = arith.constant 0 : i32
        %dma_start3A_246 = tpu.memref_slice %arg9[%dma_start3A_244, %dma_start3A_245] : memref<2x128xi32, #tpu.memory_space<vmem>> -> memref<1x128xi32, #tpu.memory_space<vmem>>
        %dma_start3A_247 = arith.constant 0 : i32
        %dma_start3A_248 = tpu.memref_slice %arg3[%add3A_243, %dma_start3A_247] : memref<1280x128xi32, #tpu.memory_space<hbm>> -> memref<1x128xi32, #tpu.memory_space<hbm>>
        %dma_start3A_249 = arith.constant 1 : i32
        %dma_start3A_250 = arith.constant 0 : i32
        %dma_start3A_251 = tpu.memref_slice %arg9[%dma_start3A_249, %dma_start3A_250] : memref<2x128xi32, #tpu.memory_space<vmem>> -> memref<1x128xi32, #tpu.memory_space<vmem>>
        %dma_start3A_252 = arith.constant 0 : i32
        %dma_start3A_253 = tpu.memref_slice %arg3[%add3A_243, %dma_start3A_252] : memref<1280x128xi32, #tpu.memory_space<hbm>> -> memref<1x128xi32, #tpu.memory_space<hbm>>
        tpu.enqueue_dma source(%dma_start3A_253 : memref<1x128xi32, #tpu.memory_space<hbm>>) target(%dma_start3A_251 : memref<1x128xi32, #tpu.memory_space<vmem>>) target_semaphore(%arg16 : memref<!tpu.dma_semaphore, #tpu.memory_space<semaphore_mem>>)
      } else {
      }
      %dma_wait3A_206 = arith.constant 1 : i32
      %dma_wait3A_207 = arith.constant 0 : i32
      %dma_wait3A_208 = tpu.memref_slice %arg10[%dma_wait3A_206, %dma_wait3A_207] : memref<2x128xi32, #tpu.memory_space<vmem>> -> memref<1x128xi32, #tpu.memory_space<vmem>>
      %dma_wait3A_209 = arith.constant 0 : i32
      %dma_wait3A_210 = tpu.memref_slice %arg4[%mul3A_0, %dma_wait3A_209] : memref<1280x128xi32, #tpu.memory_space<hbm>> -> memref<1x128xi32, #tpu.memory_space<hbm>>
      %dma_wait3A_211 = arith.constant 1 : i32
      %dma_wait3A_212 = arith.constant 0 : i32
      %dma_wait3A_213 = tpu.memref_slice %arg10[%dma_wait3A_211, %dma_wait3A_212] : memref<2x128xi32, #tpu.memory_space<vmem>> -> memref<1x128xi32, #tpu.memory_space<vmem>>
      %dma_wait3A_214 = arith.constant 0 : i32
      %dma_wait3A_215 = tpu.memref_slice %arg4[%mul3A_0, %dma_wait3A_214] : memref<1280x128xi32, #tpu.memory_space<hbm>> -> memref<1x128xi32, #tpu.memory_space<hbm>>
      tpu.wait_dma2 semaphore(%arg18 : memref<!tpu.dma_semaphore, #tpu.memory_space<semaphore_mem>>) src(%dma_wait3A_215 : memref<1x128xi32, #tpu.memory_space<hbm>>) dst(%dma_wait3A_213 : memref<1x128xi32, #tpu.memory_space<vmem>>)
      %dma_start3A_216 = arith.constant 1 : i32
      %dma_start3A_217 = arith.constant 0 : i32
      %dma_start3A_218 = tpu.memref_slice %arg10[%dma_start3A_216, %dma_start3A_217] : memref<2x128xi32, #tpu.memory_space<vmem>> -> memref<1x128xi32, #tpu.memory_space<vmem>>
      %dma_start3A_219 = tpu.memref_squeeze %dma_start3A_218 : memref<1x128xi32, #tpu.memory_space<vmem>> -> memref<128xi32, #tpu.memory_space<vmem>>
      %dma_start3A_220 = arith.constant 0 : i32
      %dma_start3A_221 = arith.constant 0 : i32
      %dma_start3A_222 = tpu.memref_slice %arg8[%dma_start3A_220, %dma_start3A_221] : memref<10240x64xf32, #tpu.memory_space<vmem_shared>> -> memref<10240x64xf32, #tpu.memory_space<vmem_shared>>
      tpu.enqueue_indirect_dma source(%arg12 : memref<128x64xf32, #tpu.memory_space<vmem>>) target(%dma_start3A_222 : memref<10240x64xf32, #tpu.memory_space<vmem_shared>>) offsets(%dma_start3A_219 : memref<128xi32, #tpu.memory_space<vmem>>) semaphore(%arg20 : memref<!tpu.dma_semaphore, #tpu.memory_space<semaphore_mem>>) {add = true}
      %add3A_223 = arith.constant 0 : i32
      %add3A_224 = arith.addi %mul3A_159, %add3A_223 : i32
      %add3A_225 = arith.constant 2 : i32
      %add3A_226 = arith.addi %add3A_224, %add3A_225 : i32
      %lt3A_227 = arith.constant 80 : i32
      %lt3A_228 = arith.cmpi slt, %add3A_226, %lt3A_227 : i32
      %convert_element_type3A_229 = arith.extui %lt3A_228 : i1 to i32
      %cond3A_230 = arith.constant 0 : i32
      %cond3A_231 = arith.cmpi ne, %convert_element_type3A_229, %cond3A_230 : i32
      scf.if %cond3A_231 {
        %dma_wait3A_241 = arith.constant 0 : i32
        %dma_wait3A_242 = arith.constant 0 : i32
        %dma_wait3A_243 = tpu.memref_slice %arg10[%dma_wait3A_241, %dma_wait3A_242] : memref<2x128xi32, #tpu.memory_space<vmem>> -> memref<1x128xi32, #tpu.memory_space<vmem>>
        %dma_wait3A_244 = tpu.memref_squeeze %dma_wait3A_243 : memref<1x128xi32, #tpu.memory_space<vmem>> -> memref<128xi32, #tpu.memory_space<vmem>>
        %dma_wait3A_245 = arith.constant 0 : i32
        %dma_wait3A_246 = arith.constant 0 : i32
        %dma_wait3A_247 = tpu.memref_slice %arg8[%dma_wait3A_245, %dma_wait3A_246] : memref<10240x64xf32, #tpu.memory_space<vmem_shared>> -> memref<10240x64xf32, #tpu.memory_space<vmem_shared>>
        tpu.wait_indirect_dma semaphore(%arg19 : memref<!tpu.dma_semaphore, #tpu.memory_space<semaphore_mem>>) src(%arg11 : memref<128x64xf32, #tpu.memory_space<vmem>>) dst(%dma_wait3A_247 : memref<10240x64xf32, #tpu.memory_space<vmem_shared>>)
        %add3A_248 = arith.constant 2 : i32
        %add3A_249 = arith.addi %add3A_224, %add3A_248 : i32
        %add3A_250 = arith.addi %mul3A_0, %add3A_249 : i32
        %dma_start3A_251 = arith.constant 0 : i32
        %dma_start3A_252 = arith.constant 0 : i32
        %dma_start3A_253 = tpu.memref_slice %arg10[%dma_start3A_251, %dma_start3A_252] : memref<2x128xi32, #tpu.memory_space<vmem>> -> memref<1x128xi32, #tpu.memory_space<vmem>>
        %dma_start3A_254 = arith.constant 0 : i32
        %dma_start3A_255 = tpu.memref_slice %arg4[%add3A_250, %dma_start3A_254] : memref<1280x128xi32, #tpu.memory_space<hbm>> -> memref<1x128xi32, #tpu.memory_space<hbm>>
        %dma_start3A_256 = arith.constant 0 : i32
        %dma_start3A_257 = arith.constant 0 : i32
        %dma_start3A_258 = tpu.memref_slice %arg10[%dma_start3A_256, %dma_start3A_257] : memref<2x128xi32, #tpu.memory_space<vmem>> -> memref<1x128xi32, #tpu.memory_space<vmem>>
        %dma_start3A_259 = arith.constant 0 : i32
        %dma_start3A_260 = tpu.memref_slice %arg4[%add3A_250, %dma_start3A_259] : memref<1280x128xi32, #tpu.memory_space<hbm>> -> memref<1x128xi32, #tpu.memory_space<hbm>>
        tpu.enqueue_dma source(%dma_start3A_260 : memref<1x128xi32, #tpu.memory_space<hbm>>) target(%dma_start3A_258 : memref<1x128xi32, #tpu.memory_space<vmem>>) target_semaphore(%arg17 : memref<!tpu.dma_semaphore, #tpu.memory_space<semaphore_mem>>)
        %dma_wait3A_261 = arith.constant 0 : i32
        %dma_wait3A_262 = arith.constant 0 : i32
        %dma_wait3A_263 = tpu.memref_slice %arg9[%dma_wait3A_261, %dma_wait3A_262] : memref<2x128xi32, #tpu.memory_space<vmem>> -> memref<1x128xi32, #tpu.memory_space<vmem>>
        %dma_wait3A_264 = arith.constant 0 : i32
        %dma_wait3A_265 = tpu.memref_slice %arg3[%mul3A_0, %dma_wait3A_264] : memref<1280x128xi32, #tpu.memory_space<hbm>> -> memref<1x128xi32, #tpu.memory_space<hbm>>
        %dma_wait3A_266 = arith.constant 0 : i32
        %dma_wait3A_267 = arith.constant 0 : i32
        %dma_wait3A_268 = tpu.memref_slice %arg9[%dma_wait3A_266, %dma_wait3A_267] : memref<2x128xi32, #tpu.memory_space<vmem>> -> memref<1x128xi32, #tpu.memory_space<vmem>>
        %dma_wait3A_269 = arith.constant 0 : i32
        %dma_wait3A_270 = tpu.memref_slice %arg3[%mul3A_0, %dma_wait3A_269] : memref<1280x128xi32, #tpu.memory_space<hbm>> -> memref<1x128xi32, #tpu.memory_space<hbm>>
        tpu.wait_dma2 semaphore(%arg15 : memref<!tpu.dma_semaphore, #tpu.memory_space<semaphore_mem>>) src(%dma_wait3A_270 : memref<1x128xi32, #tpu.memory_space<hbm>>) dst(%dma_wait3A_268 : memref<1x128xi32, #tpu.memory_space<vmem>>)
        %dma_start3A_271 = arith.constant 0 : i32
        %dma_start3A_272 = arith.constant 0 : i32
        %dma_start3A_273 = tpu.memref_slice %arg9[%dma_start3A_271, %dma_start3A_272] : memref<2x128xi32, #tpu.memory_space<vmem>> -> memref<1x128xi32, #tpu.memory_space<vmem>>
        %dma_start3A_274 = tpu.memref_squeeze %dma_start3A_273 : memref<1x128xi32, #tpu.memory_space<vmem>> -> memref<128xi32, #tpu.memory_space<vmem>>
        %dma_start3A_275 = arith.constant 0 : i32
        %dma_start3A_276 = arith.constant 0 : i32
        %dma_start3A_277 = tpu.memref_slice %arg7[%dma_start3A_275, %dma_start3A_276] : memref<10240x64xf32, #tpu.memory_space<vmem_shared>> -> memref<10240x64xf32, #tpu.memory_space<vmem_shared>>
        tpu.enqueue_indirect_dma source(%dma_start3A_277 : memref<10240x64xf32, #tpu.memory_space<vmem_shared>>) target(%arg11 : memref<128x64xf32, #tpu.memory_space<vmem>>) offsets(%dma_start3A_274 : memref<128xi32, #tpu.memory_space<vmem>>) semaphore(%arg13 : memref<!tpu.dma_semaphore, #tpu.memory_space<semaphore_mem>>)
      } else {
      }
      %add3A_232 = arith.constant 1 : i32
      %add3A_233 = arith.addi %mul3A_159, %add3A_232 : i32
      %add3A_234 = arith.constant 2 : i32
      %add3A_235 = arith.addi %add3A_233, %add3A_234 : i32
      %lt3A_236 = arith.constant 80 : i32
      %lt3A_237 = arith.cmpi slt, %add3A_235, %lt3A_236 : i32
      %convert_element_type3A_238 = arith.extui %lt3A_237 : i1 to i32
      %cond3A_239 = arith.constant 0 : i32
      %cond3A_240 = arith.cmpi ne, %convert_element_type3A_238, %cond3A_239 : i32
      scf.if %cond3A_240 {
        %dma_wait3A_241 = arith.constant 1 : i32
        %dma_wait3A_242 = arith.constant 0 : i32
        %dma_wait3A_243 = tpu.memref_slice %arg10[%dma_wait3A_241, %dma_wait3A_242] : memref<2x128xi32, #tpu.memory_space<vmem>> -> memref<1x128xi32, #tpu.memory_space<vmem>>
        %dma_wait3A_244 = tpu.memref_squeeze %dma_wait3A_243 : memref<1x128xi32, #tpu.memory_space<vmem>> -> memref<128xi32, #tpu.memory_space<vmem>>
        %dma_wait3A_245 = arith.constant 0 : i32
        %dma_wait3A_246 = arith.constant 0 : i32
        %dma_wait3A_247 = tpu.memref_slice %arg8[%dma_wait3A_245, %dma_wait3A_246] : memref<10240x64xf32, #tpu.memory_space<vmem_shared>> -> memref<10240x64xf32, #tpu.memory_space<vmem_shared>>
        tpu.wait_indirect_dma semaphore(%arg20 : memref<!tpu.dma_semaphore, #tpu.memory_space<semaphore_mem>>) src(%arg12 : memref<128x64xf32, #tpu.memory_space<vmem>>) dst(%dma_wait3A_247 : memref<10240x64xf32, #tpu.memory_space<vmem_shared>>)
        %add3A_248 = arith.constant 2 : i32
        %add3A_249 = arith.addi %add3A_233, %add3A_248 : i32
        %add3A_250 = arith.addi %mul3A_0, %add3A_249 : i32
        %dma_start3A_251 = arith.constant 1 : i32
        %dma_start3A_252 = arith.constant 0 : i32
        %dma_start3A_253 = tpu.memref_slice %arg10[%dma_start3A_251, %dma_start3A_252] : memref<2x128xi32, #tpu.memory_space<vmem>> -> memref<1x128xi32, #tpu.memory_space<vmem>>
        %dma_start3A_254 = arith.constant 0 : i32
        %dma_start3A_255 = tpu.memref_slice %arg4[%add3A_250, %dma_start3A_254] : memref<1280x128xi32, #tpu.memory_space<hbm>> -> memref<1x128xi32, #tpu.memory_space<hbm>>
        %dma_start3A_256 = arith.constant 1 : i32
        %dma_start3A_257 = arith.constant 0 : i32
        %dma_start3A_258 = tpu.memref_slice %arg10[%dma_start3A_256, %dma_start3A_257] : memref<2x128xi32, #tpu.memory_space<vmem>> -> memref<1x128xi32, #tpu.memory_space<vmem>>
        %dma_start3A_259 = arith.constant 0 : i32
        %dma_start3A_260 = tpu.memref_slice %arg4[%add3A_250, %dma_start3A_259] : memref<1280x128xi32, #tpu.memory_space<hbm>> -> memref<1x128xi32, #tpu.memory_space<hbm>>
        tpu.enqueue_dma source(%dma_start3A_260 : memref<1x128xi32, #tpu.memory_space<hbm>>) target(%dma_start3A_258 : memref<1x128xi32, #tpu.memory_space<vmem>>) target_semaphore(%arg18 : memref<!tpu.dma_semaphore, #tpu.memory_space<semaphore_mem>>)
        %dma_wait3A_261 = arith.constant 1 : i32
        %dma_wait3A_262 = arith.constant 0 : i32
        %dma_wait3A_263 = tpu.memref_slice %arg9[%dma_wait3A_261, %dma_wait3A_262] : memref<2x128xi32, #tpu.memory_space<vmem>> -> memref<1x128xi32, #tpu.memory_space<vmem>>
        %dma_wait3A_264 = arith.constant 0 : i32
        %dma_wait3A_265 = tpu.memref_slice %arg3[%mul3A_0, %dma_wait3A_264] : memref<1280x128xi32, #tpu.memory_space<hbm>> -> memref<1x128xi32, #tpu.memory_space<hbm>>
        %dma_wait3A_266 = arith.constant 1 : i32
        %dma_wait3A_267 = arith.constant 0 : i32
        %dma_wait3A_268 = tpu.memref_slice %arg9[%dma_wait3A_266, %dma_wait3A_267] : memref<2x128xi32, #tpu.memory_space<vmem>> -> memref<1x128xi32, #tpu.memory_space<vmem>>
        %dma_wait3A_269 = arith.constant 0 : i32
        %dma_wait3A_270 = tpu.memref_slice %arg3[%mul3A_0, %dma_wait3A_269] : memref<1280x128xi32, #tpu.memory_space<hbm>> -> memref<1x128xi32, #tpu.memory_space<hbm>>
        tpu.wait_dma2 semaphore(%arg16 : memref<!tpu.dma_semaphore, #tpu.memory_space<semaphore_mem>>) src(%dma_wait3A_270 : memref<1x128xi32, #tpu.memory_space<hbm>>) dst(%dma_wait3A_268 : memref<1x128xi32, #tpu.memory_space<vmem>>)
        %dma_start3A_271 = arith.constant 1 : i32
        %dma_start3A_272 = arith.constant 0 : i32
        %dma_start3A_273 = tpu.memref_slice %arg9[%dma_start3A_271, %dma_start3A_272] : memref<2x128xi32, #tpu.memory_space<vmem>> -> memref<1x128xi32, #tpu.memory_space<vmem>>
        %dma_start3A_274 = tpu.memref_squeeze %dma_start3A_273 : memref<1x128xi32, #tpu.memory_space<vmem>> -> memref<128xi32, #tpu.memory_space<vmem>>
        %dma_start3A_275 = arith.constant 0 : i32
        %dma_start3A_276 = arith.constant 0 : i32
        %dma_start3A_277 = tpu.memref_slice %arg7[%dma_start3A_275, %dma_start3A_276] : memref<10240x64xf32, #tpu.memory_space<vmem_shared>> -> memref<10240x64xf32, #tpu.memory_space<vmem_shared>>
        tpu.enqueue_indirect_dma source(%dma_start3A_277 : memref<10240x64xf32, #tpu.memory_space<vmem_shared>>) target(%arg12 : memref<128x64xf32, #tpu.memory_space<vmem>>) offsets(%dma_start3A_274 : memref<128xi32, #tpu.memory_space<vmem>>) semaphore(%arg14 : memref<!tpu.dma_semaphore, #tpu.memory_space<semaphore_mem>>)
      } else {
      }
    }
    %scan3A_56 = arith.constant 40 : i32
    %dma_wait3A = arith.constant 0 : i32
    %dma_wait3A_57 = arith.constant 0 : i32
    %dma_wait3A_58 = tpu.memref_slice %arg10[%dma_wait3A, %dma_wait3A_57] : memref<2x128xi32, #tpu.memory_space<vmem>> -> memref<1x128xi32, #tpu.memory_space<vmem>>
    %dma_wait3A_59 = tpu.memref_squeeze %dma_wait3A_58 : memref<1x128xi32, #tpu.memory_space<vmem>> -> memref<128xi32, #tpu.memory_space<vmem>>
    %dma_wait3A_60 = arith.constant 0 : i32
    %dma_wait3A_61 = arith.constant 0 : i32
    %dma_wait3A_62 = tpu.memref_slice %arg8[%dma_wait3A_60, %dma_wait3A_61] : memref<10240x64xf32, #tpu.memory_space<vmem_shared>> -> memref<10240x64xf32, #tpu.memory_space<vmem_shared>>
    tpu.wait_indirect_dma semaphore(%arg19 : memref<!tpu.dma_semaphore, #tpu.memory_space<semaphore_mem>>) src(%arg11 : memref<128x64xf32, #tpu.memory_space<vmem>>) dst(%dma_wait3A_62 : memref<10240x64xf32, #tpu.memory_space<vmem_shared>>)
    %dma_wait3A_63 = arith.constant 1 : i32
    %dma_wait3A_64 = arith.constant 0 : i32
    %dma_wait3A_65 = tpu.memref_slice %arg10[%dma_wait3A_63, %dma_wait3A_64] : memref<2x128xi32, #tpu.memory_space<vmem>> -> memref<1x128xi32, #tpu.memory_space<vmem>>
    %dma_wait3A_66 = tpu.memref_squeeze %dma_wait3A_65 : memref<1x128xi32, #tpu.memory_space<vmem>> -> memref<128xi32, #tpu.memory_space<vmem>>
    %dma_wait3A_67 = arith.constant 0 : i32
    %dma_wait3A_68 = arith.constant 0 : i32
    %dma_wait3A_69 = tpu.memref_slice %arg8[%dma_wait3A_67, %dma_wait3A_68] : memref<10240x64xf32, #tpu.memory_space<vmem_shared>> -> memref<10240x64xf32, #tpu.memory_space<vmem_shared>>
    tpu.wait_indirect_dma semaphore(%arg20 : memref<!tpu.dma_semaphore, #tpu.memory_space<semaphore_mem>>) src(%arg12 : memref<128x64xf32, #tpu.memory_space<vmem>>) dst(%dma_wait3A_69 : memref<10240x64xf32, #tpu.memory_space<vmem_shared>>)
    %barrier3A_70 = arith.constant 0 : index
    tpu.barrier barrier_id(%barrier3A_70)
    %scan3A_71 = arith.constant 0 : i32
    %scan3A_72 = arith.constant 0 : i32
    %scan3A_73 = arith.constant 5 : i32
    %scan3A_74 = arith.addi %scan3A_72, %scan3A_73 : i32
    %scan3A_75 = arith.constant 1 : i32
    scf.for %scan3A_157 = %scan3A_72 to %scan3A_74 step %scan3A_75  : i32 {
      %mul3A_158 = arith.constant 128 : i32
      %mul3A_159 = arith.muli %scan3A_157, %mul3A_158 : i32
      %add3A_160 = arith.addi %mul3A_2, %mul3A_159 : i32
      "tpu.region"() ({
        %run_scoped3A = tpu.sem_alloc : memref<!tpu.dma_semaphore, #tpu.memory_space<semaphore_mem>>
        %dma_start3A_167 = arith.constant 0 : i32
        %dma_start3A_168 = tpu.memref_slice %arg8[%add3A_160, %dma_start3A_167] : memref<10240x64xf32, #tpu.memory_space<vmem_shared>> -> memref<128x64xf32, #tpu.memory_space<vmem_shared>>
        %dma_start3A_169 = arith.constant 0 : i32
        %dma_start3A_170 = tpu.memref_slice %arg8[%add3A_160, %dma_start3A_169] : memref<10240x64xf32, #tpu.memory_space<vmem_shared>> -> memref<128x64xf32, #tpu.memory_space<vmem_shared>>
        tpu.enqueue_dma source(%dma_start3A_170 : memref<128x64xf32, #tpu.memory_space<vmem_shared>>) target(%arg11 : memref<128x64xf32, #tpu.memory_space<vmem>>) target_semaphore(%run_scoped3A : memref<!tpu.dma_semaphore, #tpu.memory_space<semaphore_mem>>)
        %dma_wait3A_171 = arith.constant 0 : i32
        %dma_wait3A_172 = tpu.memref_slice %arg8[%add3A_160, %dma_wait3A_171] : memref<10240x64xf32, #tpu.memory_space<vmem_shared>> -> memref<128x64xf32, #tpu.memory_space<vmem_shared>>
        %dma_wait3A_173 = arith.constant 0 : i32
        %dma_wait3A_174 = tpu.memref_slice %arg8[%add3A_160, %dma_wait3A_173] : memref<10240x64xf32, #tpu.memory_space<vmem_shared>> -> memref<128x64xf32, #tpu.memory_space<vmem_shared>>
        tpu.wait_dma2 semaphore(%run_scoped3A : memref<!tpu.dma_semaphore, #tpu.memory_space<semaphore_mem>>) src(%dma_wait3A_174 : memref<128x64xf32, #tpu.memory_space<vmem_shared>>) dst(%arg11 : memref<128x64xf32, #tpu.memory_space<vmem>>)
        tpu.yield
      }) : () -> ()
      %mul3A_161 = arith.constant 10240 : i32
      %mul3A_162 = arith.muli %add3A_5, %mul3A_161 : i32
      %add3A_163 = arith.addi %mul3A_162, %mul3A_2 : i32
      %mul3A_164 = arith.constant 128 : i32
      %mul3A_165 = arith.muli %scan3A_157, %mul3A_164 : i32
      %add3A_166 = arith.addi %add3A_163, %mul3A_165 : i32
      "tpu.region"() ({
        %run_scoped3A = tpu.sem_alloc : memref<!tpu.dma_semaphore, #tpu.memory_space<semaphore_mem>>
        %dma_start3A_167 = arith.constant 0 : i32
        %dma_start3A_168 = tpu.memref_slice %arg6[%add3A_166, %dma_start3A_167] : memref<40960x64xf32, #tpu.memory_space<hbm>> -> memref<128x64xf32, #tpu.memory_space<hbm>>
        %dma_start3A_169 = arith.constant 0 : i32
        %dma_start3A_170 = tpu.memref_slice %arg6[%add3A_166, %dma_start3A_169] : memref<40960x64xf32, #tpu.memory_space<hbm>> -> memref<128x64xf32, #tpu.memory_space<hbm>>
        tpu.enqueue_dma source(%arg11 : memref<128x64xf32, #tpu.memory_space<vmem>>) target(%dma_start3A_170 : memref<128x64xf32, #tpu.memory_space<hbm>>) target_semaphore(%run_scoped3A : memref<!tpu.dma_semaphore, #tpu.memory_space<semaphore_mem>>)
        %dma_wait3A_171 = arith.constant 0 : i32
        %dma_wait3A_172 = tpu.memref_slice %arg6[%add3A_166, %dma_wait3A_171] : memref<40960x64xf32, #tpu.memory_space<hbm>> -> memref<128x64xf32, #tpu.memory_space<hbm>>
        %dma_wait3A_173 = arith.constant 0 : i32
        %dma_wait3A_174 = tpu.memref_slice %arg6[%add3A_166, %dma_wait3A_173] : memref<40960x64xf32, #tpu.memory_space<hbm>> -> memref<128x64xf32, #tpu.memory_space<hbm>>
        tpu.wait_dma2 semaphore(%run_scoped3A : memref<!tpu.dma_semaphore, #tpu.memory_space<semaphore_mem>>) src(%arg11 : memref<128x64xf32, #tpu.memory_space<vmem>>) dst(%dma_wait3A_174 : memref<128x64xf32, #tpu.memory_space<hbm>>)
        tpu.yield
      }) : () -> ()
    }
    %scan3A_76 = arith.constant 5 : i32
    %barrier3A_77 = arith.constant 0 : index
    tpu.barrier barrier_id(%barrier3A_77)
    %mul3A_78 = arith.constant 2 : i32
    %mul3A_79 = arith.muli %mul3A_78, %arg0 : i32
    %add3A_80 = arith.constant 1 : i32
    %add3A_81 = arith.addi %mul3A_79, %add3A_80 : i32
    %mul3A_82 = arith.constant 10240 : i32
    %mul3A_83 = arith.muli %add3A_81, %mul3A_82 : i32
    %add3A_84 = arith.addi %mul3A_83, %mul3A_2 : i32
    "tpu.region"() ({
      %run_scoped3A = tpu.sem_alloc : memref<!tpu.dma_semaphore, #tpu.memory_space<semaphore_mem>>
      %dma_start3A_157 = arith.constant 0 : i32
      %dma_start3A_158 = tpu.memref_slice %arg7[%mul3A_2, %dma_start3A_157] : memref<10240x64xf32, #tpu.memory_space<vmem_shared>> -> memref<640x64xf32, #tpu.memory_space<vmem_shared>>
      %dma_start3A_159 = arith.constant 0 : i32
      %dma_start3A_160 = tpu.memref_slice %arg2[%add3A_84, %dma_start3A_159] : memref<40960x64xf32, #tpu.memory_space<hbm>> -> memref<640x64xf32, #tpu.memory_space<hbm>>
      tpu.enqueue_dma source(%dma_start3A_160 : memref<640x64xf32, #tpu.memory_space<hbm>>) target(%dma_start3A_158 : memref<640x64xf32, #tpu.memory_space<vmem_shared>>) target_semaphore(%run_scoped3A : memref<!tpu.dma_semaphore, #tpu.memory_space<semaphore_mem>>)
      %dma_wait3A_161 = arith.constant 0 : i32
      %dma_wait3A_162 = tpu.memref_slice %arg7[%mul3A_2, %dma_wait3A_161] : memref<10240x64xf32, #tpu.memory_space<vmem_shared>> -> memref<640x64xf32, #tpu.memory_space<vmem_shared>>
      %dma_wait3A_163 = arith.constant 0 : i32
      %dma_wait3A_164 = tpu.memref_slice %arg2[%add3A_84, %dma_wait3A_163] : memref<40960x64xf32, #tpu.memory_space<hbm>> -> memref<640x64xf32, #tpu.memory_space<hbm>>
      tpu.wait_dma2 semaphore(%run_scoped3A : memref<!tpu.dma_semaphore, #tpu.memory_space<semaphore_mem>>) src(%dma_wait3A_164 : memref<640x64xf32, #tpu.memory_space<hbm>>) dst(%dma_wait3A_162 : memref<640x64xf32, #tpu.memory_space<vmem_shared>>)
      tpu.yield
    }) : () -> ()
    %scan3A_85 = arith.constant 0 : i32
    %scan3A_86 = arith.constant 0 : i32
    %scan3A_87 = arith.constant 5 : i32
    %scan3A_88 = arith.addi %scan3A_86, %scan3A_87 : i32
    %scan3A_89 = arith.constant 1 : i32
    scf.for %scan3A_157 = %scan3A_86 to %scan3A_88 step %scan3A_89  : i32 {
      %mul3A_158 = arith.constant 128 : i32
      %mul3A_159 = arith.muli %scan3A_157, %mul3A_158 : i32
      %add3A_160 = arith.addi %mul3A_2, %mul3A_159 : i32
      "tpu.region"() ({
        %run_scoped3A = tpu.sem_alloc : memref<!tpu.dma_semaphore, #tpu.memory_space<semaphore_mem>>
        %dma_start3A_161 = arith.constant 0 : i32
        %dma_start3A_162 = tpu.memref_slice %arg8[%add3A_160, %dma_start3A_161] : memref<10240x64xf32, #tpu.memory_space<vmem_shared>> -> memref<128x64xf32, #tpu.memory_space<vmem_shared>>
        tpu.enqueue_dma source(%arg5 : memref<128x64xf32, #tpu.memory_space<hbm>>) target(%dma_start3A_162 : memref<128x64xf32, #tpu.memory_space<vmem_shared>>) target_semaphore(%run_scoped3A : memref<!tpu.dma_semaphore, #tpu.memory_space<semaphore_mem>>)
        %dma_wait3A_163 = arith.constant 0 : i32
        %dma_wait3A_164 = tpu.memref_slice %arg8[%add3A_160, %dma_wait3A_163] : memref<10240x64xf32, #tpu.memory_space<vmem_shared>> -> memref<128x64xf32, #tpu.memory_space<vmem_shared>>
        tpu.wait_dma2 semaphore(%run_scoped3A : memref<!tpu.dma_semaphore, #tpu.memory_space<semaphore_mem>>) src(%arg5 : memref<128x64xf32, #tpu.memory_space<hbm>>) dst(%dma_wait3A_164 : memref<128x64xf32, #tpu.memory_space<vmem_shared>>)
        tpu.yield
      }) : () -> ()
    }
    %scan3A_90 = arith.constant 5 : i32
    %barrier3A_91 = arith.constant 0 : index
    tpu.barrier barrier_id(%barrier3A_91)
    "tpu.region"() ({
      %run_scoped3A = tpu.sem_alloc : memref<!tpu.dma_semaphore, #tpu.memory_space<semaphore_mem>>
      %dma_start3A_157 = arith.constant 0 : i32
      %dma_start3A_158 = tpu.memref_slice %arg3[%mul3A_0, %dma_start3A_157] : memref<1280x128xi32, #tpu.memory_space<hbm>> -> memref<2x128xi32, #tpu.memory_space<hbm>>
      %dma_start3A_159 = arith.constant 0 : i32
      %dma_start3A_160 = tpu.memref_slice %arg3[%mul3A_0, %dma_start3A_159] : memref<1280x128xi32, #tpu.memory_space<hbm>> -> memref<2x128xi32, #tpu.memory_space<hbm>>
      tpu.enqueue_dma source(%dma_start3A_160 : memref<2x128xi32, #tpu.memory_space<hbm>>) target(%arg9 : memref<2x128xi32, #tpu.memory_space<vmem>>) target_semaphore(%run_scoped3A : memref<!tpu.dma_semaphore, #tpu.memory_space<semaphore_mem>>)
      %dma_wait3A_161 = arith.constant 0 : i32
      %dma_wait3A_162 = tpu.memref_slice %arg3[%mul3A_0, %dma_wait3A_161] : memref<1280x128xi32, #tpu.memory_space<hbm>> -> memref<2x128xi32, #tpu.memory_space<hbm>>
      %dma_wait3A_163 = arith.constant 0 : i32
      %dma_wait3A_164 = tpu.memref_slice %arg3[%mul3A_0, %dma_wait3A_163] : memref<1280x128xi32, #tpu.memory_space<hbm>> -> memref<2x128xi32, #tpu.memory_space<hbm>>
      tpu.wait_dma2 semaphore(%run_scoped3A : memref<!tpu.dma_semaphore, #tpu.memory_space<semaphore_mem>>) src(%dma_wait3A_164 : memref<2x128xi32, #tpu.memory_space<hbm>>) dst(%arg9 : memref<2x128xi32, #tpu.memory_space<vmem>>)
      tpu.yield
    }) : () -> ()
    %dma_start3A_92 = arith.constant 0 : i32
    %dma_start3A_93 = arith.constant 0 : i32
    %dma_start3A_94 = tpu.memref_slice %arg9[%dma_start3A_92, %dma_start3A_93] : memref<2x128xi32, #tpu.memory_space<vmem>> -> memref<1x128xi32, #tpu.memory_space<vmem>>
    %dma_start3A_95 = tpu.memref_squeeze %dma_start3A_94 : memref<1x128xi32, #tpu.memory_space<vmem>> -> memref<128xi32, #tpu.memory_space<vmem>>
    %dma_start3A_96 = arith.constant 0 : i32
    %dma_start3A_97 = arith.constant 0 : i32
    %dma_start3A_98 = tpu.memref_slice %arg7[%dma_start3A_96, %dma_start3A_97] : memref<10240x64xf32, #tpu.memory_space<vmem_shared>> -> memref<10240x64xf32, #tpu.memory_space<vmem_shared>>
    tpu.enqueue_indirect_dma source(%dma_start3A_98 : memref<10240x64xf32, #tpu.memory_space<vmem_shared>>) target(%arg11 : memref<128x64xf32, #tpu.memory_space<vmem>>) offsets(%dma_start3A_95 : memref<128xi32, #tpu.memory_space<vmem>>) semaphore(%arg13 : memref<!tpu.dma_semaphore, #tpu.memory_space<semaphore_mem>>)
    %add3A_99 = arith.constant 0 : i32
    %add3A_100 = arith.addi %mul3A_0, %add3A_99 : i32
    %dma_start3A_101 = arith.constant 0 : i32
    %dma_start3A_102 = arith.constant 0 : i32
    %dma_start3A_103 = tpu.memref_slice %arg10[%dma_start3A_101, %dma_start3A_102] : memref<2x128xi32, #tpu.memory_space<vmem>> -> memref<1x128xi32, #tpu.memory_space<vmem>>
    %dma_start3A_104 = arith.constant 0 : i32
    %dma_start3A_105 = tpu.memref_slice %arg4[%add3A_100, %dma_start3A_104] : memref<1280x128xi32, #tpu.memory_space<hbm>> -> memref<1x128xi32, #tpu.memory_space<hbm>>
    %dma_start3A_106 = arith.constant 0 : i32
    %dma_start3A_107 = arith.constant 0 : i32
    %dma_start3A_108 = tpu.memref_slice %arg10[%dma_start3A_106, %dma_start3A_107] : memref<2x128xi32, #tpu.memory_space<vmem>> -> memref<1x128xi32, #tpu.memory_space<vmem>>
    %dma_start3A_109 = arith.constant 0 : i32
    %dma_start3A_110 = tpu.memref_slice %arg4[%add3A_100, %dma_start3A_109] : memref<1280x128xi32, #tpu.memory_space<hbm>> -> memref<1x128xi32, #tpu.memory_space<hbm>>
    tpu.enqueue_dma source(%dma_start3A_110 : memref<1x128xi32, #tpu.memory_space<hbm>>) target(%dma_start3A_108 : memref<1x128xi32, #tpu.memory_space<vmem>>) target_semaphore(%arg17 : memref<!tpu.dma_semaphore, #tpu.memory_space<semaphore_mem>>)
    %dma_start3A_111 = arith.constant 1 : i32
    %dma_start3A_112 = arith.constant 0 : i32
    %dma_start3A_113 = tpu.memref_slice %arg9[%dma_start3A_111, %dma_start3A_112] : memref<2x128xi32, #tpu.memory_space<vmem>> -> memref<1x128xi32, #tpu.memory_space<vmem>>
    %dma_start3A_114 = tpu.memref_squeeze %dma_start3A_113 : memref<1x128xi32, #tpu.memory_space<vmem>> -> memref<128xi32, #tpu.memory_space<vmem>>
    %dma_start3A_115 = arith.constant 0 : i32
    %dma_start3A_116 = arith.constant 0 : i32
    %dma_start3A_117 = tpu.memref_slice %arg7[%dma_start3A_115, %dma_start3A_116] : memref<10240x64xf32, #tpu.memory_space<vmem_shared>> -> memref<10240x64xf32, #tpu.memory_space<vmem_shared>>
    tpu.enqueue_indirect_dma source(%dma_start3A_117 : memref<10240x64xf32, #tpu.memory_space<vmem_shared>>) target(%arg12 : memref<128x64xf32, #tpu.memory_space<vmem>>) offsets(%dma_start3A_114 : memref<128xi32, #tpu.memory_space<vmem>>) semaphore(%arg14 : memref<!tpu.dma_semaphore, #tpu.memory_space<semaphore_mem>>)
    %add3A_118 = arith.constant 1 : i32
    %add3A_119 = arith.addi %mul3A_0, %add3A_118 : i32
    %dma_start3A_120 = arith.constant 1 : i32
    %dma_start3A_121 = arith.constant 0 : i32
    %dma_start3A_122 = tpu.memref_slice %arg10[%dma_start3A_120, %dma_start3A_121] : memref<2x128xi32, #tpu.memory_space<vmem>> -> memref<1x128xi32, #tpu.memory_space<vmem>>
    %dma_start3A_123 = arith.constant 0 : i32
    %dma_start3A_124 = tpu.memref_slice %arg4[%add3A_119, %dma_start3A_123] : memref<1280x128xi32, #tpu.memory_space<hbm>> -> memref<1x128xi32, #tpu.memory_space<hbm>>
    %dma_start3A_125 = arith.constant 1 : i32
    %dma_start3A_126 = arith.constant 0 : i32
    %dma_start3A_127 = tpu.memref_slice %arg10[%dma_start3A_125, %dma_start3A_126] : memref<2x128xi32, #tpu.memory_space<vmem>> -> memref<1x128xi32, #tpu.memory_space<vmem>>
    %dma_start3A_128 = arith.constant 0 : i32
    %dma_start3A_129 = tpu.memref_slice %arg4[%add3A_119, %dma_start3A_128] : memref<1280x128xi32, #tpu.memory_space<hbm>> -> memref<1x128xi32, #tpu.memory_space<hbm>>
    tpu.enqueue_dma source(%dma_start3A_129 : memref<1x128xi32, #tpu.memory_space<hbm>>) target(%dma_start3A_127 : memref<1x128xi32, #tpu.memory_space<vmem>>) target_semaphore(%arg18 : memref<!tpu.dma_semaphore, #tpu.memory_space<semaphore_mem>>)
    %scan3A_130 = arith.constant 0 : i32
    %scan3A_131 = arith.constant 0 : i32
    %scan3A_132 = arith.constant 40 : i32
    %scan3A_133 = arith.addi %scan3A_131, %scan3A_132 : i32
    %scan3A_134 = arith.constant 1 : i32
    scf.for %scan3A_157 = %scan3A_131 to %scan3A_133 step %scan3A_134  : i32 {
      %mul3A_158 = arith.constant 2 : i32
      %mul3A_159 = arith.muli %mul3A_158, %scan3A_157 : i32
      %add3A_160 = arith.constant 0 : i32
      %add3A_161 = arith.addi %mul3A_159, %add3A_160 : i32
      %dma_wait3A_162 = arith.constant 0 : i32
      %dma_wait3A_163 = arith.constant 0 : i32
      %dma_wait3A_164 = tpu.memref_slice %arg9[%dma_wait3A_162, %dma_wait3A_163] : memref<2x128xi32, #tpu.memory_space<vmem>> -> memref<1x128xi32, #tpu.memory_space<vmem>>
      %dma_wait3A_165 = tpu.memref_squeeze %dma_wait3A_164 : memref<1x128xi32, #tpu.memory_space<vmem>> -> memref<128xi32, #tpu.memory_space<vmem>>
      %dma_wait3A_166 = arith.constant 0 : i32
      %dma_wait3A_167 = arith.constant 0 : i32
      %dma_wait3A_168 = tpu.memref_slice %arg7[%dma_wait3A_166, %dma_wait3A_167] : memref<10240x64xf32, #tpu.memory_space<vmem_shared>> -> memref<10240x64xf32, #tpu.memory_space<vmem_shared>>
      tpu.wait_indirect_dma semaphore(%arg13 : memref<!tpu.dma_semaphore, #tpu.memory_space<semaphore_mem>>) src(%dma_wait3A_168 : memref<10240x64xf32, #tpu.memory_space<vmem_shared>>) dst(%arg11 : memref<128x64xf32, #tpu.memory_space<vmem>>)
      %add3A_169 = arith.constant 2 : i32
      %add3A_170 = arith.addi %add3A_161, %add3A_169 : i32
      %lt3A = arith.constant 80 : i32
      %lt3A_171 = arith.cmpi slt, %add3A_170, %lt3A : i32
      %convert_element_type3A = arith.extui %lt3A_171 : i1 to i32
      %cond3A = arith.constant 0 : i32
      %cond3A_172 = arith.cmpi ne, %convert_element_type3A, %cond3A : i32
      scf.if %cond3A_172 {
        %add3A_241 = arith.constant 2 : i32
        %add3A_242 = arith.addi %add3A_161, %add3A_241 : i32
        %add3A_243 = arith.addi %mul3A_0, %add3A_242 : i32
        %dma_start3A_244 = arith.constant 0 : i32
        %dma_start3A_245 = arith.constant 0 : i32
        %dma_start3A_246 = tpu.memref_slice %arg9[%dma_start3A_244, %dma_start3A_245] : memref<2x128xi32, #tpu.memory_space<vmem>> -> memref<1x128xi32, #tpu.memory_space<vmem>>
        %dma_start3A_247 = arith.constant 0 : i32
        %dma_start3A_248 = tpu.memref_slice %arg3[%add3A_243, %dma_start3A_247] : memref<1280x128xi32, #tpu.memory_space<hbm>> -> memref<1x128xi32, #tpu.memory_space<hbm>>
        %dma_start3A_249 = arith.constant 0 : i32
        %dma_start3A_250 = arith.constant 0 : i32
        %dma_start3A_251 = tpu.memref_slice %arg9[%dma_start3A_249, %dma_start3A_250] : memref<2x128xi32, #tpu.memory_space<vmem>> -> memref<1x128xi32, #tpu.memory_space<vmem>>
        %dma_start3A_252 = arith.constant 0 : i32
        %dma_start3A_253 = tpu.memref_slice %arg3[%add3A_243, %dma_start3A_252] : memref<1280x128xi32, #tpu.memory_space<hbm>> -> memref<1x128xi32, #tpu.memory_space<hbm>>
        tpu.enqueue_dma source(%dma_start3A_253 : memref<1x128xi32, #tpu.memory_space<hbm>>) target(%dma_start3A_251 : memref<1x128xi32, #tpu.memory_space<vmem>>) target_semaphore(%arg15 : memref<!tpu.dma_semaphore, #tpu.memory_space<semaphore_mem>>)
      } else {
      }
      %dma_wait3A_173 = arith.constant 0 : i32
      %dma_wait3A_174 = arith.constant 0 : i32
      %dma_wait3A_175 = tpu.memref_slice %arg10[%dma_wait3A_173, %dma_wait3A_174] : memref<2x128xi32, #tpu.memory_space<vmem>> -> memref<1x128xi32, #tpu.memory_space<vmem>>
      %dma_wait3A_176 = arith.constant 0 : i32
      %dma_wait3A_177 = tpu.memref_slice %arg4[%mul3A_0, %dma_wait3A_176] : memref<1280x128xi32, #tpu.memory_space<hbm>> -> memref<1x128xi32, #tpu.memory_space<hbm>>
      %dma_wait3A_178 = arith.constant 0 : i32
      %dma_wait3A_179 = arith.constant 0 : i32
      %dma_wait3A_180 = tpu.memref_slice %arg10[%dma_wait3A_178, %dma_wait3A_179] : memref<2x128xi32, #tpu.memory_space<vmem>> -> memref<1x128xi32, #tpu.memory_space<vmem>>
      %dma_wait3A_181 = arith.constant 0 : i32
      %dma_wait3A_182 = tpu.memref_slice %arg4[%mul3A_0, %dma_wait3A_181] : memref<1280x128xi32, #tpu.memory_space<hbm>> -> memref<1x128xi32, #tpu.memory_space<hbm>>
      tpu.wait_dma2 semaphore(%arg17 : memref<!tpu.dma_semaphore, #tpu.memory_space<semaphore_mem>>) src(%dma_wait3A_182 : memref<1x128xi32, #tpu.memory_space<hbm>>) dst(%dma_wait3A_180 : memref<1x128xi32, #tpu.memory_space<vmem>>)
      %dma_start3A_183 = arith.constant 0 : i32
      %dma_start3A_184 = arith.constant 0 : i32
      %dma_start3A_185 = tpu.memref_slice %arg10[%dma_start3A_183, %dma_start3A_184] : memref<2x128xi32, #tpu.memory_space<vmem>> -> memref<1x128xi32, #tpu.memory_space<vmem>>
      %dma_start3A_186 = tpu.memref_squeeze %dma_start3A_185 : memref<1x128xi32, #tpu.memory_space<vmem>> -> memref<128xi32, #tpu.memory_space<vmem>>
      %dma_start3A_187 = arith.constant 0 : i32
      %dma_start3A_188 = arith.constant 0 : i32
      %dma_start3A_189 = tpu.memref_slice %arg8[%dma_start3A_187, %dma_start3A_188] : memref<10240x64xf32, #tpu.memory_space<vmem_shared>> -> memref<10240x64xf32, #tpu.memory_space<vmem_shared>>
      tpu.enqueue_indirect_dma source(%arg11 : memref<128x64xf32, #tpu.memory_space<vmem>>) target(%dma_start3A_189 : memref<10240x64xf32, #tpu.memory_space<vmem_shared>>) offsets(%dma_start3A_186 : memref<128xi32, #tpu.memory_space<vmem>>) semaphore(%arg19 : memref<!tpu.dma_semaphore, #tpu.memory_space<semaphore_mem>>) {add = true}
      %add3A_190 = arith.constant 1 : i32
      %add3A_191 = arith.addi %mul3A_159, %add3A_190 : i32
      %dma_wait3A_192 = arith.constant 1 : i32
      %dma_wait3A_193 = arith.constant 0 : i32
      %dma_wait3A_194 = tpu.memref_slice %arg9[%dma_wait3A_192, %dma_wait3A_193] : memref<2x128xi32, #tpu.memory_space<vmem>> -> memref<1x128xi32, #tpu.memory_space<vmem>>
      %dma_wait3A_195 = tpu.memref_squeeze %dma_wait3A_194 : memref<1x128xi32, #tpu.memory_space<vmem>> -> memref<128xi32, #tpu.memory_space<vmem>>
      %dma_wait3A_196 = arith.constant 0 : i32
      %dma_wait3A_197 = arith.constant 0 : i32
      %dma_wait3A_198 = tpu.memref_slice %arg7[%dma_wait3A_196, %dma_wait3A_197] : memref<10240x64xf32, #tpu.memory_space<vmem_shared>> -> memref<10240x64xf32, #tpu.memory_space<vmem_shared>>
      tpu.wait_indirect_dma semaphore(%arg14 : memref<!tpu.dma_semaphore, #tpu.memory_space<semaphore_mem>>) src(%dma_wait3A_198 : memref<10240x64xf32, #tpu.memory_space<vmem_shared>>) dst(%arg12 : memref<128x64xf32, #tpu.memory_space<vmem>>)
      %add3A_199 = arith.constant 2 : i32
      %add3A_200 = arith.addi %add3A_191, %add3A_199 : i32
      %lt3A_201 = arith.constant 80 : i32
      %lt3A_202 = arith.cmpi slt, %add3A_200, %lt3A_201 : i32
      %convert_element_type3A_203 = arith.extui %lt3A_202 : i1 to i32
      %cond3A_204 = arith.constant 0 : i32
      %cond3A_205 = arith.cmpi ne, %convert_element_type3A_203, %cond3A_204 : i32
      scf.if %cond3A_205 {
        %add3A_241 = arith.constant 2 : i32
        %add3A_242 = arith.addi %add3A_191, %add3A_241 : i32
        %add3A_243 = arith.addi %mul3A_0, %add3A_242 : i32
        %dma_start3A_244 = arith.constant 1 : i32
        %dma_start3A_245 = arith.constant 0 : i32
        %dma_start3A_246 = tpu.memref_slice %arg9[%dma_start3A_244, %dma_start3A_245] : memref<2x128xi32, #tpu.memory_space<vmem>> -> memref<1x128xi32, #tpu.memory_space<vmem>>
        %dma_start3A_247 = arith.constant 0 : i32
        %dma_start3A_248 = tpu.memref_slice %arg3[%add3A_243, %dma_start3A_247] : memref<1280x128xi32, #tpu.memory_space<hbm>> -> memref<1x128xi32, #tpu.memory_space<hbm>>
        %dma_start3A_249 = arith.constant 1 : i32
        %dma_start3A_250 = arith.constant 0 : i32
        %dma_start3A_251 = tpu.memref_slice %arg9[%dma_start3A_249, %dma_start3A_250] : memref<2x128xi32, #tpu.memory_space<vmem>> -> memref<1x128xi32, #tpu.memory_space<vmem>>
        %dma_start3A_252 = arith.constant 0 : i32
        %dma_start3A_253 = tpu.memref_slice %arg3[%add3A_243, %dma_start3A_252] : memref<1280x128xi32, #tpu.memory_space<hbm>> -> memref<1x128xi32, #tpu.memory_space<hbm>>
        tpu.enqueue_dma source(%dma_start3A_253 : memref<1x128xi32, #tpu.memory_space<hbm>>) target(%dma_start3A_251 : memref<1x128xi32, #tpu.memory_space<vmem>>) target_semaphore(%arg16 : memref<!tpu.dma_semaphore, #tpu.memory_space<semaphore_mem>>)
      } else {
      }
      %dma_wait3A_206 = arith.constant 1 : i32
      %dma_wait3A_207 = arith.constant 0 : i32
      %dma_wait3A_208 = tpu.memref_slice %arg10[%dma_wait3A_206, %dma_wait3A_207] : memref<2x128xi32, #tpu.memory_space<vmem>> -> memref<1x128xi32, #tpu.memory_space<vmem>>
      %dma_wait3A_209 = arith.constant 0 : i32
      %dma_wait3A_210 = tpu.memref_slice %arg4[%mul3A_0, %dma_wait3A_209] : memref<1280x128xi32, #tpu.memory_space<hbm>> -> memref<1x128xi32, #tpu.memory_space<hbm>>
      %dma_wait3A_211 = arith.constant 1 : i32
      %dma_wait3A_212 = arith.constant 0 : i32
      %dma_wait3A_213 = tpu.memref_slice %arg10[%dma_wait3A_211, %dma_wait3A_212] : memref<2x128xi32, #tpu.memory_space<vmem>> -> memref<1x128xi32, #tpu.memory_space<vmem>>
      %dma_wait3A_214 = arith.constant 0 : i32
      %dma_wait3A_215 = tpu.memref_slice %arg4[%mul3A_0, %dma_wait3A_214] : memref<1280x128xi32, #tpu.memory_space<hbm>> -> memref<1x128xi32, #tpu.memory_space<hbm>>
      tpu.wait_dma2 semaphore(%arg18 : memref<!tpu.dma_semaphore, #tpu.memory_space<semaphore_mem>>) src(%dma_wait3A_215 : memref<1x128xi32, #tpu.memory_space<hbm>>) dst(%dma_wait3A_213 : memref<1x128xi32, #tpu.memory_space<vmem>>)
      %dma_start3A_216 = arith.constant 1 : i32
      %dma_start3A_217 = arith.constant 0 : i32
      %dma_start3A_218 = tpu.memref_slice %arg10[%dma_start3A_216, %dma_start3A_217] : memref<2x128xi32, #tpu.memory_space<vmem>> -> memref<1x128xi32, #tpu.memory_space<vmem>>
      %dma_start3A_219 = tpu.memref_squeeze %dma_start3A_218 : memref<1x128xi32, #tpu.memory_space<vmem>> -> memref<128xi32, #tpu.memory_space<vmem>>
      %dma_start3A_220 = arith.constant 0 : i32
      %dma_start3A_221 = arith.constant 0 : i32
      %dma_start3A_222 = tpu.memref_slice %arg8[%dma_start3A_220, %dma_start3A_221] : memref<10240x64xf32, #tpu.memory_space<vmem_shared>> -> memref<10240x64xf32, #tpu.memory_space<vmem_shared>>
      tpu.enqueue_indirect_dma source(%arg12 : memref<128x64xf32, #tpu.memory_space<vmem>>) target(%dma_start3A_222 : memref<10240x64xf32, #tpu.memory_space<vmem_shared>>) offsets(%dma_start3A_219 : memref<128xi32, #tpu.memory_space<vmem>>) semaphore(%arg20 : memref<!tpu.dma_semaphore, #tpu.memory_space<semaphore_mem>>) {add = true}
      %add3A_223 = arith.constant 0 : i32
      %add3A_224 = arith.addi %mul3A_159, %add3A_223 : i32
      %add3A_225 = arith.constant 2 : i32
      %add3A_226 = arith.addi %add3A_224, %add3A_225 : i32
      %lt3A_227 = arith.constant 80 : i32
      %lt3A_228 = arith.cmpi slt, %add3A_226, %lt3A_227 : i32
      %convert_element_type3A_229 = arith.extui %lt3A_228 : i1 to i32
      %cond3A_230 = arith.constant 0 : i32
      %cond3A_231 = arith.cmpi ne, %convert_element_type3A_229, %cond3A_230 : i32
      scf.if %cond3A_231 {
        %dma_wait3A_241 = arith.constant 0 : i32
        %dma_wait3A_242 = arith.constant 0 : i32
        %dma_wait3A_243 = tpu.memref_slice %arg10[%dma_wait3A_241, %dma_wait3A_242] : memref<2x128xi32, #tpu.memory_space<vmem>> -> memref<1x128xi32, #tpu.memory_space<vmem>>
        %dma_wait3A_244 = tpu.memref_squeeze %dma_wait3A_243 : memref<1x128xi32, #tpu.memory_space<vmem>> -> memref<128xi32, #tpu.memory_space<vmem>>
        %dma_wait3A_245 = arith.constant 0 : i32
        %dma_wait3A_246 = arith.constant 0 : i32
        %dma_wait3A_247 = tpu.memref_slice %arg8[%dma_wait3A_245, %dma_wait3A_246] : memref<10240x64xf32, #tpu.memory_space<vmem_shared>> -> memref<10240x64xf32, #tpu.memory_space<vmem_shared>>
        tpu.wait_indirect_dma semaphore(%arg19 : memref<!tpu.dma_semaphore, #tpu.memory_space<semaphore_mem>>) src(%arg11 : memref<128x64xf32, #tpu.memory_space<vmem>>) dst(%dma_wait3A_247 : memref<10240x64xf32, #tpu.memory_space<vmem_shared>>)
        %add3A_248 = arith.constant 2 : i32
        %add3A_249 = arith.addi %add3A_224, %add3A_248 : i32
        %add3A_250 = arith.addi %mul3A_0, %add3A_249 : i32
        %dma_start3A_251 = arith.constant 0 : i32
        %dma_start3A_252 = arith.constant 0 : i32
        %dma_start3A_253 = tpu.memref_slice %arg10[%dma_start3A_251, %dma_start3A_252] : memref<2x128xi32, #tpu.memory_space<vmem>> -> memref<1x128xi32, #tpu.memory_space<vmem>>
        %dma_start3A_254 = arith.constant 0 : i32
        %dma_start3A_255 = tpu.memref_slice %arg4[%add3A_250, %dma_start3A_254] : memref<1280x128xi32, #tpu.memory_space<hbm>> -> memref<1x128xi32, #tpu.memory_space<hbm>>
        %dma_start3A_256 = arith.constant 0 : i32
        %dma_start3A_257 = arith.constant 0 : i32
        %dma_start3A_258 = tpu.memref_slice %arg10[%dma_start3A_256, %dma_start3A_257] : memref<2x128xi32, #tpu.memory_space<vmem>> -> memref<1x128xi32, #tpu.memory_space<vmem>>
        %dma_start3A_259 = arith.constant 0 : i32
        %dma_start3A_260 = tpu.memref_slice %arg4[%add3A_250, %dma_start3A_259] : memref<1280x128xi32, #tpu.memory_space<hbm>> -> memref<1x128xi32, #tpu.memory_space<hbm>>
        tpu.enqueue_dma source(%dma_start3A_260 : memref<1x128xi32, #tpu.memory_space<hbm>>) target(%dma_start3A_258 : memref<1x128xi32, #tpu.memory_space<vmem>>) target_semaphore(%arg17 : memref<!tpu.dma_semaphore, #tpu.memory_space<semaphore_mem>>)
        %dma_wait3A_261 = arith.constant 0 : i32
        %dma_wait3A_262 = arith.constant 0 : i32
        %dma_wait3A_263 = tpu.memref_slice %arg9[%dma_wait3A_261, %dma_wait3A_262] : memref<2x128xi32, #tpu.memory_space<vmem>> -> memref<1x128xi32, #tpu.memory_space<vmem>>
        %dma_wait3A_264 = arith.constant 0 : i32
        %dma_wait3A_265 = tpu.memref_slice %arg3[%mul3A_0, %dma_wait3A_264] : memref<1280x128xi32, #tpu.memory_space<hbm>> -> memref<1x128xi32, #tpu.memory_space<hbm>>
        %dma_wait3A_266 = arith.constant 0 : i32
        %dma_wait3A_267 = arith.constant 0 : i32
        %dma_wait3A_268 = tpu.memref_slice %arg9[%dma_wait3A_266, %dma_wait3A_267] : memref<2x128xi32, #tpu.memory_space<vmem>> -> memref<1x128xi32, #tpu.memory_space<vmem>>
        %dma_wait3A_269 = arith.constant 0 : i32
        %dma_wait3A_270 = tpu.memref_slice %arg3[%mul3A_0, %dma_wait3A_269] : memref<1280x128xi32, #tpu.memory_space<hbm>> -> memref<1x128xi32, #tpu.memory_space<hbm>>
        tpu.wait_dma2 semaphore(%arg15 : memref<!tpu.dma_semaphore, #tpu.memory_space<semaphore_mem>>) src(%dma_wait3A_270 : memref<1x128xi32, #tpu.memory_space<hbm>>) dst(%dma_wait3A_268 : memref<1x128xi32, #tpu.memory_space<vmem>>)
        %dma_start3A_271 = arith.constant 0 : i32
        %dma_start3A_272 = arith.constant 0 : i32
        %dma_start3A_273 = tpu.memref_slice %arg9[%dma_start3A_271, %dma_start3A_272] : memref<2x128xi32, #tpu.memory_space<vmem>> -> memref<1x128xi32, #tpu.memory_space<vmem>>
        %dma_start3A_274 = tpu.memref_squeeze %dma_start3A_273 : memref<1x128xi32, #tpu.memory_space<vmem>> -> memref<128xi32, #tpu.memory_space<vmem>>
        %dma_start3A_275 = arith.constant 0 : i32
        %dma_start3A_276 = arith.constant 0 : i32
        %dma_start3A_277 = tpu.memref_slice %arg7[%dma_start3A_275, %dma_start3A_276] : memref<10240x64xf32, #tpu.memory_space<vmem_shared>> -> memref<10240x64xf32, #tpu.memory_space<vmem_shared>>
        tpu.enqueue_indirect_dma source(%dma_start3A_277 : memref<10240x64xf32, #tpu.memory_space<vmem_shared>>) target(%arg11 : memref<128x64xf32, #tpu.memory_space<vmem>>) offsets(%dma_start3A_274 : memref<128xi32, #tpu.memory_space<vmem>>) semaphore(%arg13 : memref<!tpu.dma_semaphore, #tpu.memory_space<semaphore_mem>>)
      } else {
      }
      %add3A_232 = arith.constant 1 : i32
      %add3A_233 = arith.addi %mul3A_159, %add3A_232 : i32
      %add3A_234 = arith.constant 2 : i32
      %add3A_235 = arith.addi %add3A_233, %add3A_234 : i32
      %lt3A_236 = arith.constant 80 : i32
      %lt3A_237 = arith.cmpi slt, %add3A_235, %lt3A_236 : i32
      %convert_element_type3A_238 = arith.extui %lt3A_237 : i1 to i32
      %cond3A_239 = arith.constant 0 : i32
      %cond3A_240 = arith.cmpi ne, %convert_element_type3A_238, %cond3A_239 : i32
      scf.if %cond3A_240 {
        %dma_wait3A_241 = arith.constant 1 : i32
        %dma_wait3A_242 = arith.constant 0 : i32
        %dma_wait3A_243 = tpu.memref_slice %arg10[%dma_wait3A_241, %dma_wait3A_242] : memref<2x128xi32, #tpu.memory_space<vmem>> -> memref<1x128xi32, #tpu.memory_space<vmem>>
        %dma_wait3A_244 = tpu.memref_squeeze %dma_wait3A_243 : memref<1x128xi32, #tpu.memory_space<vmem>> -> memref<128xi32, #tpu.memory_space<vmem>>
        %dma_wait3A_245 = arith.constant 0 : i32
        %dma_wait3A_246 = arith.constant 0 : i32
        %dma_wait3A_247 = tpu.memref_slice %arg8[%dma_wait3A_245, %dma_wait3A_246] : memref<10240x64xf32, #tpu.memory_space<vmem_shared>> -> memref<10240x64xf32, #tpu.memory_space<vmem_shared>>
        tpu.wait_indirect_dma semaphore(%arg20 : memref<!tpu.dma_semaphore, #tpu.memory_space<semaphore_mem>>) src(%arg12 : memref<128x64xf32, #tpu.memory_space<vmem>>) dst(%dma_wait3A_247 : memref<10240x64xf32, #tpu.memory_space<vmem_shared>>)
        %add3A_248 = arith.constant 2 : i32
        %add3A_249 = arith.addi %add3A_233, %add3A_248 : i32
        %add3A_250 = arith.addi %mul3A_0, %add3A_249 : i32
        %dma_start3A_251 = arith.constant 1 : i32
        %dma_start3A_252 = arith.constant 0 : i32
        %dma_start3A_253 = tpu.memref_slice %arg10[%dma_start3A_251, %dma_start3A_252] : memref<2x128xi32, #tpu.memory_space<vmem>> -> memref<1x128xi32, #tpu.memory_space<vmem>>
        %dma_start3A_254 = arith.constant 0 : i32
        %dma_start3A_255 = tpu.memref_slice %arg4[%add3A_250, %dma_start3A_254] : memref<1280x128xi32, #tpu.memory_space<hbm>> -> memref<1x128xi32, #tpu.memory_space<hbm>>
        %dma_start3A_256 = arith.constant 1 : i32
        %dma_start3A_257 = arith.constant 0 : i32
        %dma_start3A_258 = tpu.memref_slice %arg10[%dma_start3A_256, %dma_start3A_257] : memref<2x128xi32, #tpu.memory_space<vmem>> -> memref<1x128xi32, #tpu.memory_space<vmem>>
        %dma_start3A_259 = arith.constant 0 : i32
        %dma_start3A_260 = tpu.memref_slice %arg4[%add3A_250, %dma_start3A_259] : memref<1280x128xi32, #tpu.memory_space<hbm>> -> memref<1x128xi32, #tpu.memory_space<hbm>>
        tpu.enqueue_dma source(%dma_start3A_260 : memref<1x128xi32, #tpu.memory_space<hbm>>) target(%dma_start3A_258 : memref<1x128xi32, #tpu.memory_space<vmem>>) target_semaphore(%arg18 : memref<!tpu.dma_semaphore, #tpu.memory_space<semaphore_mem>>)
        %dma_wait3A_261 = arith.constant 1 : i32
        %dma_wait3A_262 = arith.constant 0 : i32
        %dma_wait3A_263 = tpu.memref_slice %arg9[%dma_wait3A_261, %dma_wait3A_262] : memref<2x128xi32, #tpu.memory_space<vmem>> -> memref<1x128xi32, #tpu.memory_space<vmem>>
        %dma_wait3A_264 = arith.constant 0 : i32
        %dma_wait3A_265 = tpu.memref_slice %arg3[%mul3A_0, %dma_wait3A_264] : memref<1280x128xi32, #tpu.memory_space<hbm>> -> memref<1x128xi32, #tpu.memory_space<hbm>>
        %dma_wait3A_266 = arith.constant 1 : i32
        %dma_wait3A_267 = arith.constant 0 : i32
        %dma_wait3A_268 = tpu.memref_slice %arg9[%dma_wait3A_266, %dma_wait3A_267] : memref<2x128xi32, #tpu.memory_space<vmem>> -> memref<1x128xi32, #tpu.memory_space<vmem>>
        %dma_wait3A_269 = arith.constant 0 : i32
        %dma_wait3A_270 = tpu.memref_slice %arg3[%mul3A_0, %dma_wait3A_269] : memref<1280x128xi32, #tpu.memory_space<hbm>> -> memref<1x128xi32, #tpu.memory_space<hbm>>
        tpu.wait_dma2 semaphore(%arg16 : memref<!tpu.dma_semaphore, #tpu.memory_space<semaphore_mem>>) src(%dma_wait3A_270 : memref<1x128xi32, #tpu.memory_space<hbm>>) dst(%dma_wait3A_268 : memref<1x128xi32, #tpu.memory_space<vmem>>)
        %dma_start3A_271 = arith.constant 1 : i32
        %dma_start3A_272 = arith.constant 0 : i32
        %dma_start3A_273 = tpu.memref_slice %arg9[%dma_start3A_271, %dma_start3A_272] : memref<2x128xi32, #tpu.memory_space<vmem>> -> memref<1x128xi32, #tpu.memory_space<vmem>>
        %dma_start3A_274 = tpu.memref_squeeze %dma_start3A_273 : memref<1x128xi32, #tpu.memory_space<vmem>> -> memref<128xi32, #tpu.memory_space<vmem>>
        %dma_start3A_275 = arith.constant 0 : i32
        %dma_start3A_276 = arith.constant 0 : i32
        %dma_start3A_277 = tpu.memref_slice %arg7[%dma_start3A_275, %dma_start3A_276] : memref<10240x64xf32, #tpu.memory_space<vmem_shared>> -> memref<10240x64xf32, #tpu.memory_space<vmem_shared>>
        tpu.enqueue_indirect_dma source(%dma_start3A_277 : memref<10240x64xf32, #tpu.memory_space<vmem_shared>>) target(%arg12 : memref<128x64xf32, #tpu.memory_space<vmem>>) offsets(%dma_start3A_274 : memref<128xi32, #tpu.memory_space<vmem>>) semaphore(%arg14 : memref<!tpu.dma_semaphore, #tpu.memory_space<semaphore_mem>>)
      } else {
      }
    }
    %scan3A_135 = arith.constant 40 : i32
    %dma_wait3A_136 = arith.constant 0 : i32
    %dma_wait3A_137 = arith.constant 0 : i32
    %dma_wait3A_138 = tpu.memref_slice %arg10[%dma_wait3A_136, %dma_wait3A_137] : memref<2x128xi32, #tpu.memory_space<vmem>> -> memref<1x128xi32, #tpu.memory_space<vmem>>
    %dma_wait3A_139 = tpu.memref_squeeze %dma_wait3A_138 : memref<1x128xi32, #tpu.memory_space<vmem>> -> memref<128xi32, #tpu.memory_space<vmem>>
    %dma_wait3A_140 = arith.constant 0 : i32
    %dma_wait3A_141 = arith.constant 0 : i32
    %dma_wait3A_142 = tpu.memref_slice %arg8[%dma_wait3A_140, %dma_wait3A_141] : memref<10240x64xf32, #tpu.memory_space<vmem_shared>> -> memref<10240x64xf32, #tpu.memory_space<vmem_shared>>
    tpu.wait_indirect_dma semaphore(%arg19 : memref<!tpu.dma_semaphore, #tpu.memory_space<semaphore_mem>>) src(%arg11 : memref<128x64xf32, #tpu.memory_space<vmem>>) dst(%dma_wait3A_142 : memref<10240x64xf32, #tpu.memory_space<vmem_shared>>)
    %dma_wait3A_143 = arith.constant 1 : i32
    %dma_wait3A_144 = arith.constant 0 : i32
    %dma_wait3A_145 = tpu.memref_slice %arg10[%dma_wait3A_143, %dma_wait3A_144] : memref<2x128xi32, #tpu.memory_space<vmem>> -> memref<1x128xi32, #tpu.memory_space<vmem>>
    %dma_wait3A_146 = tpu.memref_squeeze %dma_wait3A_145 : memref<1x128xi32, #tpu.memory_space<vmem>> -> memref<128xi32, #tpu.memory_space<vmem>>
    %dma_wait3A_147 = arith.constant 0 : i32
    %dma_wait3A_148 = arith.constant 0 : i32
    %dma_wait3A_149 = tpu.memref_slice %arg8[%dma_wait3A_147, %dma_wait3A_148] : memref<10240x64xf32, #tpu.memory_space<vmem_shared>> -> memref<10240x64xf32, #tpu.memory_space<vmem_shared>>
    tpu.wait_indirect_dma semaphore(%arg20 : memref<!tpu.dma_semaphore, #tpu.memory_space<semaphore_mem>>) src(%arg12 : memref<128x64xf32, #tpu.memory_space<vmem>>) dst(%dma_wait3A_149 : memref<10240x64xf32, #tpu.memory_space<vmem_shared>>)
    %barrier3A_150 = arith.constant 0 : index
    tpu.barrier barrier_id(%barrier3A_150)
    %scan3A_151 = arith.constant 0 : i32
    %scan3A_152 = arith.constant 0 : i32
    %scan3A_153 = arith.constant 5 : i32
    %scan3A_154 = arith.addi %scan3A_152, %scan3A_153 : i32
    %scan3A_155 = arith.constant 1 : i32
    scf.for %scan3A_157 = %scan3A_152 to %scan3A_154 step %scan3A_155  : i32 {
      %mul3A_158 = arith.constant 128 : i32
      %mul3A_159 = arith.muli %scan3A_157, %mul3A_158 : i32
      %add3A_160 = arith.addi %mul3A_2, %mul3A_159 : i32
      "tpu.region"() ({
        %run_scoped3A = tpu.sem_alloc : memref<!tpu.dma_semaphore, #tpu.memory_space<semaphore_mem>>
        %dma_start3A_167 = arith.constant 0 : i32
        %dma_start3A_168 = tpu.memref_slice %arg8[%add3A_160, %dma_start3A_167] : memref<10240x64xf32, #tpu.memory_space<vmem_shared>> -> memref<128x64xf32, #tpu.memory_space<vmem_shared>>
        %dma_start3A_169 = arith.constant 0 : i32
        %dma_start3A_170 = tpu.memref_slice %arg8[%add3A_160, %dma_start3A_169] : memref<10240x64xf32, #tpu.memory_space<vmem_shared>> -> memref<128x64xf32, #tpu.memory_space<vmem_shared>>
        tpu.enqueue_dma source(%dma_start3A_170 : memref<128x64xf32, #tpu.memory_space<vmem_shared>>) target(%arg11 : memref<128x64xf32, #tpu.memory_space<vmem>>) target_semaphore(%run_scoped3A : memref<!tpu.dma_semaphore, #tpu.memory_space<semaphore_mem>>)
        %dma_wait3A_171 = arith.constant 0 : i32
        %dma_wait3A_172 = tpu.memref_slice %arg8[%add3A_160, %dma_wait3A_171] : memref<10240x64xf32, #tpu.memory_space<vmem_shared>> -> memref<128x64xf32, #tpu.memory_space<vmem_shared>>
        %dma_wait3A_173 = arith.constant 0 : i32
        %dma_wait3A_174 = tpu.memref_slice %arg8[%add3A_160, %dma_wait3A_173] : memref<10240x64xf32, #tpu.memory_space<vmem_shared>> -> memref<128x64xf32, #tpu.memory_space<vmem_shared>>
        tpu.wait_dma2 semaphore(%run_scoped3A : memref<!tpu.dma_semaphore, #tpu.memory_space<semaphore_mem>>) src(%dma_wait3A_174 : memref<128x64xf32, #tpu.memory_space<vmem_shared>>) dst(%arg11 : memref<128x64xf32, #tpu.memory_space<vmem>>)
        tpu.yield
      }) : () -> ()
      %mul3A_161 = arith.constant 10240 : i32
      %mul3A_162 = arith.muli %add3A_81, %mul3A_161 : i32
      %add3A_163 = arith.addi %mul3A_162, %mul3A_2 : i32
      %mul3A_164 = arith.constant 128 : i32
      %mul3A_165 = arith.muli %scan3A_157, %mul3A_164 : i32
      %add3A_166 = arith.addi %add3A_163, %mul3A_165 : i32
      "tpu.region"() ({
        %run_scoped3A = tpu.sem_alloc : memref<!tpu.dma_semaphore, #tpu.memory_space<semaphore_mem>>
        %dma_start3A_167 = arith.constant 0 : i32
        %dma_start3A_168 = tpu.memref_slice %arg6[%add3A_166, %dma_start3A_167] : memref<40960x64xf32, #tpu.memory_space<hbm>> -> memref<128x64xf32, #tpu.memory_space<hbm>>
        %dma_start3A_169 = arith.constant 0 : i32
        %dma_start3A_170 = tpu.memref_slice %arg6[%add3A_166, %dma_start3A_169] : memref<40960x64xf32, #tpu.memory_space<hbm>> -> memref<128x64xf32, #tpu.memory_space<hbm>>
        tpu.enqueue_dma source(%arg11 : memref<128x64xf32, #tpu.memory_space<vmem>>) target(%dma_start3A_170 : memref<128x64xf32, #tpu.memory_space<hbm>>) target_semaphore(%run_scoped3A : memref<!tpu.dma_semaphore, #tpu.memory_space<semaphore_mem>>)
        %dma_wait3A_171 = arith.constant 0 : i32
        %dma_wait3A_172 = tpu.memref_slice %arg6[%add3A_166, %dma_wait3A_171] : memref<40960x64xf32, #tpu.memory_space<hbm>> -> memref<128x64xf32, #tpu.memory_space<hbm>>
        %dma_wait3A_173 = arith.constant 0 : i32
        %dma_wait3A_174 = tpu.memref_slice %arg6[%add3A_166, %dma_wait3A_173] : memref<40960x64xf32, #tpu.memory_space<hbm>> -> memref<128x64xf32, #tpu.memory_space<hbm>>
        tpu.wait_dma2 semaphore(%run_scoped3A : memref<!tpu.dma_semaphore, #tpu.memory_space<semaphore_mem>>) src(%arg11 : memref<128x64xf32, #tpu.memory_space<vmem>>) dst(%dma_wait3A_174 : memref<128x64xf32, #tpu.memory_space<hbm>>)
        tpu.yield
      }) : () -> ()
    }
    %scan3A_156 = arith.constant 5 : i32
    return
  }
}

module attributes {stable_mosaic.version = 14 : i64} {
  func.func @_tc1_body(%arg0: i32, %arg1: memref<2048x256xf32, #tpu.memory_space<vmem>>, %arg2: memref<256x256xf32, #tpu.memory_space<vmem>>, %arg3: memref<2x2048xf32, #tpu.memory_space<vmem>>, %arg4: memref<128x256xf32, #tpu.memory_space<vmem>>, %arg5: memref<256x256xf32, #tpu.memory_space<vmem>>, %arg6: memref<1x256xf32, #tpu.memory_space<vmem>>, %arg7: memref<1x256xf32, #tpu.memory_space<vmem>>, %arg8: memref<4x2048x64xf32, #tpu.memory_space<vmem>>, %arg9: memref<128x256xf32, #tpu.memory_space<vmem>>, %arg10: memref<1x256xf32, #tpu.memory_space<vmem>>) attributes {dimension_semantics = [#tpu.dimension_semantics<arbitrary>], iteration_bounds = array<i64: 5>, scalar_prefetch = 0 : i64, scratch_operands = 0 : i64, tpu.core_type = #tpu.core_type<tc>, window_params = [{transform_indices = @transform_0, window_bounds = array<i64: 2048, 256>}, {pipeline_mode = #tpu.pipeline_mode<synchronous>, transform_indices = @transform_1, window_bounds = array<i64: 256, 256>}, {transform_indices = @transform_2, window_bounds = array<i64: 2, 2048>}, {pipeline_mode = #tpu.pipeline_mode<synchronous>, transform_indices = @transform_3, window_bounds = array<i64: 128, 256>}, {pipeline_mode = #tpu.pipeline_mode<synchronous>, transform_indices = @transform_4, window_bounds = array<i64: 256, 256>}, {pipeline_mode = #tpu.pipeline_mode<synchronous>, transform_indices = @transform_5, window_bounds = array<i64: 1, 256>}, {pipeline_mode = #tpu.pipeline_mode<synchronous>, transform_indices = @transform_6, window_bounds = array<i64: 1, 256>}, {transform_indices = @transform_7, window_bounds = array<i64: 4, 2048, 64>}, {pipeline_mode = #tpu.pipeline_mode<synchronous>, transform_indices = @transform_8, window_bounds = array<i64: 128, 256>}, {pipeline_mode = #tpu.pipeline_mode<synchronous>, transform_indices = @transform_9, window_bounds = array<i64: 1, 256>}]} {
    %get3A = arith.constant 0 : index
    %get3A_0 = arith.constant 0 : index
    %get3A_1 = vector.load %arg3[%get3A, %get3A_0] : memref<2x2048xf32, #tpu.memory_space<vmem>>, vector<1x2048xf32>
    %get3A_2 = vector.shape_cast %get3A_1 : vector<1x2048xf32> to vector<2048xf32>
    %get3A_3 = arith.constant 1 : index
    %get3A_4 = arith.constant 0 : index
    %get3A_5 = vector.load %arg3[%get3A_3, %get3A_4] : memref<2x2048xf32, #tpu.memory_space<vmem>>, vector<1x2048xf32>
    %get3A_6 = vector.shape_cast %get3A_5 : vector<1x2048xf32> to vector<2048xf32>
    %add3A = arith.addf %get3A_2, %get3A_6 : vector<2048xf32>
    %add3A_7 = arith.constant 1.000000e+00 : f32
    %add3A_8 = vector.broadcast %add3A_7 : f32 to vector<2048xf32>
    %add3A_9 = arith.addf %add3A, %add3A_8 : vector<2048xf32>
    %rsqrt3A = math.rsqrt %add3A_9 : vector<2048xf32>
    %get3A_10 = arith.constant 0 : index
    %get3A_11 = arith.constant 0 : index
    %get3A_12 = vector.load %arg1[%get3A_10, %get3A_11] : memref<2048x256xf32, #tpu.memory_space<vmem>>, vector<2048x256xf32>
    %get3A_13 = arith.constant 0 : index
    %get3A_14 = arith.constant 0 : index
    %get3A_15 = vector.load %arg2[%get3A_13, %get3A_14] : memref<256x256xf32, #tpu.memory_space<vmem>>, vector<256x256xf32>
    %dot_general3A = arith.constant dense<0.000000e+00> : vector<2048x256xf32>
    %dot_general3A_16 = tpu.matmul %get3A_12, %get3A_15, %dot_general3A {dimension_numbers = #tpu.dot_dimension_numbers<[1], [0], [0], [1], [0, 0, 1, 1], [], []>, transpose_lhs_hint = false} : vector<2048x256xf32>, vector<256x256xf32>, vector<2048x256xf32> -> vector<2048x256xf32>
    %broadcast_in_dim3A = vector.shape_cast %rsqrt3A : vector<2048xf32> to vector<2048x1xf32>
    %mul3A = vector.broadcast %broadcast_in_dim3A : vector<2048x1xf32> to vector<2048x256xf32>
    %mul3A_17 = arith.mulf %dot_general3A_16, %mul3A : vector<2048x256xf32>
    %slice3A = vector.extract_strided_slice %mul3A_17 {offsets = [0, 0], sizes = [2048, 64], strides = [1, 1]} : vector<2048x256xf32> to vector<2048x64xf32>
    %swap3A = arith.constant 0 : index
    %swap3A_18 = arith.constant 0 : index
    %swap3A_19 = arith.constant 0 : index
    %swap3A_20 = vector.load %arg8[%swap3A, %swap3A_18, %swap3A_19] : memref<4x2048x64xf32, #tpu.memory_space<vmem>>, vector<1x2048x64xf32>
    %swap3A_21 = vector.shape_cast %swap3A_20 : vector<1x2048x64xf32> to vector<2048x64xf32>
    %swap3A_22 = vector.shape_cast %slice3A : vector<2048x64xf32> to vector<1x2048x64xf32>
    tpu.vector_store %arg8[%swap3A, %swap3A_18, %swap3A_19], %swap3A_22 {strides = array<i32>} : memref<4x2048x64xf32, #tpu.memory_space<vmem>>, vector<1x2048x64xf32>,
    %slice3A_23 = vector.extract_strided_slice %mul3A_17 {offsets = [0, 64], sizes = [2048, 64], strides = [1, 1]} : vector<2048x256xf32> to vector<2048x64xf32>
    %swap3A_24 = arith.constant 1 : index
    %swap3A_25 = arith.constant 0 : index
    %swap3A_26 = arith.constant 0 : index
    %swap3A_27 = vector.load %arg8[%swap3A_24, %swap3A_25, %swap3A_26] : memref<4x2048x64xf32, #tpu.memory_space<vmem>>, vector<1x2048x64xf32>
    %swap3A_28 = vector.shape_cast %swap3A_27 : vector<1x2048x64xf32> to vector<2048x64xf32>
    %swap3A_29 = vector.shape_cast %slice3A_23 : vector<2048x64xf32> to vector<1x2048x64xf32>
    tpu.vector_store %arg8[%swap3A_24, %swap3A_25, %swap3A_26], %swap3A_29 {strides = array<i32>} : memref<4x2048x64xf32, #tpu.memory_space<vmem>>, vector<1x2048x64xf32>,
    %slice3A_30 = vector.extract_strided_slice %mul3A_17 {offsets = [0, 128], sizes = [2048, 64], strides = [1, 1]} : vector<2048x256xf32> to vector<2048x64xf32>
    %swap3A_31 = arith.constant 2 : index
    %swap3A_32 = arith.constant 0 : index
    %swap3A_33 = arith.constant 0 : index
    %swap3A_34 = vector.load %arg8[%swap3A_31, %swap3A_32, %swap3A_33] : memref<4x2048x64xf32, #tpu.memory_space<vmem>>, vector<1x2048x64xf32>
    %swap3A_35 = vector.shape_cast %swap3A_34 : vector<1x2048x64xf32> to vector<2048x64xf32>
    %swap3A_36 = vector.shape_cast %slice3A_30 : vector<2048x64xf32> to vector<1x2048x64xf32>
    tpu.vector_store %arg8[%swap3A_31, %swap3A_32, %swap3A_33], %swap3A_36 {strides = array<i32>} : memref<4x2048x64xf32, #tpu.memory_space<vmem>>, vector<1x2048x64xf32>,
    %slice3A_37 = vector.extract_strided_slice %mul3A_17 {offsets = [0, 192], sizes = [2048, 64], strides = [1, 1]} : vector<2048x256xf32> to vector<2048x64xf32>
    %swap3A_38 = arith.constant 3 : index
    %swap3A_39 = arith.constant 0 : index
    %swap3A_40 = arith.constant 0 : index
    %swap3A_41 = vector.load %arg8[%swap3A_38, %swap3A_39, %swap3A_40] : memref<4x2048x64xf32, #tpu.memory_space<vmem>>, vector<1x2048x64xf32>
    %swap3A_42 = vector.shape_cast %swap3A_41 : vector<1x2048x64xf32> to vector<2048x64xf32>
    %swap3A_43 = vector.shape_cast %slice3A_37 : vector<2048x64xf32> to vector<1x2048x64xf32>
    tpu.vector_store %arg8[%swap3A_38, %swap3A_39, %swap3A_40], %swap3A_43 {strides = array<i32>} : memref<4x2048x64xf32, #tpu.memory_space<vmem>>, vector<1x2048x64xf32>,
    %eq3A = arith.constant 0 : i32
    %eq3A_44 = arith.cmpi eq, %arg0, %eq3A : i32
    %convert_element_type3A = arith.extui %eq3A_44 : i1 to i32
    %cond3A = arith.constant 0 : i32
    %cond3A_45 = arith.cmpi ne, %convert_element_type3A, %cond3A : i32
    scf.if %cond3A_45 {
      %get3A_46 = arith.constant 0 : index
      %get3A_47 = arith.constant 0 : index
      %get3A_48 = vector.load %arg4[%get3A_46, %get3A_47] : memref<128x256xf32, #tpu.memory_space<vmem>>, vector<128x256xf32>
      %get3A_49 = arith.constant 0 : index
      %get3A_50 = arith.constant 0 : index
      %get3A_51 = vector.load %arg5[%get3A_49, %get3A_50] : memref<256x256xf32, #tpu.memory_space<vmem>>, vector<256x256xf32>
      %dot_general3A_52 = arith.constant dense<0.000000e+00> : vector<128x256xf32>
      %dot_general3A_53 = tpu.matmul %get3A_48, %get3A_51, %dot_general3A_52 {dimension_numbers = #tpu.dot_dimension_numbers<[1], [0], [0], [1], [0, 0, 1, 1], [], []>, transpose_lhs_hint = false} : vector<128x256xf32>, vector<256x256xf32>, vector<128x256xf32> -> vector<128x256xf32>
      %swap3A_54 = arith.constant 0 : index
      %swap3A_55 = arith.constant 0 : index
      %swap3A_56 = vector.load %arg9[%swap3A_54, %swap3A_55] : memref<128x256xf32, #tpu.memory_space<vmem>>, vector<128x256xf32>
      tpu.vector_store %arg9[%swap3A_54, %swap3A_55], %dot_general3A_53 {strides = array<i32>} : memref<128x256xf32, #tpu.memory_space<vmem>>, vector<128x256xf32>,
      %get3A_57 = arith.constant 0 : index
      %get3A_58 = arith.constant 0 : index
      %get3A_59 = vector.load %arg6[%get3A_57, %get3A_58] : memref<1x256xf32, #tpu.memory_space<vmem>>, vector<1x256xf32>
      %get3A_60 = arith.constant 0 : index
      %get3A_61 = arith.constant 0 : index
      %get3A_62 = vector.load %arg5[%get3A_60, %get3A_61] : memref<256x256xf32, #tpu.memory_space<vmem>>, vector<256x256xf32>
      %dot_general3A_63 = arith.constant dense<0.000000e+00> : vector<1x256xf32>
      %dot_general3A_64 = tpu.matmul %get3A_59, %get3A_62, %dot_general3A_63 {dimension_numbers = #tpu.dot_dimension_numbers<[1], [0], [0], [1], [0, 0, 1, 1], [], []>, transpose_lhs_hint = false} : vector<1x256xf32>, vector<256x256xf32>, vector<1x256xf32> -> vector<1x256xf32>
      %get3A_65 = arith.constant 0 : index
      %get3A_66 = arith.constant 0 : index
      %get3A_67 = vector.load %arg7[%get3A_65, %get3A_66] : memref<1x256xf32, #tpu.memory_space<vmem>>, vector<1x256xf32>
      %add3A_68 = arith.addf %dot_general3A_64, %get3A_67 : vector<1x256xf32>
      %swap3A_69 = arith.constant 0 : index
      %swap3A_70 = arith.constant 0 : index
      %swap3A_71 = vector.load %arg10[%swap3A_69, %swap3A_70] : memref<1x256xf32, #tpu.memory_space<vmem>>, vector<1x256xf32>
      tpu.vector_store %arg10[%swap3A_69, %swap3A_70], %add3A_68 {strides = array<i32>} : memref<1x256xf32, #tpu.memory_space<vmem>>, vector<1x256xf32>,
    } else {
    }
    return
  }
  func.func @transform_0(%arg0: i32) -> (i32, i32) {
    %c0_i32 = arith.constant 0 : i32
    %c0_i32_0 = arith.constant 0 : i32
    return %arg0, %c0_i32 : i32, i32
  }
  func.func @transform_1(%arg0: i32) -> (i32, i32) {
    %c0_i32 = arith.constant 0 : i32
    %c0_i32_0 = arith.constant 0 : i32
    %c0_i32_1 = arith.constant 0 : i32
    return %c0_i32, %c0_i32_0 : i32, i32
  }
  func.func @transform_2(%arg0: i32) -> (i32, i32) {
    %c0_i32 = arith.constant 0 : i32
    %c0_i32_0 = arith.constant 0 : i32
    return %c0_i32, %arg0 : i32, i32
  }
  func.func @transform_3(%arg0: i32) -> (i32, i32) {
    %c0_i32 = arith.constant 0 : i32
    %c0_i32_0 = arith.constant 0 : i32
    %c0_i32_1 = arith.constant 0 : i32
    return %c0_i32, %c0_i32_0 : i32, i32
  }
  func.func @transform_4(%arg0: i32) -> (i32, i32) {
    %c0_i32 = arith.constant 0 : i32
    %c0_i32_0 = arith.constant 0 : i32
    %c0_i32_1 = arith.constant 0 : i32
    return %c0_i32, %c0_i32_0 : i32, i32
  }
  func.func @transform_5(%arg0: i32) -> (i32, i32) {
    %c0_i32 = arith.constant 0 : i32
    %c0_i32_0 = arith.constant 0 : i32
    %c0_i32_1 = arith.constant 0 : i32
    return %c0_i32, %c0_i32_0 : i32, i32
  }
  func.func @transform_6(%arg0: i32) -> (i32, i32) {
    %c0_i32 = arith.constant 0 : i32
    %c0_i32_0 = arith.constant 0 : i32
    %c0_i32_1 = arith.constant 0 : i32
    return %c0_i32, %c0_i32_0 : i32, i32
  }
  func.func @transform_7(%arg0: i32) -> (i32, i32, i32) {
    %c0_i32 = arith.constant 0 : i32
    %c0_i32_0 = arith.constant 0 : i32
    %c0_i32_1 = arith.constant 0 : i32
    return %c0_i32, %arg0, %c0_i32_0 : i32, i32, i32
  }
  func.func @transform_8(%arg0: i32) -> (i32, i32) {
    %c0_i32 = arith.constant 0 : i32
    %c0_i32_0 = arith.constant 0 : i32
    %c0_i32_1 = arith.constant 0 : i32
    return %c0_i32, %c0_i32_0 : i32, i32
  }
  func.func @transform_9(%arg0: i32) -> (i32, i32) {
    %c0_i32 = arith.constant 0 : i32
    %c0_i32_0 = arith.constant 0 : i32
    %c0_i32_1 = arith.constant 0 : i32
    return %c0_i32, %c0_i32_0 : i32, i32
  }
}

module attributes {stable_mosaic.version = 14 : i64} {
  func.func @_tc2_body(%arg0: i32, %arg1: memref<4x2048x64xf32, #tpu.memory_space<vmem>>, %arg2: memref<4x2048x64xf32, #tpu.memory_space<vmem>>, %arg3: memref<2x2048xf32, #tpu.memory_space<vmem>>, %arg4: memref<1x256xf32, #tpu.memory_space<vmem>>, %arg5: memref<256x128xf32, #tpu.memory_space<vmem>>, %arg6: memref<2x2048x64xf32, #tpu.memory_space<vmem>>) attributes {dimension_semantics = [#tpu.dimension_semantics<arbitrary>], iteration_bounds = array<i64: 5>, scalar_prefetch = 0 : i64, scratch_operands = 0 : i64, tpu.core_type = #tpu.core_type<tc>, window_params = [{transform_indices = @transform_0, window_bounds = array<i64: 4, 2048, 64>}, {transform_indices = @transform_1, window_bounds = array<i64: 4, 2048, 64>}, {transform_indices = @transform_2, window_bounds = array<i64: 2, 2048>}, {pipeline_mode = #tpu.pipeline_mode<synchronous>, transform_indices = @transform_3, window_bounds = array<i64: 1, 256>}, {pipeline_mode = #tpu.pipeline_mode<synchronous>, transform_indices = @transform_4, window_bounds = array<i64: 256, 128>}, {transform_indices = @transform_5, window_bounds = array<i64: 2, 2048, 64>}]} {
    %get3A = arith.constant 0 : index
    %get3A_0 = arith.constant 0 : index
    %get3A_1 = vector.load %arg3[%get3A, %get3A_0] : memref<2x2048xf32, #tpu.memory_space<vmem>>, vector<1x2048xf32>
    %get3A_2 = vector.shape_cast %get3A_1 : vector<1x2048xf32> to vector<2048xf32>
    %get3A_3 = arith.constant 1 : index
    %get3A_4 = arith.constant 0 : index
    %get3A_5 = vector.load %arg3[%get3A_3, %get3A_4] : memref<2x2048xf32, #tpu.memory_space<vmem>>, vector<1x2048xf32>
    %get3A_6 = vector.shape_cast %get3A_5 : vector<1x2048xf32> to vector<2048xf32>
    %add3A = arith.addf %get3A_2, %get3A_6 : vector<2048xf32>
    %add3A_7 = arith.constant 1.000000e+00 : f32
    %add3A_8 = vector.broadcast %add3A_7 : f32 to vector<2048xf32>
    %add3A_9 = arith.addf %add3A, %add3A_8 : vector<2048xf32>
    %rsqrt3A = math.rsqrt %add3A_9 : vector<2048xf32>
    %get3A_10 = arith.constant 0 : index
    %get3A_11 = arith.constant 0 : index
    %get3A_12 = arith.constant 0 : index
    %get3A_13 = vector.load %arg1[%get3A_10, %get3A_11, %get3A_12] : memref<4x2048x64xf32, #tpu.memory_space<vmem>>, vector<1x2048x64xf32>
    %get3A_14 = vector.shape_cast %get3A_13 : vector<1x2048x64xf32> to vector<2048x64xf32>
    %get3A_15 = arith.constant 0 : index
    %get3A_16 = arith.constant 0 : index
    %get3A_17 = arith.constant 0 : index
    %get3A_18 = vector.load %arg2[%get3A_15, %get3A_16, %get3A_17] : memref<4x2048x64xf32, #tpu.memory_space<vmem>>, vector<1x2048x64xf32>
    %get3A_19 = vector.shape_cast %get3A_18 : vector<1x2048x64xf32> to vector<2048x64xf32>
    %add3A_20 = arith.addf %get3A_14, %get3A_19 : vector<2048x64xf32>
    %broadcast_in_dim3A = vector.shape_cast %rsqrt3A : vector<2048xf32> to vector<2048x1xf32>
    %mul3A = vector.broadcast %broadcast_in_dim3A : vector<2048x1xf32> to vector<2048x64xf32>
    %mul3A_21 = arith.mulf %add3A_20, %mul3A : vector<2048x64xf32>
    %get3A_22 = arith.constant 0 : index
    %get3A_23 = arith.constant 0 : index
    %get3A_24 = vector.load %arg4[%get3A_22, %get3A_23] : memref<1x256xf32, #tpu.memory_space<vmem>>, vector<1x64xf32>
    %add3A_25 = vector.broadcast %get3A_24 : vector<1x64xf32> to vector<2048x64xf32>
    %add3A_26 = arith.addf %mul3A_21, %add3A_25 : vector<2048x64xf32>
    %max3A = arith.constant 0.000000e+00 : f32
    %max3A_27 = vector.broadcast %max3A : f32 to vector<2048x64xf32>
    %max3A_28 = arith.maximumf %add3A_26, %max3A_27 : vector<2048x64xf32>
    %get3A_29 = arith.constant 0 : index
    %get3A_30 = arith.constant 0 : index
    %get3A_31 = vector.load %arg5[%get3A_29, %get3A_30] : memref<256x128xf32, #tpu.memory_space<vmem>>, vector<64x128xf32>
    %dot_general3A = arith.constant dense<0.000000e+00> : vector<2048x128xf32>
    %dot_general3A_32 = tpu.matmul %max3A_28, %get3A_31, %dot_general3A {dimension_numbers = #tpu.dot_dimension_numbers<[1], [0], [0], [1], [0, 0, 1, 1], [], []>, transpose_lhs_hint = false} : vector<2048x64xf32>, vector<64x128xf32>, vector<2048x128xf32> -> vector<2048x128xf32>
    %get3A_33 = arith.constant 1 : index
    %get3A_34 = arith.constant 0 : index
    %get3A_35 = arith.constant 0 : index
    %get3A_36 = vector.load %arg1[%get3A_33, %get3A_34, %get3A_35] : memref<4x2048x64xf32, #tpu.memory_space<vmem>>, vector<1x2048x64xf32>
    %get3A_37 = vector.shape_cast %get3A_36 : vector<1x2048x64xf32> to vector<2048x64xf32>
    %get3A_38 = arith.constant 1 : index
    %get3A_39 = arith.constant 0 : index
    %get3A_40 = arith.constant 0 : index
    %get3A_41 = vector.load %arg2[%get3A_38, %get3A_39, %get3A_40] : memref<4x2048x64xf32, #tpu.memory_space<vmem>>, vector<1x2048x64xf32>
    %get3A_42 = vector.shape_cast %get3A_41 : vector<1x2048x64xf32> to vector<2048x64xf32>
    %add3A_43 = arith.addf %get3A_37, %get3A_42 : vector<2048x64xf32>
    %broadcast_in_dim3A_44 = vector.shape_cast %rsqrt3A : vector<2048xf32> to vector<2048x1xf32>
    %mul3A_45 = vector.broadcast %broadcast_in_dim3A_44 : vector<2048x1xf32> to vector<2048x64xf32>
    %mul3A_46 = arith.mulf %add3A_43, %mul3A_45 : vector<2048x64xf32>
    %get3A_47 = arith.constant 0 : index
    %get3A_48 = arith.constant 64 : index
    %get3A_49 = vector.load %arg4[%get3A_47, %get3A_48] : memref<1x256xf32, #tpu.memory_space<vmem>>, vector<1x64xf32>
    %add3A_50 = vector.broadcast %get3A_49 : vector<1x64xf32> to vector<2048x64xf32>
    %add3A_51 = arith.addf %mul3A_46, %add3A_50 : vector<2048x64xf32>
    %max3A_52 = arith.constant 0.000000e+00 : f32
    %max3A_53 = vector.broadcast %max3A_52 : f32 to vector<2048x64xf32>
    %max3A_54 = arith.maximumf %add3A_51, %max3A_53 : vector<2048x64xf32>
    %get3A_55 = arith.constant 64 : index
    %get3A_56 = arith.constant 0 : index
    %get3A_57 = vector.load %arg5[%get3A_55, %get3A_56] : memref<256x128xf32, #tpu.memory_space<vmem>>, vector<64x128xf32>
    %dot_general3A_58 = arith.constant dense<0.000000e+00> : vector<2048x128xf32>
    %dot_general3A_59 = tpu.matmul %max3A_54, %get3A_57, %dot_general3A_58 {dimension_numbers = #tpu.dot_dimension_numbers<[1], [0], [0], [1], [0, 0, 1, 1], [], []>, transpose_lhs_hint = false} : vector<2048x64xf32>, vector<64x128xf32>, vector<2048x128xf32> -> vector<2048x128xf32>
    %add3A_60 = arith.addf %dot_general3A_32, %dot_general3A_59 : vector<2048x128xf32>
    %get3A_61 = arith.constant 2 : index
    %get3A_62 = arith.constant 0 : index
    %get3A_63 = arith.constant 0 : index
    %get3A_64 = vector.load %arg1[%get3A_61, %get3A_62, %get3A_63] : memref<4x2048x64xf32, #tpu.memory_space<vmem>>, vector<1x2048x64xf32>
    %get3A_65 = vector.shape_cast %get3A_64 : vector<1x2048x64xf32> to vector<2048x64xf32>
    %get3A_66 = arith.constant 2 : index
    %get3A_67 = arith.constant 0 : index
    %get3A_68 = arith.constant 0 : index
    %get3A_69 = vector.load %arg2[%get3A_66, %get3A_67, %get3A_68] : memref<4x2048x64xf32, #tpu.memory_space<vmem>>, vector<1x2048x64xf32>
    %get3A_70 = vector.shape_cast %get3A_69 : vector<1x2048x64xf32> to vector<2048x64xf32>
    %add3A_71 = arith.addf %get3A_65, %get3A_70 : vector<2048x64xf32>
    %broadcast_in_dim3A_72 = vector.shape_cast %rsqrt3A : vector<2048xf32> to vector<2048x1xf32>
    %mul3A_73 = vector.broadcast %broadcast_in_dim3A_72 : vector<2048x1xf32> to vector<2048x64xf32>
    %mul3A_74 = arith.mulf %add3A_71, %mul3A_73 : vector<2048x64xf32>
    %get3A_75 = arith.constant 0 : index
    %get3A_76 = arith.constant 128 : index
    %get3A_77 = vector.load %arg4[%get3A_75, %get3A_76] : memref<1x256xf32, #tpu.memory_space<vmem>>, vector<1x64xf32>
    %add3A_78 = vector.broadcast %get3A_77 : vector<1x64xf32> to vector<2048x64xf32>
    %add3A_79 = arith.addf %mul3A_74, %add3A_78 : vector<2048x64xf32>
    %max3A_80 = arith.constant 0.000000e+00 : f32
    %max3A_81 = vector.broadcast %max3A_80 : f32 to vector<2048x64xf32>
    %max3A_82 = arith.maximumf %add3A_79, %max3A_81 : vector<2048x64xf32>
    %get3A_83 = arith.constant 128 : index
    %get3A_84 = arith.constant 0 : index
    %get3A_85 = vector.load %arg5[%get3A_83, %get3A_84] : memref<256x128xf32, #tpu.memory_space<vmem>>, vector<64x128xf32>
    %dot_general3A_86 = arith.constant dense<0.000000e+00> : vector<2048x128xf32>
    %dot_general3A_87 = tpu.matmul %max3A_82, %get3A_85, %dot_general3A_86 {dimension_numbers = #tpu.dot_dimension_numbers<[1], [0], [0], [1], [0, 0, 1, 1], [], []>, transpose_lhs_hint = false} : vector<2048x64xf32>, vector<64x128xf32>, vector<2048x128xf32> -> vector<2048x128xf32>
    %add3A_88 = arith.addf %add3A_60, %dot_general3A_87 : vector<2048x128xf32>
    %get3A_89 = arith.constant 3 : index
    %get3A_90 = arith.constant 0 : index
    %get3A_91 = arith.constant 0 : index
    %get3A_92 = vector.load %arg1[%get3A_89, %get3A_90, %get3A_91] : memref<4x2048x64xf32, #tpu.memory_space<vmem>>, vector<1x2048x64xf32>
    %get3A_93 = vector.shape_cast %get3A_92 : vector<1x2048x64xf32> to vector<2048x64xf32>
    %get3A_94 = arith.constant 3 : index
    %get3A_95 = arith.constant 0 : index
    %get3A_96 = arith.constant 0 : index
    %get3A_97 = vector.load %arg2[%get3A_94, %get3A_95, %get3A_96] : memref<4x2048x64xf32, #tpu.memory_space<vmem>>, vector<1x2048x64xf32>
    %get3A_98 = vector.shape_cast %get3A_97 : vector<1x2048x64xf32> to vector<2048x64xf32>
    %add3A_99 = arith.addf %get3A_93, %get3A_98 : vector<2048x64xf32>
    %broadcast_in_dim3A_100 = vector.shape_cast %rsqrt3A : vector<2048xf32> to vector<2048x1xf32>
    %mul3A_101 = vector.broadcast %broadcast_in_dim3A_100 : vector<2048x1xf32> to vector<2048x64xf32>
    %mul3A_102 = arith.mulf %add3A_99, %mul3A_101 : vector<2048x64xf32>
    %get3A_103 = arith.constant 0 : index
    %get3A_104 = arith.constant 192 : index
    %get3A_105 = vector.load %arg4[%get3A_103, %get3A_104] : memref<1x256xf32, #tpu.memory_space<vmem>>, vector<1x64xf32>
    %add3A_106 = vector.broadcast %get3A_105 : vector<1x64xf32> to vector<2048x64xf32>
    %add3A_107 = arith.addf %mul3A_102, %add3A_106 : vector<2048x64xf32>
    %max3A_108 = arith.constant 0.000000e+00 : f32
    %max3A_109 = vector.broadcast %max3A_108 : f32 to vector<2048x64xf32>
    %max3A_110 = arith.maximumf %add3A_107, %max3A_109 : vector<2048x64xf32>
    %get3A_111 = arith.constant 192 : index
    %get3A_112 = arith.constant 0 : index
    %get3A_113 = vector.load %arg5[%get3A_111, %get3A_112] : memref<256x128xf32, #tpu.memory_space<vmem>>, vector<64x128xf32>
    %dot_general3A_114 = arith.constant dense<0.000000e+00> : vector<2048x128xf32>
    %dot_general3A_115 = tpu.matmul %max3A_110, %get3A_113, %dot_general3A_114 {dimension_numbers = #tpu.dot_dimension_numbers<[1], [0], [0], [1], [0, 0, 1, 1], [], []>, transpose_lhs_hint = false} : vector<2048x64xf32>, vector<64x128xf32>, vector<2048x128xf32> -> vector<2048x128xf32>
    %add3A_116 = arith.addf %add3A_88, %dot_general3A_115 : vector<2048x128xf32>
    %broadcast_in_dim3A_117 = vector.shape_cast %rsqrt3A : vector<2048xf32> to vector<2048x1xf32>
    %mul3A_118 = vector.broadcast %broadcast_in_dim3A_117 : vector<2048x1xf32> to vector<2048x128xf32>
    %mul3A_119 = arith.mulf %add3A_116, %mul3A_118 : vector<2048x128xf32>
    %slice3A = vector.extract_strided_slice %mul3A_119 {offsets = [0, 0], sizes = [2048, 64], strides = [1, 1]} : vector<2048x128xf32> to vector<2048x64xf32>
    %swap3A = arith.constant 0 : index
    %swap3A_120 = arith.constant 0 : index
    %swap3A_121 = arith.constant 0 : index
    %swap3A_122 = vector.load %arg6[%swap3A, %swap3A_120, %swap3A_121] : memref<2x2048x64xf32, #tpu.memory_space<vmem>>, vector<1x2048x64xf32>
    %swap3A_123 = vector.shape_cast %swap3A_122 : vector<1x2048x64xf32> to vector<2048x64xf32>
    %swap3A_124 = vector.shape_cast %slice3A : vector<2048x64xf32> to vector<1x2048x64xf32>
    tpu.vector_store %arg6[%swap3A, %swap3A_120, %swap3A_121], %swap3A_124 {strides = array<i32>} : memref<2x2048x64xf32, #tpu.memory_space<vmem>>, vector<1x2048x64xf32>,
    %slice3A_125 = vector.extract_strided_slice %mul3A_119 {offsets = [0, 64], sizes = [2048, 64], strides = [1, 1]} : vector<2048x128xf32> to vector<2048x64xf32>
    %swap3A_126 = arith.constant 1 : index
    %swap3A_127 = arith.constant 0 : index
    %swap3A_128 = arith.constant 0 : index
    %swap3A_129 = vector.load %arg6[%swap3A_126, %swap3A_127, %swap3A_128] : memref<2x2048x64xf32, #tpu.memory_space<vmem>>, vector<1x2048x64xf32>
    %swap3A_130 = vector.shape_cast %swap3A_129 : vector<1x2048x64xf32> to vector<2048x64xf32>
    %swap3A_131 = vector.shape_cast %slice3A_125 : vector<2048x64xf32> to vector<1x2048x64xf32>
    tpu.vector_store %arg6[%swap3A_126, %swap3A_127, %swap3A_128], %swap3A_131 {strides = array<i32>} : memref<2x2048x64xf32, #tpu.memory_space<vmem>>, vector<1x2048x64xf32>,
    return
  }
  func.func @transform_0(%arg0: i32) -> (i32, i32, i32) {
    %c0_i32 = arith.constant 0 : i32
    %c0_i32_0 = arith.constant 0 : i32
    %c0_i32_1 = arith.constant 0 : i32
    return %c0_i32, %arg0, %c0_i32_0 : i32, i32, i32
  }
  func.func @transform_1(%arg0: i32) -> (i32, i32, i32) {
    %c0_i32 = arith.constant 0 : i32
    %c0_i32_0 = arith.constant 0 : i32
    %c0_i32_1 = arith.constant 0 : i32
    return %c0_i32, %arg0, %c0_i32_0 : i32, i32, i32
  }
  func.func @transform_2(%arg0: i32) -> (i32, i32) {
    %c0_i32 = arith.constant 0 : i32
    %c0_i32_0 = arith.constant 0 : i32
    return %c0_i32, %arg0 : i32, i32
  }
  func.func @transform_3(%arg0: i32) -> (i32, i32) {
    %c0_i32 = arith.constant 0 : i32
    %c0_i32_0 = arith.constant 0 : i32
    %c0_i32_1 = arith.constant 0 : i32
    return %c0_i32, %c0_i32_0 : i32, i32
  }
  func.func @transform_4(%arg0: i32) -> (i32, i32) {
    %c0_i32 = arith.constant 0 : i32
    %c0_i32_0 = arith.constant 0 : i32
    %c0_i32_1 = arith.constant 0 : i32
    return %c0_i32, %c0_i32_0 : i32, i32
  }
  func.func @transform_5(%arg0: i32) -> (i32, i32, i32) {
    %c0_i32 = arith.constant 0 : i32
    %c0_i32_0 = arith.constant 0 : i32
    %c0_i32_1 = arith.constant 0 : i32
    return %c0_i32, %arg0, %c0_i32_0 : i32, i32, i32
  }
}

module attributes {stable_mosaic.version = 14 : i64} {
  func.func @_tc3_body(%arg0: i32, %arg1: memref<2x2048x64xf32, #tpu.memory_space<vmem>>, %arg2: memref<2x2048x64xf32, #tpu.memory_space<vmem>>, %arg3: memref<2x2048xf32, #tpu.memory_space<vmem>>, %arg4: memref<1x128xf32, #tpu.memory_space<vmem>>, %arg5: memref<128x256xf32, #tpu.memory_space<vmem>>, %arg6: memref<1x256xf32, #tpu.memory_space<vmem>>, %arg7: memref<2048x256xf32, #tpu.memory_space<vmem>>) attributes {dimension_semantics = [#tpu.dimension_semantics<arbitrary>], iteration_bounds = array<i64: 5>, scalar_prefetch = 0 : i64, scratch_operands = 0 : i64, tpu.core_type = #tpu.core_type<tc>, window_params = [{transform_indices = @transform_0, window_bounds = array<i64: 2, 2048, 64>}, {transform_indices = @transform_1, window_bounds = array<i64: 2, 2048, 64>}, {transform_indices = @transform_2, window_bounds = array<i64: 2, 2048>}, {pipeline_mode = #tpu.pipeline_mode<synchronous>, transform_indices = @transform_3, window_bounds = array<i64: 1, 128>}, {pipeline_mode = #tpu.pipeline_mode<synchronous>, transform_indices = @transform_4, window_bounds = array<i64: 128, 256>}, {pipeline_mode = #tpu.pipeline_mode<synchronous>, transform_indices = @transform_5, window_bounds = array<i64: 1, 256>}, {transform_indices = @transform_6, window_bounds = array<i64: 2048, 256>}]} {
    %get3A = arith.constant 0 : index
    %get3A_0 = arith.constant 0 : index
    %get3A_1 = vector.load %arg3[%get3A, %get3A_0] : memref<2x2048xf32, #tpu.memory_space<vmem>>, vector<1x2048xf32>
    %get3A_2 = vector.shape_cast %get3A_1 : vector<1x2048xf32> to vector<2048xf32>
    %get3A_3 = arith.constant 1 : index
    %get3A_4 = arith.constant 0 : index
    %get3A_5 = vector.load %arg3[%get3A_3, %get3A_4] : memref<2x2048xf32, #tpu.memory_space<vmem>>, vector<1x2048xf32>
    %get3A_6 = vector.shape_cast %get3A_5 : vector<1x2048xf32> to vector<2048xf32>
    %add3A = arith.addf %get3A_2, %get3A_6 : vector<2048xf32>
    %add3A_7 = arith.constant 1.000000e+00 : f32
    %add3A_8 = vector.broadcast %add3A_7 : f32 to vector<2048xf32>
    %add3A_9 = arith.addf %add3A, %add3A_8 : vector<2048xf32>
    %rsqrt3A = math.rsqrt %add3A_9 : vector<2048xf32>
    %get3A_10 = arith.constant 0 : index
    %get3A_11 = arith.constant 0 : index
    %get3A_12 = arith.constant 0 : index
    %get3A_13 = vector.load %arg1[%get3A_10, %get3A_11, %get3A_12] : memref<2x2048x64xf32, #tpu.memory_space<vmem>>, vector<1x2048x64xf32>
    %get3A_14 = vector.shape_cast %get3A_13 : vector<1x2048x64xf32> to vector<2048x64xf32>
    %get3A_15 = arith.constant 0 : index
    %get3A_16 = arith.constant 0 : index
    %get3A_17 = arith.constant 0 : index
    %get3A_18 = vector.load %arg2[%get3A_15, %get3A_16, %get3A_17] : memref<2x2048x64xf32, #tpu.memory_space<vmem>>, vector<1x2048x64xf32>
    %get3A_19 = vector.shape_cast %get3A_18 : vector<1x2048x64xf32> to vector<2048x64xf32>
    %add3A_20 = arith.addf %get3A_14, %get3A_19 : vector<2048x64xf32>
    %broadcast_in_dim3A = vector.shape_cast %rsqrt3A : vector<2048xf32> to vector<2048x1xf32>
    %mul3A = vector.broadcast %broadcast_in_dim3A : vector<2048x1xf32> to vector<2048x64xf32>
    %mul3A_21 = arith.mulf %add3A_20, %mul3A : vector<2048x64xf32>
    %get3A_22 = arith.constant 0 : index
    %get3A_23 = arith.constant 0 : index
    %get3A_24 = vector.load %arg4[%get3A_22, %get3A_23] : memref<1x128xf32, #tpu.memory_space<vmem>>, vector<1x64xf32>
    %add3A_25 = vector.broadcast %get3A_24 : vector<1x64xf32> to vector<2048x64xf32>
    %add3A_26 = arith.addf %mul3A_21, %add3A_25 : vector<2048x64xf32>
    %max3A = arith.constant 0.000000e+00 : f32
    %max3A_27 = vector.broadcast %max3A : f32 to vector<2048x64xf32>
    %max3A_28 = arith.maximumf %add3A_26, %max3A_27 : vector<2048x64xf32>
    %get3A_29 = arith.constant 0 : index
    %get3A_30 = arith.constant 0 : index
    %get3A_31 = vector.load %arg5[%get3A_29, %get3A_30] : memref<128x256xf32, #tpu.memory_space<vmem>>, vector<64x256xf32>
    %dot_general3A = arith.constant dense<0.000000e+00> : vector<2048x256xf32>
    %dot_general3A_32 = tpu.matmul %max3A_28, %get3A_31, %dot_general3A {dimension_numbers = #tpu.dot_dimension_numbers<[1], [0], [0], [1], [0, 0, 1, 1], [], []>, transpose_lhs_hint = false} : vector<2048x64xf32>, vector<64x256xf32>, vector<2048x256xf32> -> vector<2048x256xf32>
    %get3A_33 = arith.constant 1 : index
    %get3A_34 = arith.constant 0 : index
    %get3A_35 = arith.constant 0 : index
    %get3A_36 = vector.load %arg1[%get3A_33, %get3A_34, %get3A_35] : memref<2x2048x64xf32, #tpu.memory_space<vmem>>, vector<1x2048x64xf32>
    %get3A_37 = vector.shape_cast %get3A_36 : vector<1x2048x64xf32> to vector<2048x64xf32>
    %get3A_38 = arith.constant 1 : index
    %get3A_39 = arith.constant 0 : index
    %get3A_40 = arith.constant 0 : index
    %get3A_41 = vector.load %arg2[%get3A_38, %get3A_39, %get3A_40] : memref<2x2048x64xf32, #tpu.memory_space<vmem>>, vector<1x2048x64xf32>
    %get3A_42 = vector.shape_cast %get3A_41 : vector<1x2048x64xf32> to vector<2048x64xf32>
    %add3A_43 = arith.addf %get3A_37, %get3A_42 : vector<2048x64xf32>
    %broadcast_in_dim3A_44 = vector.shape_cast %rsqrt3A : vector<2048xf32> to vector<2048x1xf32>
    %mul3A_45 = vector.broadcast %broadcast_in_dim3A_44 : vector<2048x1xf32> to vector<2048x64xf32>
    %mul3A_46 = arith.mulf %add3A_43, %mul3A_45 : vector<2048x64xf32>
    %get3A_47 = arith.constant 0 : index
    %get3A_48 = arith.constant 64 : index
    %get3A_49 = vector.load %arg4[%get3A_47, %get3A_48] : memref<1x128xf32, #tpu.memory_space<vmem>>, vector<1x64xf32>
    %add3A_50 = vector.broadcast %get3A_49 : vector<1x64xf32> to vector<2048x64xf32>
    %add3A_51 = arith.addf %mul3A_46, %add3A_50 : vector<2048x64xf32>
    %max3A_52 = arith.constant 0.000000e+00 : f32
    %max3A_53 = vector.broadcast %max3A_52 : f32 to vector<2048x64xf32>
    %max3A_54 = arith.maximumf %add3A_51, %max3A_53 : vector<2048x64xf32>
    %get3A_55 = arith.constant 64 : index
    %get3A_56 = arith.constant 0 : index
    %get3A_57 = vector.load %arg5[%get3A_55, %get3A_56] : memref<128x256xf32, #tpu.memory_space<vmem>>, vector<64x256xf32>
    %dot_general3A_58 = arith.constant dense<0.000000e+00> : vector<2048x256xf32>
    %dot_general3A_59 = tpu.matmul %max3A_54, %get3A_57, %dot_general3A_58 {dimension_numbers = #tpu.dot_dimension_numbers<[1], [0], [0], [1], [0, 0, 1, 1], [], []>, transpose_lhs_hint = false} : vector<2048x64xf32>, vector<64x256xf32>, vector<2048x256xf32> -> vector<2048x256xf32>
    %add3A_60 = arith.addf %dot_general3A_32, %dot_general3A_59 : vector<2048x256xf32>
    %get3A_61 = arith.constant 0 : index
    %get3A_62 = arith.constant 0 : index
    %get3A_63 = vector.load %arg6[%get3A_61, %get3A_62] : memref<1x256xf32, #tpu.memory_space<vmem>>, vector<1x256xf32>
    %add3A_64 = vector.broadcast %get3A_63 : vector<1x256xf32> to vector<2048x256xf32>
    %add3A_65 = arith.addf %add3A_60, %add3A_64 : vector<2048x256xf32>
    %swap3A = arith.constant 0 : index
    %swap3A_66 = arith.constant 0 : index
    %swap3A_67 = vector.load %arg7[%swap3A, %swap3A_66] : memref<2048x256xf32, #tpu.memory_space<vmem>>, vector<2048x256xf32>
    tpu.vector_store %arg7[%swap3A, %swap3A_66], %add3A_65 {strides = array<i32>} : memref<2048x256xf32, #tpu.memory_space<vmem>>, vector<2048x256xf32>,
    return
  }
  func.func @transform_0(%arg0: i32) -> (i32, i32, i32) {
    %c0_i32 = arith.constant 0 : i32
    %c0_i32_0 = arith.constant 0 : i32
    %c0_i32_1 = arith.constant 0 : i32
    return %c0_i32, %arg0, %c0_i32_0 : i32, i32, i32
  }
  func.func @transform_1(%arg0: i32) -> (i32, i32, i32) {
    %c0_i32 = arith.constant 0 : i32
    %c0_i32_0 = arith.constant 0 : i32
    %c0_i32_1 = arith.constant 0 : i32
    return %c0_i32, %arg0, %c0_i32_0 : i32, i32, i32
  }
  func.func @transform_2(%arg0: i32) -> (i32, i32) {
    %c0_i32 = arith.constant 0 : i32
    %c0_i32_0 = arith.constant 0 : i32
    return %c0_i32, %arg0 : i32, i32
  }
  func.func @transform_3(%arg0: i32) -> (i32, i32) {
    %c0_i32 = arith.constant 0 : i32
    %c0_i32_0 = arith.constant 0 : i32
    %c0_i32_1 = arith.constant 0 : i32
    return %c0_i32, %c0_i32_0 : i32, i32
  }
  func.func @transform_4(%arg0: i32) -> (i32, i32) {
    %c0_i32 = arith.constant 0 : i32
    %c0_i32_0 = arith.constant 0 : i32
    %c0_i32_1 = arith.constant 0 : i32
    return %c0_i32, %c0_i32_0 : i32, i32
  }
  func.func @transform_5(%arg0: i32) -> (i32, i32) {
    %c0_i32 = arith.constant 0 : i32
    %c0_i32_0 = arith.constant 0 : i32
    %c0_i32_1 = arith.constant 0 : i32
    return %c0_i32, %c0_i32_0 : i32, i32
  }
  func.func @transform_6(%arg0: i32) -> (i32, i32) {
    %c0_i32 = arith.constant 0 : i32
    %c0_i32_0 = arith.constant 0 : i32
    return %arg0, %c0_i32 : i32, i32
  }
}

</mosaic_0001>

<sc_bundles>
// kernel: kernel.11.cloned.1.call-start
scs
__scs_entry_jumppad:
0x0: {  	(pc) =	sbr.rel $0x88, $3  }
0x1: {  	(tag) =	ssettag $0x0;
	lr =	simm.s32 $0x1  }
0x2: {  	[smem:$0x3F97] =	sst lr;
	_ =	strace $0xD0000000  }
0x3: {  	_ = 	snop  }
0x4: {  	_ = 	snop  }
0x5: {  	_ = 	snop  }
0x6: {  	_ = 	snop  }
0x7: {  	_ = 	snop  }
__scs_overlays_trampoline_lowered:
0x8: {  	[smem:$0x3FA6] =	sst s0  }
0x9: {  	[smem:$0x3FA7] =	sst s1  }
0xa: {  	[smem:$0x3FA8] =	sst s2  }
0xb: {  	[smem:$0x3FA9] =	sst s3  }
0xc: {  	[smem:$0x3FAA] =	sst s4  }
0xd: {  	[smem:$0x3FAB] =	sst s5  }
0xe: {  	[smem:$0x3FAC] =	sst s6  }
0xf: {  	[smem:$0x3FAD] =	sst s7  }
0x10: {  	[smem:$0x3FAE] =	sst s8  }
0x11: {  	[smem:$0x3FAF] =	sst s9;
	s0 =	simm.s32 @!p0 $0x0  }
0x12: {  	s1 =	sld [smem:$0x3F95];
	s0 =	simm.s32 @p0 $0x1  }
0x13: {  	[smem:$0x3FB0] =	sst s0;
	s0 =	simm.s32 @!p1 $0x0  }
0x14: {  	s2 =	sld [smem:$0x3F94];
	s0 =	simm.s32 @p1 $0x1  }
0x15: {  	[smem:$0x3FB1] =	sst s0;
	s0 =	simm.s32 @!p2 $0x0  }
0x16: {  	s3 =	sld [smem:$0x3FDB];
	s0 =	simm.s32 @p2 $0x1  }
0x17: {  	s4 =	simm.s32 $0x1BF5;
	[smem:$0x3FB3] =	sst s0  }
0x18: {  	s0 =	sld [smem:$0x3F96];
	_ =	swait.ge [sflag:s4], $0x0  }
0x19: {  	s7 =	sld [smem:$0x3F97]  }
0x1a: {  	s8 =	sadd.s32 $0xFFFFE003, lr  }
0x1b: {  	s9 =	sadd.s32 $0xFFFFFEF7, lr;
	s5 =	simm.s32 $0xFFFFFFFF;
	p2 =	slt.u32 s8, $0xFFFFF086  }
0x1c: {  	p1 =	slt.u32 s9, $0xF7A;
	s5 =	simm.s32 @!p2 $0x0  }
0x1d: {  	s5 =	simm.s32 @p1 $0x1;
	p0 =	seq.s32 s7, s2  }
0x1e: {  	s7 =	smul.u32 @!p0 $0xF7A, s2;
	p2 =	seq.s32 @!p0 s5, $0x0  }
0x1f: {  	s9 =	smul.u32 $0xF7A, s1;
	s8 =	simm.s32 @!p0 $0x1BF5;
	p2 =	por !p2, p0  }
0x20: {  	[sflag:s8] =	ssyncset.s32 @!p0 $0xFFFFF086;
	s6 =	sadd.s32 @!p0 s3, s7;
	s7 =	simm.s32 @!p0 $0x108  }
0x21: {  	s3 =	sadd.s32 s3, s9;
	s6 =	sadd.s32 @!p0 $0x88, s6;
	s7 =	simm.s32 @p2 $0x1082  }
0x22: {  	[simem:s7], [sflag:s8] =	dma.local @!p0 [hbm:s6], $0xF7A  }
0x23: {  	s9 =	sor.u32 $0xD0000000, s2;
	s6 =	simm.s32 $0x108;
	_ =	swait.ge @!p0 [sflag:s8], $0x0  }
0x24: {  	s3 =	sadd.s32 $0x88, s3;
	s6 =	simm.s32 @!p1 $0x1082;
	[sflag:s4] =	ssyncset.s32 $0xFFFFF086  }
0x25: {  	[simem:s6], [sflag:s4] =	dma.local [hbm:s3], $0xF7A  }
0x26: {  	[smem:$0x3F97] =	sst s1;
	(tag) =	ssettag s2;
	_ =	strace s9  }
0x27: {  	s1 =	sld [smem:$0x3FA7]  }
0x28: {  	s2 =	sld [smem:$0x3FA8]  }
0x29: {  	s4 =	sld [smem:$0x3FAA]  }
0x2a: {  	p0 =	seq.s32 s5, $0x0;
	s5 =	sld [smem:$0x3FAB]  }
0x2b: {  	s6 =	sld [smem:$0x3FAC]  }
0x2c: {  	s7 =	sld [smem:$0x3FAD]  }
0x2d: {  	s3 =	simm.s32 $0x108;
	s8 =	sld [smem:$0x3FAE]  }
0x2e: {  	s3 =	simm.s32 @!p0 $0x1082;
	s9 =	sld [smem:$0x3FAF]  }
0x2f: {  	lr =	sadd.s32 s0, s3;
	s0 =	sld [smem:$0x3FA6]  }
0x30: {  	s3 =	sld [smem:$0x3FA9]  }
0x31: {  	[smem:$0x3FB2] =	sst s10  }
0x32: {  	s10 =	sld [smem:$0x3FB0];
	_ =	sdelay $0x3  }
0x33: {  	p0 =	seq.s32 s10, $0x1;
	s10 =	sld [smem:$0x3FB2];
	_ =	sdelay $0x3  }
0x34: {  	[smem:$0x3FB2] =	sst s10  }
0x35: {  	s10 =	sld [smem:$0x3FB1];
	_ =	sdelay $0x3  }
0x36: {  	p1 =	seq.s32 s10, $0x1;
	s10 =	sld [smem:$0x3FB2];
	_ =	sdelay $0x3  }
0x37: {  	[smem:$0x3FB2] =	sst s10  }
0x38: {  	s10 =	sld [smem:$0x3FB3]  }
0x39: {  	_ = 	snop;
	(pc) =	sbr.ind lr, $3  }
0x3a: {  	_ = 	snop  }
0x3b: {  	_ = 	snop  }
0x3c: {  	p2 =	seq.s32 s10, $0x1;
	s10 =	sld [smem:$0x3FB2]  }
0x3d: {  	_ =	shalt  }
0x3e: {  	_ =	shalt  }
0x3f: {  	_ =	shalt  }
0x40: {  	_ =	shalt  }
0x41: {  	_ =	shalt  }
0x42: {  	_ =	shalt  }
0x43: {  	_ =	shalt  }
0x44: {  	_ =	shalt  }
0x45: {  	_ =	shalt  }
0x46: {  	_ =	shalt  }
0x47: {  	_ =	shalt  }
0x48: {  	_ =	shalt  }
0x49: {  	_ =	shalt  }
0x4a: {  	_ =	shalt  }
0x4b: {  	_ =	shalt  }
0x4c: {  	_ =	shalt  }
0x4d: {  	_ =	shalt  }
0x4e: {  	_ =	shalt  }
0x4f: {  	_ =	shalt  }
0x50: {  	_ =	shalt  }
0x51: {  	_ =	shalt  }
0x52: {  	_ =	shalt  }
0x53: {  	_ =	shalt  }
0x54: {  	_ =	shalt  }
0x55: {  	_ =	shalt  }
0x56: {  	_ =	shalt  }
0x57: {  	_ =	shalt  }
0x58: {  	_ =	shalt  }
0x59: {  	_ =	shalt  }
0x5a: {  	_ =	shalt  }
0x5b: {  	_ =	shalt  }
0x5c: {  	_ =	shalt  }
0x5d: {  	_ =	shalt  }
0x5e: {  	_ =	shalt  }
0x5f: {  	_ =	shalt  }
0x60: {  	_ =	shalt  }
0x61: {  	_ =	shalt  }
0x62: {  	_ =	shalt  }
0x63: {  	_ =	shalt  }
0x64: {  	_ =	shalt  }
0x65: {  	_ =	shalt  }
0x66: {  	_ =	shalt  }
0x67: {  	_ =	shalt  }
0x68: {  	_ =	shalt  }
0x69: {  	_ =	shalt  }
0x6a: {  	_ =	shalt  }
0x6b: {  	_ =	shalt  }
0x6c: {  	_ =	shalt  }
0x6d: {  	_ =	shalt  }
0x6e: {  	_ =	shalt  }
0x6f: {  	_ =	shalt  }
0x70: {  	_ =	shalt  }
0x71: {  	_ =	shalt  }
0x72: {  	_ =	shalt  }
0x73: {  	_ =	shalt  }
0x74: {  	_ =	shalt  }
0x75: {  	_ =	shalt  }
0x76: {  	_ =	shalt  }
0x77: {  	_ =	shalt  }
0x78: {  	_ =	shalt  }
0x79: {  	_ =	shalt  }
0x7a: {  	_ =	shalt  }
0x7b: {  	_ =	shalt  }
0x7c: {  	_ =	shalt  }
0x7d: {  	_ =	shalt  }
0x7e: {  	_ =	shalt  }
0x7f: {  	_ =	shalt  }
0x80: {  	_ =	shalt  }
0x81: {  	_ =	shalt  }
0x82: {  	_ =	shalt  }
0x83: {  	_ =	shalt  }
0x84: {  	_ =	shalt  }
0x85: {  	_ =	shalt  }
0x86: {  	_ =	shalt  }
0x87: {  	_ =	shalt  }
.Lfunc_end0:
.L_simem_size_0:
called_computation.1_lowered:
.L_overlay_start_0:
0x88: {  	s2 =	sld [smem:$0x3FD9]  }
0x89: {  	s3 =	sld [smem:$0x3FFE];
	_ =	sdelay $0x1  }
0x8a: {  	s1 =	srdreg.scid  }
0x8b: {  	s0 =	sand.u32 $0x1, s1  }
0x8c: {  	s16 =	sshll.u32 s0, $0xA;
	s2 =	sadd.s32 s3, s2  }
0x8d: {  	s2 =	sadd.s32 s2, s16  }
0x8e: {  	[smem:$0x3FBE] =	sst s2  }
0x8f: {  	_ = 	snop  }
0x90: {  	(tm) =	ssettm $0x1  }
0x91: {  	s17 =	sld [smem:$0x3FFB];
	_ =	sdelay $0x3  }
0x92: {  	_ =	strace s17  }
0x93: {  	s2 =	sld [smem:$0x3FFC];
	_ =	sdelay $0x3  }
0x94: {  	_ =	strace s2  }
0x95: {  	s2 =	sld [smem:$0x3FFD];
	_ =	sdelay $0x3  }
0x96: {  	_ =	strace s2  }
0x97: {  	_ =	strace $0x8FFFFFFF  }
0x98: {  	s18 =	sld [smem:$0x3FDB];
	_ =	sdelay $0x1  }
0x99: {  	s19 =	simm.s32 $_scs_section_size  }
0x9a: {  	s4 =	simm.s32 $_size__tile_overlayer_lowered;
	s5 =	simm.s32 $_tile_overlayer_lowered  }
0x9b: {  	s22 =	simm.s32 $0x1BFF;
	s21 =	sshll.u32 s5, $0x1;
	s2 =	sadd.s32 s19, s18  }
0x9c: {  	s6 =	simm.s32 $0x0;
	s20 =	sshll.u32 s4, $0x1;
	s4 =	sadd.s32 s21, s2  }
0x9d: {  	[timem:s6], [sflag:s22] =	dma.local [hbm:s4], s20  }
0x9e: {  	_ =	swait.ge [sflag:s22], s20  }
0x9f: {  	s3 =	ssub.s32 $0x0, s20;
	[sflag:s22] =	ssyncset.done $0x0  }
0xa0: {  	[sflag:s22] =	ssyncadd.s32 s3;
	_ =	sdelay $0x1  }
0xa1: {  	s23 =	simm.s32 $0x1B8B  }
0xa2: {  	_ =	swait.ge [sflag:s23], $0x1  }
0xa3: {  	[sflag:s23] =	ssyncset.done $0x0  }
0xa4: {  	s25 =	simm.s32 $0x1B8E;
	s24 =	sld [smem:$0x3FFE];
	[sflag:s23] =	ssyncadd.s32 $0xFFFFFFFF  }
0xa5: {  	s26 =	simm.s32 $execute0_lowered;
	[smem:$0x3FD2] =	sst s25  }
0xa6: {  	s4 =	sshll.u32 s26, $0x1;
	_ =	strace $0x80000049;
	[dreg:$0x1] =	wrdreg $0xFFFFFFFF  }
0xa7: {  	s28 =	simm.s32 $_size_execute0_lowered;
	s2 =	sadd.s32 s2, s4;
	[dreg:$0x0] =	wrdreg $0x0  }
0xa8: {  	s4 =	sshll.u32 s28, $0x1;
	[dreg:$0x2] =	wrdreg s2  }
0xa9: {  	[dreg:$0x3] =	wrdreg s4  }
0xaa: {  	[dreg:$0x4] =	wrdreg $0xC0  }
0xab: {  	_ =	task [dreg:s6], $0x5FFFF  }
0xac: {  	[dreg:$0x1] =	wrdreg $0xFFFFFFFF  }
0xad: {  	[dreg:$0x0] =	wrdreg $0x60  }
0xae: {  	[dreg:$0x2] =	wrdreg s24  }
0xaf: {  	[dreg:$0x3] =	wrdreg $0x0  }
0xb0: {  	[dreg:$0x4] =	wrdreg $0xA0000  }
0xb1: {  	[dreg:$0x5] =	wrdreg $0x9  }
0xb2: {  	_ =	task.clear_ibuf [dreg:s6], $0x6FFFF;
	_ =	strace $0x90000049  }
0xb3: {  	s29 =	simm.s32 $0x9;
	_ =	strace $0x8000004B  }
0xb4: {  	_ =	swait.ge [sflag:s29], $0x1  }
0xb5: {  	[sflag:s29] =	ssyncadd.s32 $0xFFFFFFFF  }
0xb6: {  	_ =	strace $0x9000004B  }
0xb7: {  	_ =	sfence  }
0xb8: {  	s30 =	sld [smem:$0x0];
	_ =	sdelay $0x2  }
0xb9: {  	s31 =	sshll.u32 s1, $0xD;
	s1 =	sshrl.u32 s1, $0x2  }
0xba: {  	s3 =	sand.u32 $0x4000, s31;
	s1 =	sadd.s32 s1, s30  }
0xbb: {  	s0 =	sor.u32 s3, s0;
	s1 =	sshll.u32 s1, $0x11  }
0xbc: {  	s0 =	sor.u32 s1, s0  }
0xbd: {  	s0 =	sadd.s32 $0x8F2B, s0  }
0xbe: {  	[sflag:s0] =	ssyncadd.remote.s32 $0x1  }
0xbf: {  	_ =	sfence.sel $0xFFFF  }
0xc0: {  	[dreg:$0x0] =	wrdreg $0xFFFFFFFF;
	(pc) =	sbr.abs _section_cstart, $3  }
0xc1: {  	[dreg:$0x1] =	wrdreg $0xFFFFFFFF  }
0xc2: {  	_ =	task.clear_ibuf [dreg:s6], $0x2FFFF;
	_ =	strace $0x9FFFFFFF  }
0xc3: {  	(tm) =	ssettm $0x7FFFFFFF  }
tec
execute0_lowered:
.L_overlay_start_1:
0x0: {  	(tag) =	ssettag $0x1  }
0x1: {  	s0 =	rddreg [dreg:$0x0]  }
0x2: {  	s1 =	rddreg [dreg:$0x1]  }
0x3: {  	s3 =	rddreg [dreg:$0x2];
	s12 =	stileid.u32  }
0x4: {  	s4 =	simm.s32 $0x0;
	s5 =	srdreg.scid;
	s2 =	smul.u32 $0x500, s12  }
0x5: {  	[smem:$0x7FF] =	sst s4;
	s6 =	sand.u32 $0x1, s5;
	s10 =	smul.u32 $0x28000, s12  }
0x6: {  	s7 =	smul.u32 $0x280, s12;
	s9 =	sadd.s32 $0xAC600, s0;
	s13 =	sshll.u32 s12, $0x6  }
0x7: {  	s8 =	smul.u32 $0x5000, s6;
	s6 =	ssub.s32 $0x2, s6;
	s10 =	sshrl.u32 s10, $0x2  }
0x8: {  	_ =	strace $0x8000004A;
	s11 =	sshrl.u32 s6, $0x1;
	s26 =	sadd.s32 s10, s1  }
0x9: {  	s6 =	ssub.s32 s6, s11;
	s12 =	sadd.s32 s10, s3;
	[dreg:$0x4] =	wrdreg s26  }
0xa: {  	s5 =	sadd.s32 $0x6A00, s0;
	s6 =	smax.u32 s6, $0x1;
	[dreg:$0x6] =	wrdreg s12  }
0xb: {  	s2 =	sadd.s32 s2, s0;
	s15 =	sadd.s32 $0x2000, s12;
	[dreg:$0x9] =	wrdreg s6  }
0xc: {  	s0 =	sadd.s32 $0xFC600, s0;
	s16 =	sadd.s32 $0x4000, s12;
	[dreg:$0xa] =	wrdreg s15  }
0xd: {  	s7 =	sadd.s32 s7, s8;
	s17 =	sadd.s32 $0x6000, s12;
	[dreg:$0xb] =	wrdreg s16  }
0xe: {  	s7 =	sshll.u32 s7, $0x3;
	s18 =	sadd.s32 $0x8000, s12;
	[dreg:$0xc] =	wrdreg s17  }
0xf: {  	s10 =	sadd.s32 $0x7600, s2;
	s11 =	sadd.s32 s9, s7;
	[dreg:$0xe] =	wrdreg s18  }
0x10: {  	s14 =	sadd.s32 $0x14000, s7;
	s19 =	sadd.s32 s0, s7;
	[dreg:$0x5] =	wrdreg s11  }
0x11: {  	s11 =	sadd.s32 $0x1A00, s2;
	s2 =	sadd.s32 $0x1A10, s2;
	[dreg:$0xd] =	wrdreg s19  }
0x12: {  	s9 =	sadd.s32 s9, s14;
	[dreg:$0x7] =	wrdreg s2  }
0x13: {  	s7 =	sadd.s32 $0x400, s19;
	[dreg:$0x8] =	wrdreg s9  }
0x14: {  	s20 =	sadd.s32 $0x800, s19;
	[dreg:$0xf] =	wrdreg s7  }
0x15: {  	s30 =	simm.s32 $0x9;
	s21 =	sadd.s32 $0xC00, s19;
	[dreg:$0x10] =	wrdreg s20  }
0x16: {  	s31 =	simm.s32 $0x14000;
	s22 =	sadd.s32 $0x1000, s19;
	[dreg:$0x11] =	wrdreg s21  }
0x17: {  	s28 =	simm.s32 $0x4;
	s0 =	sadd.s32 s0, s14;
	[dreg:$0x12] =	wrdreg s22  }
0x18: {  	s29 =	simm.s32 $0x0;
	s23 =	sadd.s32 $0x14400, s19;
	[dreg:$0x13] =	wrdreg s0  }
0x19: {  	s8 =	sor.u32 $0x1C09, s13;
	s24 =	sadd.s32 $0x14800, s19;
	[dreg:$0x14] =	wrdreg s23  }
0x1a: {  	s13 =	simm.s32 $0x16200;
	s25 =	sadd.s32 $0x14C00, s19;
	[dreg:$0x15] =	wrdreg s24  }
0x1b: {  	s6 =	simm.s32 $0x14100;
	s26 =	sadd.s32 $0x15000, s19;
	[dreg:$0x16] =	wrdreg s25  }
0x1c: {  	s14 =	simm.s32 $0x14180;
	[dreg:$0x17] =	wrdreg s26;
	s0 =	simm.s32 $0x80  }
0x1d: {  	s2 =	simm.s32 $0x14200;
	s7 =	simm.s32 $0x14080;
	s20 =	simm.s32 $0x1  }
0x1e: {  	s21 =	simm.s32 $0x5;
	s22 =	simm.s32 $0x2;
	s23 =	simm.s32 $0x6  }
0x1f: {  	s24 =	simm.s32 $0x7;
	s25 =	simm.s32 $0x3;
	s26 =	simm.s32 $0x8  }
.LBB2_1:
0x20: {  	s9 =	rddreg [dreg:$0x4]  }
0x21: {  	s19 =	sshrl.u32 s9, $0x3;
	s9 =	rddreg [dreg:$0x5]  }
0x22: {  	[dreg:$0x18] =	wrdreg s19  }
0x23: {  	[spmem:s19], [sflag:s8] =	dma.local [hbm:s9], $0x1400  }
0x24: {  	_ =	swait.ge [sflag:s30], $0x1400  }
0x25: {  	s12 =	sshrl.u32 s12, $0x3;
	[sflag:s30] =	ssyncset.done $0x0  }
0x26: {  	[dreg:$0x19] =	wrdreg s12;
	[sflag:s30] =	ssyncadd.s32 $0xFFFFEC00  }
0x27: {  	[spmem:s12], [sflag:s8] =	dma.local [hbm:s5], $0x400  }
0x28: {  	_ =	swait.ge [sflag:s30], $0x400  }
0x29: {  	s15 =	sshrl.u32 s15, $0x3;
	[sflag:s30] =	ssyncset.done $0x0  }
0x2a: {  	[dreg:$0x1a] =	wrdreg s15;
	[sflag:s30] =	ssyncadd.s32 $0xFFFFFC00  }
0x2b: {  	[spmem:s15], [sflag:s8] =	dma.local [hbm:s5], $0x400  }
0x2c: {  	_ =	swait.ge [sflag:s30], $0x400  }
0x2d: {  	s16 =	sshrl.u32 s16, $0x3;
	[sflag:s30] =	ssyncset.done $0x0  }
0x2e: {  	[dreg:$0x1b] =	wrdreg s16;
	[sflag:s30] =	ssyncadd.s32 $0xFFFFFC00  }
0x2f: {  	[spmem:s16], [sflag:s8] =	dma.local [hbm:s5], $0x400  }
0x30: {  	_ =	swait.ge [sflag:s30], $0x400  }
0x31: {  	s19 =	sshrl.u32 s17, $0x3;
	[sflag:s30] =	ssyncset.done $0x0  }
0x32: {  	[dreg:$0x1c] =	wrdreg s19;
	[sflag:s30] =	ssyncadd.s32 $0xFFFFFC00  }
0x33: {  	[spmem:s19], [sflag:s8] =	dma.local [hbm:s5], $0x400  }
0x34: {  	_ =	swait.ge [sflag:s30], $0x400  }
0x35: {  	[sflag:s30] =	ssyncset.done $0x0  }
0x36: {  	s19 =	sshrl.u32 s18, $0x3;
	[sflag:s30] =	ssyncadd.s32 $0xFFFFFC00  }
0x37: {  	[spmem:s19], [sflag:s8] =	dma.local [hbm:s5], $0x400  }
0x38: {  	_ =	swait.ge [sflag:s30], $0x400  }
0x39: {  	[sflag:s30] =	ssyncset.done $0x0  }
0x3a: {  	[sflag:s30] =	ssyncadd.s32 $0xFFFFFC00  }
0x3b: {  	[bflag:$0x0] =	sbarrier.arrive $0xFFFF  }
0x3c: {  	[tilespmem:s31], [sflag:$0x9] =	stream.linear.gather [hbm4b:s10+s4], $0x100, $0x38;
	[tilespmem:$0x18200] =	vst v63  }
0x3d: {  	_ =	swait.ge [sflag:s30], $0x100  }
0x3e: {  	[sflag:s30] =	ssyncset.done $0x0  }
0x3f: {  	[sflag:s30] =	ssyncadd.s32 $0xFFFFFF00  }
0x40: {  	[tilespmem:s2], [sflag:$0x1] =	stream.indirect.gather [spmem:s1], $0x40, s31, s0, $0xb8;
	[tilespmem:$0x18200] =	vst v63  }
0x41: {  	_ = 	snop  }
0x42: {  	[tilespmem:s6], [sflag:$0x5] =	stream.linear.gather [hbm4b:s11+s4], $0x80, $0x38;
	[tilespmem:$0x18200] =	vst v63  }
0x43: {  	_ = 	snop  }
0x44: {  	[tilespmem:s13], [sflag:$0x2] =	stream.indirect.gather [spmem:s1], $0x40, s7, s0, $0xb8;
	[tilespmem:$0x18200] =	vst v63  }
0x45: {  	s12 =	rddreg [dreg:$0x7]  }
0x46: {  	[tilespmem:s14], [sflag:$0x6] =	stream.linear.gather [hbm4b:s12+s4], $0x80, $0x38;
	[tilespmem:$0x18200] =	vst v63  }
0x47: {  	_ =	swait.ge [sflag:s20], $0x2000  }
0x48: {  	s15 =	sadd.s32 $0xFFFFFB20, s10;
	[sflag:s20] =	ssyncset.done $0x0  }
0x49: {  	s16 =	sadd.s32 $0x500, s15;
	[sflag:s20] =	ssyncadd.s32 $0xFFFFE000  }
0x4a: {  	[tilespmem:s31], [sflag:$0x3] =	stream.linear.gather [hbm4b:s16+s4], $0x80, $0x38;
	[tilespmem:$0x18200] =	vst v63  }
0x4b: {  	_ =	swait.ge [sflag:s21], $0x80  }
0x4c: {  	[sflag:s21] =	ssyncset.done $0x0  }
0x4d: {  	[sflag:s21] =	ssyncadd.s32 $0xFFFFFF80  }
0x4e: {  	[spmem:s3] =	stream.indirect.scatter.add.f32 [tilespmem:s2], [sflag:$0x7], $0x40, s6, s0, $0xb8;
	[tilespmem:$0x18200] =	vst v63  }
0x4f: {  	_ =	swait.ge [sflag:s22], $0x2000  }
0x50: {  	[sflag:s22] =	ssyncset.done $0x0  }
0x51: {  	s9 =	sadd.s32 $0x510, s15;
	[sflag:s22] =	ssyncadd.s32 $0xFFFFE000  }
0x52: {  	[tilespmem:s7], [sflag:$0x4] =	stream.linear.gather [hbm4b:s9+s4], $0x80, $0x38;
	[tilespmem:$0x18200] =	vst v63  }
0x53: {  	_ =	swait.ge [sflag:s23], $0x80  }
0x54: {  	[sflag:s23] =	ssyncset.done $0x0  }
0x55: {  	[sflag:s23] =	ssyncadd.s32 $0xFFFFFF80  }
0x56: {  	[spmem:s3] =	stream.indirect.scatter.add.f32 [tilespmem:s13], [sflag:$0x8], $0x40, s14, s0, $0xb8;
	[tilespmem:$0x18200] =	vst v63  }
0x57: {  	_ =	swait.ge [sflag:s24], $0x2000  }
0x58: {  	s17 =	sadd.s32 $0xFFFFFB20, s11;
	[sflag:s24] =	ssyncset.done $0x0  }
0x59: {  	s18 =	sadd.s32 $0x500, s17;
	[sflag:s24] =	ssyncadd.s32 $0xFFFFE000  }
0x5a: {  	[tilespmem:s6], [sflag:$0x5] =	stream.linear.gather [hbm4b:s18+s4], $0x80, $0x38;
	[tilespmem:$0x18200] =	vst v63  }
0x5b: {  	_ =	swait.ge [sflag:s25], $0x80  }
0x5c: {  	[sflag:s25] =	ssyncset.done $0x0  }
0x5d: {  	[sflag:s25] =	ssyncadd.s32 $0xFFFFFF80  }
0x5e: {  	[tilespmem:s2], [sflag:$0x1] =	stream.indirect.gather [spmem:s1], $0x40, s31, s0, $0xb8;
	[tilespmem:$0x18200] =	vst v63  }
0x5f: {  	_ =	swait.ge [sflag:s26], $0x2000  }
0x60: {  	[sflag:s26] =	ssyncset.done $0x0  }
0x61: {  	s9 =	sadd.s32 $0x510, s17;
	[sflag:s26] =	ssyncadd.s32 $0xFFFFE000  }
0x62: {  	[tilespmem:s14], [sflag:$0x6] =	stream.linear.gather [hbm4b:s9+s4], $0x80, $0x38;
	[tilespmem:$0x18200] =	vst v63  }
0x63: {  	_ =	swait.ge [sflag:s28], $0x80  }
0x64: {  	[sflag:s28] =	ssyncset.done $0x0  }
0x65: {  	[sflag:s28] =	ssyncadd.s32 $0xFFFFFF80  }
0x66: {  	[tilespmem:s13], [sflag:$0x2] =	stream.indirect.gather [spmem:s1], $0x40, s7, s0, $0xb8;
	[tilespmem:$0x18200] =	vst v63  }
0x67: {  	s12 =	sadd.s32 $0xFFFFFB40, s10;
	_ =	swait.ge [sflag:s20], $0x2000  }
0x68: {  	s18 =	simm.s32 $0xFFFFFB60;
	s9 =	simm.s32 $0xFFFFFB40;
	[sflag:s20] =	ssyncset.done $0x0  }
.LBB2_2:
0x69: {  	s16 =	sadd.s32 $0x500, s12  }
0x6a: {  	[sflag:s20] =	ssyncadd.s32 $0xFFFFE000;
	s17 =	smov.u32 s18;
	s15 =	sadd.s32 $0x20, s18  }
0x6b: {  	[tilespmem:s31], [sflag:$0x3] =	stream.linear.gather [hbm4b:s16+s4], $0x80, $0x38;
	[tilespmem:$0x18200] =	vst v63  }
0x6c: {  	p0 =	sne.s32 s18, $0xFFFFFFE0;
	_ =	swait.ge [sflag:s21], $0x80  }
0x6d: {  	[sflag:s21] =	ssyncset.done $0x0  }
0x6e: {  	[sflag:s21] =	ssyncadd.s32 $0xFFFFFF80  }
0x6f: {  	[spmem:s3] =	stream.indirect.scatter.add.f32 [tilespmem:s2], [sflag:$0x7], $0x40, s6, s0, $0xb8;
	[tilespmem:$0x18200] =	vst v63  }
0x70: {  	_ =	swait.ge [sflag:s22], $0x2000  }
0x71: {  	[sflag:s22] =	ssyncset.done $0x0  }
0x72: {  	s12 =	sadd.s32 $0x510, s12;
	[sflag:s22] =	ssyncadd.s32 $0xFFFFE000  }
0x73: {  	[tilespmem:s7], [sflag:$0x4] =	stream.linear.gather [hbm4b:s12+s4], $0x80, $0x38;
	[tilespmem:$0x18200] =	vst v63  }
0x74: {  	_ =	swait.ge [sflag:s23], $0x80  }
0x75: {  	[sflag:s23] =	ssyncset.done $0x0  }
0x76: {  	[sflag:s23] =	ssyncadd.s32 $0xFFFFFF80  }
0x77: {  	[spmem:s3] =	stream.indirect.scatter.add.f32 [tilespmem:s13], [sflag:$0x8], $0x40, s14, s0, $0xb8;
	[tilespmem:$0x18200] =	vst v63  }
0x78: {  	_ =	swait.ge [sflag:s24], $0x2000  }
0x79: {  	s12 =	sadd.s32 s9, s11;
	s9 =	smov.u32 s17;
	[sflag:s24] =	ssyncset.done $0x0  }
0x7a: {  	s16 =	sadd.s32 $0x500, s12;
	[sflag:s24] =	ssyncadd.s32 $0xFFFFE000  }
0x7b: {  	[tilespmem:s6], [sflag:$0x5] =	stream.linear.gather [hbm4b:s16+s4], $0x80, $0x38;
	[tilespmem:$0x18200] =	vst v63  }
0x7c: {  	_ =	swait.ge [sflag:s25], $0x80  }
0x7d: {  	[sflag:s25] =	ssyncset.done $0x0  }
0x7e: {  	[sflag:s25] =	ssyncadd.s32 $0xFFFFFF80  }
0x7f: {  	[tilespmem:s2], [sflag:$0x1] =	stream.indirect.gather [spmem:s1], $0x40, s31, s0, $0xb8;
	[tilespmem:$0x18200] =	vst v63  }
0x80: {  	_ =	swait.ge [sflag:s26], $0x2000  }
0x81: {  	[sflag:s26] =	ssyncset.done $0x0  }
0x82: {  	s12 =	sadd.s32 $0x510, s12;
	[sflag:s26] =	ssyncadd.s32 $0xFFFFE000  }
0x83: {  	[tilespmem:s14], [sflag:$0x6] =	stream.linear.gather [hbm4b:s12+s4], $0x80, $0x38;
	[tilespmem:$0x18200] =	vst v63  }
0x84: {  	_ =	swait.ge [sflag:s28], $0x80  }
.Ltmp0:
0x85: {  	[sflag:s28] =	ssyncset.done $0x0;
	(pc) =	sbr.rel @p0 .LBB2_2-.Ltmp0, $4  }
0x86: {  	[sflag:s28] =	ssyncadd.s32 $0xFFFFFF80  }
0x87: {  	[tilespmem:s13], [sflag:$0x2] =	stream.indirect.gather [spmem:s1], $0x40, s7, s0, $0xb8;
	[tilespmem:$0x18200] =	vst v63  }
0x88: {  	_ =	swait.ge [sflag:s20], $0x2000  }
0x89: {  	s18 =	smov.u32 s15;
	s12 =	sadd.s32 s9, s10;
	[sflag:s20] =	ssyncset.done $0x0  }
0x8a: {  	s15 =	sadd.s32 $0x500, s12;
	[sflag:s20] =	ssyncadd.s32 $0xFFFFE000  }
0x8b: {  	[tilespmem:s31], [sflag:$0x3] =	stream.linear.gather [hbm4b:s15+s4], $0x80, $0x38;
	[tilespmem:$0x18200] =	vst v63  }
0x8c: {  	_ =	swait.ge [sflag:s21], $0x80  }
0x8d: {  	[sflag:s21] =	ssyncset.done $0x0  }
0x8e: {  	[sflag:s21] =	ssyncadd.s32 $0xFFFFFF80  }
0x8f: {  	[spmem:s3] =	stream.indirect.scatter.add.f32 [tilespmem:s2], [sflag:$0x7], $0x40, s6, s0, $0xb8;
	[tilespmem:$0x18200] =	vst v63  }
0x90: {  	_ =	swait.ge [sflag:s22], $0x2000  }
0x91: {  	[sflag:s22] =	ssyncset.done $0x0  }
0x92: {  	s17 =	sadd.s32 $0x510, s12;
	[sflag:s22] =	ssyncadd.s32 $0xFFFFE000  }
0x93: {  	[tilespmem:s7], [sflag:$0x4] =	stream.linear.gather [hbm4b:s17+s4], $0x80, $0x38;
	[tilespmem:$0x18200] =	vst v63  }
0x94: {  	_ =	swait.ge [sflag:s23], $0x80  }
0x95: {  	[sflag:s23] =	ssyncset.done $0x0  }
0x96: {  	[sflag:s23] =	ssyncadd.s32 $0xFFFFFF80  }
0x97: {  	[spmem:s3] =	stream.indirect.scatter.add.f32 [tilespmem:s13], [sflag:$0x8], $0x40, s14, s0, $0xb8;
	[tilespmem:$0x18200] =	vst v63  }
0x98: {  	_ =	swait.ge [sflag:s24], $0x2000  }
0x99: {  	s9 =	sadd.s32 s9, s11;
	[sflag:s24] =	ssyncset.done $0x0  }
0x9a: {  	s18 =	sadd.s32 $0x500, s9;
	[sflag:s24] =	ssyncadd.s32 $0xFFFFE000  }
0x9b: {  	[tilespmem:s6], [sflag:$0x5] =	stream.linear.gather [hbm4b:s18+s4], $0x80, $0x38;
	[tilespmem:$0x18200] =	vst v63  }
0x9c: {  	_ =	swait.ge [sflag:s25], $0x80  }
0x9d: {  	[sflag:s25] =	ssyncset.done $0x0  }
0x9e: {  	[sflag:s25] =	ssyncadd.s32 $0xFFFFFF80  }
0x9f: {  	[tilespmem:s2], [sflag:$0x1] =	stream.indirect.gather [spmem:s1], $0x40, s31, s0, $0xb8;
	[tilespmem:$0x18200] =	vst v63  }
0xa0: {  	_ =	swait.ge [sflag:s26], $0x2000  }
0xa1: {  	[sflag:s26] =	ssyncset.done $0x0  }
0xa2: {  	s9 =	sadd.s32 $0x510, s9;
	[sflag:s26] =	ssyncadd.s32 $0xFFFFE000  }
0xa3: {  	[tilespmem:s14], [sflag:$0x6] =	stream.linear.gather [hbm4b:s9+s4], $0x80, $0x38;
	[tilespmem:$0x18200] =	vst v63  }
0xa4: {  	_ =	swait.ge [sflag:s28], $0x80  }
0xa5: {  	[sflag:s28] =	ssyncset.done $0x0  }
0xa6: {  	[sflag:s28] =	ssyncadd.s32 $0xFFFFFF80  }
0xa7: {  	[tilespmem:s13], [sflag:$0x2] =	stream.indirect.gather [spmem:s1], $0x40, s7, s0, $0xb8;
	[tilespmem:$0x18200] =	vst v63  }
0xa8: {  	_ =	swait.ge [sflag:s20], $0x2000  }
0xa9: {  	[sflag:s20] =	ssyncset.done $0x0  }
0xaa: {  	[sflag:s20] =	ssyncadd.s32 $0xFFFFE000  }
0xab: {  	_ =	swait.ge [sflag:s21], $0x80  }
0xac: {  	[sflag:s21] =	ssyncset.done $0x0  }
0xad: {  	[sflag:s21] =	ssyncadd.s32 $0xFFFFFF80  }
0xae: {  	[spmem:s3] =	stream.indirect.scatter.add.f32 [tilespmem:s2], [sflag:$0x7], $0x40, s6, s0, $0xb8;
	[tilespmem:$0x18200] =	vst v63  }
0xaf: {  	_ =	swait.ge [sflag:s22], $0x2000  }
0xb0: {  	[sflag:s22] =	ssyncset.done $0x0  }
0xb1: {  	[sflag:s22] =	ssyncadd.s32 $0xFFFFE000  }
0xb2: {  	_ =	swait.ge [sflag:s23], $0x80  }
0xb3: {  	[sflag:s23] =	ssyncset.done $0x0  }
0xb4: {  	[sflag:s23] =	ssyncadd.s32 $0xFFFFFF80  }
0xb5: {  	[spmem:s3] =	stream.indirect.scatter.add.f32 [tilespmem:s13], [sflag:$0x8], $0x40, s14, s0, $0xb8;
	[tilespmem:$0x18200] =	vst v63  }
0xb6: {  	_ =	swait.ge [sflag:s24], $0x2000  }
0xb7: {  	[sflag:s24] =	ssyncset.done $0x0  }
0xb8: {  	[sflag:s24] =	ssyncadd.s32 $0xFFFFE000  }
0xb9: {  	_ =	swait.ge [sflag:s26], $0x2000  }
0xba: {  	[sflag:s26] =	ssyncset.done $0x0  }
0xbb: {  	[sflag:s26] =	ssyncadd.s32 $0xFFFFE000  }
0xbc: {  	[bflag:$0x0] =	sbarrier.arrive $0xFFFF  }
0xbd: {  	s12 =	rddreg [dreg:$0x6]  }
0xbe: {  	[tilespmem:s2], [sflag:$0x9] =	stream.linear.gather [spmem:s12], $0x2000, $0x38;
	[tilespmem:$0x18200] =	vst v63  }
0xbf: {  	_ =	swait.ge [sflag:s30], $0x2000  }
0xc0: {  	[sflag:s30] =	ssyncset.done $0x0  }
0xc1: {  	s15 =	rddreg [dreg:$0xd];
	[sflag:s30] =	ssyncadd.s32 $0xFFFFE000  }
0xc2: {  	[hbm4b:s15+s4] =	stream.linear.scatter [tilespmem:s2], [sflag:$0x9], $0x2000, $0x38;
	[tilespmem:$0x18200] =	vst v63  }
0xc3: {  	_ =	swait.ge [sflag:s30], $0x2000  }
0xc4: {  	[sflag:s30] =	ssyncset.done $0x0  }
0xc5: {  	s16 =	rddreg [dreg:$0xa];
	[sflag:s30] =	ssyncadd.s32 $0xFFFFE000  }
0xc6: {  	[tilespmem:s2], [sflag:$0x9] =	stream.linear.gather [spmem:s16], $0x2000, $0x38;
	[tilespmem:$0x18200] =	vst v63  }
0xc7: {  	_ =	swait.ge [sflag:s30], $0x2000  }
0xc8: {  	[sflag:s30] =	ssyncset.done $0x0  }
0xc9: {  	s17 =	rddreg [dreg:$0xf];
	[sflag:s30] =	ssyncadd.s32 $0xFFFFE000  }
0xca: {  	[hbm4b:s17+s4] =	stream.linear.scatter [tilespmem:s2], [sflag:$0x9], $0x2000, $0x38;
	[tilespmem:$0x18200] =	vst v63  }
0xcb: {  	_ =	swait.ge [sflag:s30], $0x2000  }
0xcc: {  	[sflag:s30] =	ssyncset.done $0x0  }
0xcd: {  	s18 =	rddreg [dreg:$0xb];
	[sflag:s30] =	ssyncadd.s32 $0xFFFFE000  }
0xce: {  	[tilespmem:s2], [sflag:$0x9] =	stream.linear.gather [spmem:s18], $0x2000, $0x38;
	[tilespmem:$0x18200] =	vst v63  }
0xcf: {  	_ =	swait.ge [sflag:s30], $0x2000  }
0xd0: {  	[sflag:s30] =	ssyncset.done $0x0  }
0xd1: {  	s12 =	rddreg [dreg:$0x10];
	[sflag:s30] =	ssyncadd.s32 $0xFFFFE000  }
0xd2: {  	[hbm4b:s12+s4] =	stream.linear.scatter [tilespmem:s2], [sflag:$0x9], $0x2000, $0x38;
	[tilespmem:$0x18200] =	vst v63  }
0xd3: {  	_ =	swait.ge [sflag:s30], $0x2000  }
0xd4: {  	[sflag:s30] =	ssyncset.done $0x0  }
0xd5: {  	s15 =	rddreg [dreg:$0xc];
	[sflag:s30] =	ssyncadd.s32 $0xFFFFE000  }
0xd6: {  	[tilespmem:s2], [sflag:$0x9] =	stream.linear.gather [spmem:s15], $0x2000, $0x38;
	[tilespmem:$0x18200] =	vst v63  }
0xd7: {  	_ =	swait.ge [sflag:s30], $0x2000  }
0xd8: {  	[sflag:s30] =	ssyncset.done $0x0  }
0xd9: {  	s16 =	rddreg [dreg:$0x11];
	[sflag:s30] =	ssyncadd.s32 $0xFFFFE000  }
0xda: {  	[hbm4b:s16+s4] =	stream.linear.scatter [tilespmem:s2], [sflag:$0x9], $0x2000, $0x38;
	[tilespmem:$0x18200] =	vst v63  }
0xdb: {  	_ =	swait.ge [sflag:s30], $0x2000  }
0xdc: {  	[sflag:s30] =	ssyncset.done $0x0  }
0xdd: {  	s17 =	rddreg [dreg:$0xe];
	[sflag:s30] =	ssyncadd.s32 $0xFFFFE000  }
0xde: {  	[tilespmem:s2], [sflag:$0x9] =	stream.linear.gather [spmem:s17], $0x2000, $0x38;
	[tilespmem:$0x18200] =	vst v63  }
0xdf: {  	_ =	swait.ge [sflag:s30], $0x2000  }
0xe0: {  	[sflag:s30] =	ssyncset.done $0x0  }
0xe1: {  	s18 =	rddreg [dreg:$0x12];
	[sflag:s30] =	ssyncadd.s32 $0xFFFFE000  }
0xe2: {  	[hbm4b:s18+s4] =	stream.linear.scatter [tilespmem:s2], [sflag:$0x9], $0x2000, $0x38;
	[tilespmem:$0x18200] =	vst v63  }
0xe3: {  	_ =	swait.ge [sflag:s30], $0x2000  }
0xe4: {  	[sflag:s30] =	ssyncset.done $0x0  }
0xe5: {  	[sflag:s30] =	ssyncadd.s32 $0xFFFFE000  }
0xe6: {  	[bflag:$0x0] =	sbarrier.arrive $0xFFFF  }
0xe7: {  	s12 =	rddreg [dreg:$0x8]  }
0xe8: {  	s15 =	rddreg [dreg:$0x18]  }
0xe9: {  	[spmem:s15], [sflag:s8] =	dma.local [hbm:s12], $0x1400  }
0xea: {  	_ =	swait.ge [sflag:s30], $0x1400  }
0xeb: {  	[sflag:s30] =	ssyncset.done $0x0  }
0xec: {  	s16 =	rddreg [dreg:$0x19];
	[sflag:s30] =	ssyncadd.s32 $0xFFFFEC00  }
0xed: {  	[spmem:s16], [sflag:s8] =	dma.local [hbm:s5], $0x400  }
0xee: {  	_ =	swait.ge [sflag:s30], $0x400  }
0xef: {  	[sflag:s30] =	ssyncset.done $0x0  }
0xf0: {  	s17 =	rddreg [dreg:$0x1a];
	[sflag:s30] =	ssyncadd.s32 $0xFFFFFC00  }
0xf1: {  	[spmem:s17], [sflag:s8] =	dma.local [hbm:s5], $0x400  }
0xf2: {  	_ =	swait.ge [sflag:s30], $0x400  }
0xf3: {  	[sflag:s30] =	ssyncset.done $0x0  }
0xf4: {  	s18 =	rddreg [dreg:$0x1b];
	[sflag:s30] =	ssyncadd.s32 $0xFFFFFC00  }
0xf5: {  	[spmem:s18], [sflag:s8] =	dma.local [hbm:s5], $0x400  }
0xf6: {  	_ =	swait.ge [sflag:s30], $0x400  }
0xf7: {  	[sflag:s30] =	ssyncset.done $0x0  }
0xf8: {  	s12 =	rddreg [dreg:$0x1c];
	[sflag:s30] =	ssyncadd.s32 $0xFFFFFC00  }
0xf9: {  	[spmem:s12], [sflag:s8] =	dma.local [hbm:s5], $0x400  }
0xfa: {  	_ =	swait.ge [sflag:s30], $0x400  }
0xfb: {  	[sflag:s30] =	ssyncset.done $0x0  }
0xfc: {  	[sflag:s30] =	ssyncadd.s32 $0xFFFFFC00  }
0xfd: {  	[spmem:s19], [sflag:s8] =	dma.local [hbm:s5], $0x400  }
0xfe: {  	_ =	swait.ge [sflag:s30], $0x400  }
0xff: {  	[sflag:s30] =	ssyncset.done $0x0  }
0x100: {  	[sflag:s30] =	ssyncadd.s32 $0xFFFFFC00  }
0x101: {  	[bflag:$0x0] =	sbarrier.arrive $0xFFFF  }
0x102: {  	[tilespmem:s31], [sflag:$0x9] =	stream.linear.gather [hbm4b:s10+s4], $0x100, $0x38;
	[tilespmem:$0x18200] =	vst v63  }
0x103: {  	_ =	swait.ge [sflag:s30], $0x100  }
0x104: {  	[sflag:s30] =	ssyncset.done $0x0  }
0x105: {  	[sflag:s30] =	ssyncadd.s32 $0xFFFFFF00  }
0x106: {  	[tilespmem:s2], [sflag:$0x1] =	stream.indirect.gather [spmem:s1], $0x40, s31, s0, $0xb8;
	[tilespmem:$0x18200] =	vst v63  }
0x107: {  	_ = 	snop  }
0x108: {  	[tilespmem:s6], [sflag:$0x5] =	stream.linear.gather [hbm4b:s11+s4], $0x80, $0x38;
	[tilespmem:$0x18200] =	vst v63  }
0x109: {  	_ = 	snop  }
0x10a: {  	[tilespmem:s13], [sflag:$0x2] =	stream.indirect.gather [spmem:s1], $0x40, s7, s0, $0xb8;
	[tilespmem:$0x18200] =	vst v63  }
0x10b: {  	s15 =	rddreg [dreg:$0x7]  }
0x10c: {  	[tilespmem:s14], [sflag:$0x6] =	stream.linear.gather [hbm4b:s15+s4], $0x80, $0x38;
	[tilespmem:$0x18200] =	vst v63  }
0x10d: {  	_ =	swait.ge [sflag:s20], $0x2000  }
0x10e: {  	s16 =	sadd.s32 $0xFFFFFB20, s10;
	[sflag:s20] =	ssyncset.done $0x0  }
0x10f: {  	s17 =	sadd.s32 $0x500, s16;
	[sflag:s20] =	ssyncadd.s32 $0xFFFFE000  }
0x110: {  	[tilespmem:s31], [sflag:$0x3] =	stream.linear.gather [hbm4b:s17+s4], $0x80, $0x38;
	[tilespmem:$0x18200] =	vst v63  }
0x111: {  	_ =	swait.ge [sflag:s21], $0x80  }
0x112: {  	[sflag:s21] =	ssyncset.done $0x0  }
0x113: {  	[sflag:s21] =	ssyncadd.s32 $0xFFFFFF80  }
0x114: {  	[spmem:s3] =	stream.indirect.scatter.add.f32 [tilespmem:s2], [sflag:$0x7], $0x40, s6, s0, $0xb8;
	[tilespmem:$0x18200] =	vst v63  }
0x115: {  	_ =	swait.ge [sflag:s22], $0x2000  }
0x116: {  	[sflag:s22] =	ssyncset.done $0x0  }
0x117: {  	s9 =	sadd.s32 $0x510, s16;
	[sflag:s22] =	ssyncadd.s32 $0xFFFFE000  }
0x118: {  	[tilespmem:s7], [sflag:$0x4] =	stream.linear.gather [hbm4b:s9+s4], $0x80, $0x38;
	[tilespmem:$0x18200] =	vst v63  }
0x119: {  	_ =	swait.ge [sflag:s23], $0x80  }
0x11a: {  	[sflag:s23] =	ssyncset.done $0x0  }
0x11b: {  	[sflag:s23] =	ssyncadd.s32 $0xFFFFFF80  }
0x11c: {  	[spmem:s3] =	stream.indirect.scatter.add.f32 [tilespmem:s13], [sflag:$0x8], $0x40, s14, s0, $0xb8;
	[tilespmem:$0x18200] =	vst v63  }
0x11d: {  	_ =	swait.ge [sflag:s24], $0x2000  }
0x11e: {  	s18 =	sadd.s32 $0xFFFFFB20, s11;
	[sflag:s24] =	ssyncset.done $0x0  }
0x11f: {  	s19 =	sadd.s32 $0x500, s18;
	[sflag:s24] =	ssyncadd.s32 $0xFFFFE000  }
0x120: {  	[tilespmem:s6], [sflag:$0x5] =	stream.linear.gather [hbm4b:s19+s4], $0x80, $0x38;
	[tilespmem:$0x18200] =	vst v63  }
0x121: {  	_ =	swait.ge [sflag:s25], $0x80  }
0x122: {  	[sflag:s25] =	ssyncset.done $0x0  }
0x123: {  	[sflag:s25] =	ssyncadd.s32 $0xFFFFFF80  }
0x124: {  	[tilespmem:s2], [sflag:$0x1] =	stream.indirect.gather [spmem:s1], $0x40, s31, s0, $0xb8;
	[tilespmem:$0x18200] =	vst v63  }
0x125: {  	_ =	swait.ge [sflag:s26], $0x2000  }
0x126: {  	[sflag:s26] =	ssyncset.done $0x0  }
0x127: {  	s9 =	sadd.s32 $0x510, s18;
	[sflag:s26] =	ssyncadd.s32 $0xFFFFE000  }
0x128: {  	[tilespmem:s14], [sflag:$0x6] =	stream.linear.gather [hbm4b:s9+s4], $0x80, $0x38;
	[tilespmem:$0x18200] =	vst v63  }
0x129: {  	_ =	swait.ge [sflag:s28], $0x80  }
0x12a: {  	[sflag:s28] =	ssyncset.done $0x0  }
0x12b: {  	[sflag:s28] =	ssyncadd.s32 $0xFFFFFF80  }
0x12c: {  	[tilespmem:s13], [sflag:$0x2] =	stream.indirect.gather [spmem:s1], $0x40, s7, s0, $0xb8;
	[tilespmem:$0x18200] =	vst v63  }
0x12d: {  	s16 =	simm.s32 $0xFFFFFB60;
	_ =	swait.ge [sflag:s20], $0x2000  }
0x12e: {  	s15 =	sadd.s32 $0xFFFFFB40, s10;
	s9 =	simm.s32 $0xFFFFFB40;
	[sflag:s20] =	ssyncset.done $0x0  }
.LBB2_4:
0x12f: {  	s17 =	sadd.s32 $0x500, s15  }
0x130: {  	[sflag:s20] =	ssyncadd.s32 $0xFFFFE000;
	s18 =	smov.u32 s16;
	s12 =	sadd.s32 $0x20, s16  }
0x131: {  	[tilespmem:s31], [sflag:$0x3] =	stream.linear.gather [hbm4b:s17+s4], $0x80, $0x38;
	[tilespmem:$0x18200] =	vst v63  }
0x132: {  	p0 =	sne.s32 s16, $0xFFFFFFE0;
	_ =	swait.ge [sflag:s21], $0x80  }
0x133: {  	[sflag:s21] =	ssyncset.done $0x0  }
0x134: {  	[sflag:s21] =	ssyncadd.s32 $0xFFFFFF80  }
0x135: {  	[spmem:s3] =	stream.indirect.scatter.add.f32 [tilespmem:s2], [sflag:$0x7], $0x40, s6, s0, $0xb8;
	[tilespmem:$0x18200] =	vst v63  }
0x136: {  	_ =	swait.ge [sflag:s22], $0x2000  }
0x137: {  	[sflag:s22] =	ssyncset.done $0x0  }
0x138: {  	s15 =	sadd.s32 $0x510, s15;
	[sflag:s22] =	ssyncadd.s32 $0xFFFFE000  }
0x139: {  	[tilespmem:s7], [sflag:$0x4] =	stream.linear.gather [hbm4b:s15+s4], $0x80, $0x38;
	[tilespmem:$0x18200] =	vst v63  }
0x13a: {  	_ =	swait.ge [sflag:s23], $0x80  }
0x13b: {  	[sflag:s23] =	ssyncset.done $0x0  }
0x13c: {  	[sflag:s23] =	ssyncadd.s32 $0xFFFFFF80  }
0x13d: {  	[spmem:s3] =	stream.indirect.scatter.add.f32 [tilespmem:s13], [sflag:$0x8], $0x40, s14, s0, $0xb8;
	[tilespmem:$0x18200] =	vst v63  }
0x13e: {  	_ =	swait.ge [sflag:s24], $0x2000  }
0x13f: {  	s15 =	sadd.s32 s9, s11;
	s9 =	smov.u32 s18;
	[sflag:s24] =	ssyncset.done $0x0  }
0x140: {  	s16 =	sadd.s32 $0x500, s15;
	[sflag:s24] =	ssyncadd.s32 $0xFFFFE000  }
0x141: {  	[tilespmem:s6], [sflag:$0x5] =	stream.linear.gather [hbm4b:s16+s4], $0x80, $0x38;
	[tilespmem:$0x18200] =	vst v63  }
0x142: {  	_ =	swait.ge [sflag:s25], $0x80  }
0x143: {  	[sflag:s25] =	ssyncset.done $0x0  }
0x144: {  	[sflag:s25] =	ssyncadd.s32 $0xFFFFFF80  }
0x145: {  	[tilespmem:s2], [sflag:$0x1] =	stream.indirect.gather [spmem:s1], $0x40, s31, s0, $0xb8;
	[tilespmem:$0x18200] =	vst v63  }
0x146: {  	_ =	swait.ge [sflag:s26], $0x2000  }
0x147: {  	[sflag:s26] =	ssyncset.done $0x0  }
0x148: {  	s15 =	sadd.s32 $0x510, s15;
	[sflag:s26] =	ssyncadd.s32 $0xFFFFE000  }
0x149: {  	[tilespmem:s14], [sflag:$0x6] =	stream.linear.gather [hbm4b:s15+s4], $0x80, $0x38;
	[tilespmem:$0x18200] =	vst v63  }
0x14a: {  	_ =	swait.ge [sflag:s28], $0x80  }
.Ltmp1:
0x14b: {  	[sflag:s28] =	ssyncset.done $0x0;
	(pc) =	sbr.rel @p0 .LBB2_4-.Ltmp1, $4  }
0x14c: {  	[sflag:s28] =	ssyncadd.s32 $0xFFFFFF80  }
0x14d: {  	[tilespmem:s13], [sflag:$0x2] =	stream.indirect.gather [spmem:s1], $0x40, s7, s0, $0xb8;
	[tilespmem:$0x18200] =	vst v63  }
0x14e: {  	_ =	swait.ge [sflag:s20], $0x2000  }
0x14f: {  	s16 =	smov.u32 s12;
	s15 =	sadd.s32 s9, s10;
	[sflag:s20] =	ssyncset.done $0x0  }
0x150: {  	s12 =	sadd.s32 $0x500, s15;
	[sflag:s20] =	ssyncadd.s32 $0xFFFFE000  }
0x151: {  	[tilespmem:s31], [sflag:$0x3] =	stream.linear.gather [hbm4b:s12+s4], $0x80, $0x38;
	[tilespmem:$0x18200] =	vst v63  }
0x152: {  	_ =	swait.ge [sflag:s21], $0x80  }
0x153: {  	[sflag:s21] =	ssyncset.done $0x0  }
0x154: {  	[sflag:s21] =	ssyncadd.s32 $0xFFFFFF80  }
0x155: {  	[spmem:s3] =	stream.indirect.scatter.add.f32 [tilespmem:s2], [sflag:$0x7], $0x40, s6, s0, $0xb8;
	[tilespmem:$0x18200] =	vst v63  }
0x156: {  	_ =	swait.ge [sflag:s22], $0x2000  }
0x157: {  	[sflag:s22] =	ssyncset.done $0x0  }
0x158: {  	s18 =	sadd.s32 $0x510, s15;
	[sflag:s22] =	ssyncadd.s32 $0xFFFFE000  }
0x159: {  	[tilespmem:s7], [sflag:$0x4] =	stream.linear.gather [hbm4b:s18+s4], $0x80, $0x38;
	[tilespmem:$0x18200] =	vst v63  }
0x15a: {  	_ =	swait.ge [sflag:s23], $0x80  }
0x15b: {  	[sflag:s23] =	ssyncset.done $0x0  }
0x15c: {  	[sflag:s23] =	ssyncadd.s32 $0xFFFFFF80  }
0x15d: {  	[spmem:s3] =	stream.indirect.scatter.add.f32 [tilespmem:s13], [sflag:$0x8], $0x40, s14, s0, $0xb8;
	[tilespmem:$0x18200] =	vst v63  }
0x15e: {  	_ =	swait.ge [sflag:s24], $0x2000  }
0x15f: {  	s9 =	sadd.s32 s9, s11;
	[sflag:s24] =	ssyncset.done $0x0  }
0x160: {  	s19 =	sadd.s32 $0x500, s9;
	[sflag:s24] =	ssyncadd.s32 $0xFFFFE000  }
0x161: {  	[tilespmem:s6], [sflag:$0x5] =	stream.linear.gather [hbm4b:s19+s4], $0x80, $0x38;
	[tilespmem:$0x18200] =	vst v63  }
0x162: {  	_ =	swait.ge [sflag:s25], $0x80  }
0x163: {  	[sflag:s25] =	ssyncset.done $0x0  }
0x164: {  	[sflag:s25] =	ssyncadd.s32 $0xFFFFFF80  }
0x165: {  	[tilespmem:s2], [sflag:$0x1] =	stream.indirect.gather [spmem:s1], $0x40, s31, s0, $0xb8;
	[tilespmem:$0x18200] =	vst v63  }
0x166: {  	_ =	swait.ge [sflag:s26], $0x2000  }
0x167: {  	[sflag:s26] =	ssyncset.done $0x0  }
0x168: {  	s9 =	sadd.s32 $0x510, s9;
	[sflag:s26] =	ssyncadd.s32 $0xFFFFE000  }
0x169: {  	[tilespmem:s14], [sflag:$0x6] =	stream.linear.gather [hbm4b:s9+s4], $0x80, $0x38;
	[tilespmem:$0x18200] =	vst v63  }
0x16a: {  	_ =	swait.ge [sflag:s28], $0x80  }
0x16b: {  	[sflag:s28] =	ssyncset.done $0x0  }
0x16c: {  	[sflag:s28] =	ssyncadd.s32 $0xFFFFFF80  }
0x16d: {  	[tilespmem:s13], [sflag:$0x2] =	stream.indirect.gather [spmem:s1], $0x40, s7, s0, $0xb8;
	[tilespmem:$0x18200] =	vst v63  }
0x16e: {  	_ =	swait.ge [sflag:s20], $0x2000  }
0x16f: {  	[sflag:s20] =	ssyncset.done $0x0  }
0x170: {  	[sflag:s20] =	ssyncadd.s32 $0xFFFFE000  }
0x171: {  	_ =	swait.ge [sflag:s21], $0x80  }
0x172: {  	[sflag:s21] =	ssyncset.done $0x0  }
0x173: {  	[sflag:s21] =	ssyncadd.s32 $0xFFFFFF80  }
0x174: {  	[spmem:s3] =	stream.indirect.scatter.add.f32 [tilespmem:s2], [sflag:$0x7], $0x40, s6, s0, $0xb8;
	[tilespmem:$0x18200] =	vst v63  }
0x175: {  	_ =	swait.ge [sflag:s22], $0x2000  }
0x176: {  	[sflag:s22] =	ssyncset.done $0x0  }
0x177: {  	[sflag:s22] =	ssyncadd.s32 $0xFFFFE000  }
0x178: {  	_ =	swait.ge [sflag:s23], $0x80  }
0x179: {  	[sflag:s23] =	ssyncset.done $0x0  }
0x17a: {  	[sflag:s23] =	ssyncadd.s32 $0xFFFFFF80  }
0x17b: {  	[spmem:s3] =	stream.indirect.scatter.add.f32 [tilespmem:s13], [sflag:$0x8], $0x40, s14, s0, $0xb8;
	[tilespmem:$0x18200] =	vst v63  }
0x17c: {  	_ =	swait.ge [sflag:s24], $0x2000  }
0x17d: {  	[sflag:s24] =	ssyncset.done $0x0  }
0x17e: {  	[sflag:s24] =	ssyncadd.s32 $0xFFFFE000  }
0x17f: {  	_ =	swait.ge [sflag:s26], $0x2000  }
0x180: {  	[sflag:s26] =	ssyncset.done $0x0  }
0x181: {  	[sflag:s26] =	ssyncadd.s32 $0xFFFFE000  }
0x182: {  	[bflag:$0x0] =	sbarrier.arrive $0xFFFF  }
0x183: {  	s12 =	rddreg [dreg:$0x6]  }
0x184: {  	[tilespmem:s2], [sflag:$0x9] =	stream.linear.gather [spmem:s12], $0x2000, $0x38;
	[tilespmem:$0x18200] =	vst v63  }
0x185: {  	_ =	swait.ge [sflag:s30], $0x2000  }
0x186: {  	[sflag:s30] =	ssyncset.done $0x0  }
0x187: {  	s15 =	rddreg [dreg:$0x13];
	[sflag:s30] =	ssyncadd.s32 $0xFFFFE000  }
0x188: {  	[hbm4b:s15+s4] =	stream.linear.scatter [tilespmem:s2], [sflag:$0x9], $0x2000, $0x38;
	[tilespmem:$0x18200] =	vst v63  }
0x189: {  	_ =	swait.ge [sflag:s30], $0x2000  }
0x18a: {  	[sflag:s30] =	ssyncset.done $0x0  }
0x18b: {  	s15 =	rddreg [dreg:$0xa];
	[sflag:s30] =	ssyncadd.s32 $0xFFFFE000  }
0x18c: {  	[tilespmem:s2], [sflag:$0x9] =	stream.linear.gather [spmem:s15], $0x2000, $0x38;
	[tilespmem:$0x18200] =	vst v63  }
0x18d: {  	_ =	swait.ge [sflag:s30], $0x2000  }
0x18e: {  	[sflag:s30] =	ssyncset.done $0x0  }
0x18f: {  	s16 =	rddreg [dreg:$0x14];
	[sflag:s30] =	ssyncadd.s32 $0xFFFFE000  }
0x190: {  	[hbm4b:s16+s4] =	stream.linear.scatter [tilespmem:s2], [sflag:$0x9], $0x2000, $0x38;
	[tilespmem:$0x18200] =	vst v63  }
0x191: {  	_ =	swait.ge [sflag:s30], $0x2000  }
0x192: {  	[sflag:s30] =	ssyncset.done $0x0  }
0x193: {  	s16 =	rddreg [dreg:$0xb];
	[sflag:s30] =	ssyncadd.s32 $0xFFFFE000  }
0x194: {  	[tilespmem:s2], [sflag:$0x9] =	stream.linear.gather [spmem:s16], $0x2000, $0x38;
	[tilespmem:$0x18200] =	vst v63  }
0x195: {  	_ =	swait.ge [sflag:s30], $0x2000  }
0x196: {  	[sflag:s30] =	ssyncset.done $0x0  }
0x197: {  	s17 =	rddreg [dreg:$0x15];
	[sflag:s30] =	ssyncadd.s32 $0xFFFFE000  }
0x198: {  	[hbm4b:s17+s4] =	stream.linear.scatter [tilespmem:s2], [sflag:$0x9], $0x2000, $0x38;
	[tilespmem:$0x18200] =	vst v63  }
0x199: {  	_ =	swait.ge [sflag:s30], $0x2000  }
0x19a: {  	[sflag:s30] =	ssyncset.done $0x0  }
0x19b: {  	s17 =	rddreg [dreg:$0xc];
	[sflag:s30] =	ssyncadd.s32 $0xFFFFE000  }
0x19c: {  	[tilespmem:s2], [sflag:$0x9] =	stream.linear.gather [spmem:s17], $0x2000, $0x38;
	[tilespmem:$0x18200] =	vst v63  }
0x19d: {  	_ =	swait.ge [sflag:s30], $0x2000  }
0x19e: {  	[sflag:s30] =	ssyncset.done $0x0  }
0x19f: {  	s18 =	rddreg [dreg:$0x16];
	[sflag:s30] =	ssyncadd.s32 $0xFFFFE000  }
0x1a0: {  	[hbm4b:s18+s4] =	stream.linear.scatter [tilespmem:s2], [sflag:$0x9], $0x2000, $0x38;
	[tilespmem:$0x18200] =	vst v63  }
0x1a1: {  	_ =	swait.ge [sflag:s30], $0x2000  }
0x1a2: {  	[sflag:s30] =	ssyncset.done $0x0  }
0x1a3: {  	s18 =	rddreg [dreg:$0xe];
	[sflag:s30] =	ssyncadd.s32 $0xFFFFE000  }
0x1a4: {  	[tilespmem:s2], [sflag:$0x9] =	stream.linear.gather [spmem:s18], $0x2000, $0x38;
	[tilespmem:$0x18200] =	vst v63  }
0x1a5: {  	_ =	swait.ge [sflag:s30], $0x2000  }
0x1a6: {  	[sflag:s30] =	ssyncset.done $0x0  }
0x1a7: {  	s19 =	rddreg [dreg:$0x17];
	[sflag:s30] =	ssyncadd.s32 $0xFFFFE000  }
0x1a8: {  	[hbm4b:s19+s4] =	stream.linear.scatter [tilespmem:s2], [sflag:$0x9], $0x2000, $0x38;
	[tilespmem:$0x18200] =	vst v63  }
0x1a9: {  	_ =	swait.ge [sflag:s30], $0x2000  }
0x1aa: {  	s29 =	sadd.s32 $0x1, s29;
	s19 =	rddreg [dreg:$0x9]  }
0x1ab: {  	p0 =	sne.s32 s29, s19  }
.Ltmp2:
0x1ac: {  	_ = 	snop;
	(pc) =	sbr.rel @p0 .LBB2_1-.Ltmp2, $3  }
0x1ad: {  	_ =	sdelay $0x1  }
0x1ae: {  	[sflag:s30] =	ssyncset.done $0x0  }
0x1af: {  	[sflag:s30] =	ssyncadd.s32 $0xFFFFE000  }
0x1b0: {  	_ =	sfence.sel $0x180000  }
0x1b1: {  	[bflag:$0x0] =	sbarrier.arrive $0xFFFF  }
0x1b2: {  	_ =	strace $0x9000004A  }
0x1b3: {  	s0 =	stileid.u32;
	[bflag:$0x2] =	sbarrier.arrive $0xFFFF  }
0x1b4: {  	p0 =	sne.s32 s0, $0x0;
	s0 =	rddreg [dreg:$0x3]  }
0x1b5: {  	s0 =	sadd.s32 @!p0 $0x100000, s0  }
0x1b6: {  	[sflag:s0] =	ssyncadd.tile.s32 @!p0 $0x1;
	_ =	shalt  }
.Lfunc_end2:
_tile_overlayer_lowered:
.L_overlay_start_2:
0x1b7: {  	(tag) =	ssettag $0x2  }
0x1b8: {  	s0 =	rddreg [dreg:$0x0];
	s2 =	stileid.u32  }
0x1b9: {  	s1 =	rddreg [dreg:$0x1];
	p0 =	sne.s32 s2, $0x0  }
0x1ba: {  	s3 =	rddreg [dreg:$0x2];
	[bflag:$0x3] =	sbarrier.arrive $0xFFFF;
	s2 =	simm.s32 @!p0 $0x1C09  }
0x1bb: {  	[timem:s3], [sflag:s2] =	dma.local @!p0 [hbm:s0], s1  }
0x1bc: {  	s0 =	simm.s32 @!p0 $0x9  }
0x1bd: {  	_ =	swait.ge @!p0 [sflag:s0], s1  }
0x1be: {  	s1 =	ssub.s32 @!p0 $0x0, s1;
	[sflag:s0] =	ssyncset.done @!p0 $0x0  }
0x1bf: {  	[sflag:s0] =	ssyncadd.s32 @!p0 s1  }
0x1c0: {  	[bflag:$0x3] =	sbarrier.arrive $0xFFFF  }
0x1c1: {  	_ =	shalt  }

// kernel: kernel.14.cloned.1.call-start
scs
__scs_entry_jumppad:
0x0: {  	(pc) =	sbr.rel $0x88, $3  }
0x1: {  	(tag) =	ssettag $0x0;
	lr =	simm.s32 $0x1  }
0x2: {  	[smem:$0x3F97] =	sst lr;
	_ =	strace $0xD0000000  }
0x3: {  	_ = 	snop  }
0x4: {  	_ = 	snop  }
0x5: {  	_ = 	snop  }
0x6: {  	_ = 	snop  }
0x7: {  	_ = 	snop  }
__scs_overlays_trampoline_lowered:
0x8: {  	[smem:$0x3FA6] =	sst s0  }
0x9: {  	[smem:$0x3FA7] =	sst s1  }
0xa: {  	[smem:$0x3FA8] =	sst s2  }
0xb: {  	[smem:$0x3FA9] =	sst s3  }
0xc: {  	[smem:$0x3FAA] =	sst s4  }
0xd: {  	[smem:$0x3FAB] =	sst s5  }
0xe: {  	[smem:$0x3FAC] =	sst s6  }
0xf: {  	[smem:$0x3FAD] =	sst s7  }
0x10: {  	[smem:$0x3FAE] =	sst s8  }
0x11: {  	[smem:$0x3FAF] =	sst s9;
	s0 =	simm.s32 @!p0 $0x0  }
0x12: {  	s1 =	sld [smem:$0x3F95];
	s0 =	simm.s32 @p0 $0x1  }
0x13: {  	[smem:$0x3FB0] =	sst s0;
	s0 =	simm.s32 @!p1 $0x0  }
0x14: {  	s2 =	sld [smem:$0x3F94];
	s0 =	simm.s32 @p1 $0x1  }
0x15: {  	[smem:$0x3FB1] =	sst s0;
	s0 =	simm.s32 @!p2 $0x0  }
0x16: {  	s3 =	sld [smem:$0x3FDB];
	s0 =	simm.s32 @p2 $0x1  }
0x17: {  	s4 =	simm.s32 $0x1BF5;
	[smem:$0x3FB3] =	sst s0  }
0x18: {  	s0 =	sld [smem:$0x3F96];
	_ =	swait.ge [sflag:s4], $0x0  }
0x19: {  	s7 =	sld [smem:$0x3F97]  }
0x1a: {  	s8 =	sadd.s32 $0xFFFFE003, lr  }
0x1b: {  	s9 =	sadd.s32 $0xFFFFFEF7, lr;
	s5 =	simm.s32 $0xFFFFFFFF;
	p2 =	slt.u32 s8, $0xFFFFF086  }
0x1c: {  	p1 =	slt.u32 s9, $0xF7A;
	s5 =	simm.s32 @!p2 $0x0  }
0x1d: {  	s5 =	simm.s32 @p1 $0x1;
	p0 =	seq.s32 s7, s2  }
0x1e: {  	s7 =	smul.u32 @!p0 $0xF7A, s2;
	p2 =	seq.s32 @!p0 s5, $0x0  }
0x1f: {  	s9 =	smul.u32 $0xF7A, s1;
	s8 =	simm.s32 @!p0 $0x1BF5;
	p2 =	por !p2, p0  }
0x20: {  	[sflag:s8] =	ssyncset.s32 @!p0 $0xFFFFF086;
	s6 =	sadd.s32 @!p0 s3, s7;
	s7 =	simm.s32 @!p0 $0x108  }
0x21: {  	s3 =	sadd.s32 s3, s9;
	s6 =	sadd.s32 @!p0 $0x88, s6;
	s7 =	simm.s32 @p2 $0x1082  }
0x22: {  	[simem:s7], [sflag:s8] =	dma.local @!p0 [hbm:s6], $0xF7A  }
0x23: {  	s9 =	sor.u32 $0xD0000000, s2;
	s6 =	simm.s32 $0x108;
	_ =	swait.ge @!p0 [sflag:s8], $0x0  }
0x24: {  	s3 =	sadd.s32 $0x88, s3;
	s6 =	simm.s32 @!p1 $0x1082;
	[sflag:s4] =	ssyncset.s32 $0xFFFFF086  }
0x25: {  	[simem:s6], [sflag:s4] =	dma.local [hbm:s3], $0xF7A  }
0x26: {  	[smem:$0x3F97] =	sst s1;
	(tag) =	ssettag s2;
	_ =	strace s9  }
0x27: {  	s1 =	sld [smem:$0x3FA7]  }
0x28: {  	s2 =	sld [smem:$0x3FA8]  }
0x29: {  	s4 =	sld [smem:$0x3FAA]  }
0x2a: {  	p0 =	seq.s32 s5, $0x0;
	s5 =	sld [smem:$0x3FAB]  }
0x2b: {  	s6 =	sld [smem:$0x3FAC]  }
0x2c: {  	s7 =	sld [smem:$0x3FAD]  }
0x2d: {  	s3 =	simm.s32 $0x108;
	s8 =	sld [smem:$0x3FAE]  }
0x2e: {  	s3 =	simm.s32 @!p0 $0x1082;
	s9 =	sld [smem:$0x3FAF]  }
0x2f: {  	lr =	sadd.s32 s0, s3;
	s0 =	sld [smem:$0x3FA6]  }
0x30: {  	s3 =	sld [smem:$0x3FA9]  }
0x31: {  	[smem:$0x3FB2] =	sst s10  }
0x32: {  	s10 =	sld [smem:$0x3FB0];
	_ =	sdelay $0x3  }
0x33: {  	p0 =	seq.s32 s10, $0x1;
	s10 =	sld [smem:$0x3FB2];
	_ =	sdelay $0x3  }
0x34: {  	[smem:$0x3FB2] =	sst s10  }
0x35: {  	s10 =	sld [smem:$0x3FB1];
	_ =	sdelay $0x3  }
0x36: {  	p1 =	seq.s32 s10, $0x1;
	s10 =	sld [smem:$0x3FB2];
	_ =	sdelay $0x3  }
0x37: {  	[smem:$0x3FB2] =	sst s10  }
0x38: {  	s10 =	sld [smem:$0x3FB3]  }
0x39: {  	_ = 	snop;
	(pc) =	sbr.ind lr, $3  }
0x3a: {  	_ = 	snop  }
0x3b: {  	_ = 	snop  }
0x3c: {  	p2 =	seq.s32 s10, $0x1;
	s10 =	sld [smem:$0x3FB2]  }
0x3d: {  	_ =	shalt  }
0x3e: {  	_ =	shalt  }
0x3f: {  	_ =	shalt  }
0x40: {  	_ =	shalt  }
0x41: {  	_ =	shalt  }
0x42: {  	_ =	shalt  }
0x43: {  	_ =	shalt  }
0x44: {  	_ =	shalt  }
0x45: {  	_ =	shalt  }
0x46: {  	_ =	shalt  }
0x47: {  	_ =	shalt  }
0x48: {  	_ =	shalt  }
0x49: {  	_ =	shalt  }
0x4a: {  	_ =	shalt  }
0x4b: {  	_ =	shalt  }
0x4c: {  	_ =	shalt  }
0x4d: {  	_ =	shalt  }
0x4e: {  	_ =	shalt  }
0x4f: {  	_ =	shalt  }
0x50: {  	_ =	shalt  }
0x51: {  	_ =	shalt  }
0x52: {  	_ =	shalt  }
0x53: {  	_ =	shalt  }
0x54: {  	_ =	shalt  }
0x55: {  	_ =	shalt  }
0x56: {  	_ =	shalt  }
0x57: {  	_ =	shalt  }
0x58: {  	_ =	shalt  }
0x59: {  	_ =	shalt  }
0x5a: {  	_ =	shalt  }
0x5b: {  	_ =	shalt  }
0x5c: {  	_ =	shalt  }
0x5d: {  	_ =	shalt  }
0x5e: {  	_ =	shalt  }
0x5f: {  	_ =	shalt  }
0x60: {  	_ =	shalt  }
0x61: {  	_ =	shalt  }
0x62: {  	_ =	shalt  }
0x63: {  	_ =	shalt  }
0x64: {  	_ =	shalt  }
0x65: {  	_ =	shalt  }
0x66: {  	_ =	shalt  }
0x67: {  	_ =	shalt  }
0x68: {  	_ =	shalt  }
0x69: {  	_ =	shalt  }
0x6a: {  	_ =	shalt  }
0x6b: {  	_ =	shalt  }
0x6c: {  	_ =	shalt  }
0x6d: {  	_ =	shalt  }
0x6e: {  	_ =	shalt  }
0x6f: {  	_ =	shalt  }
0x70: {  	_ =	shalt  }
0x71: {  	_ =	shalt  }
0x72: {  	_ =	shalt  }
0x73: {  	_ =	shalt  }
0x74: {  	_ =	shalt  }
0x75: {  	_ =	shalt  }
0x76: {  	_ =	shalt  }
0x77: {  	_ =	shalt  }
0x78: {  	_ =	shalt  }
0x79: {  	_ =	shalt  }
0x7a: {  	_ =	shalt  }
0x7b: {  	_ =	shalt  }
0x7c: {  	_ =	shalt  }
0x7d: {  	_ =	shalt  }
0x7e: {  	_ =	shalt  }
0x7f: {  	_ =	shalt  }
0x80: {  	_ =	shalt  }
0x81: {  	_ =	shalt  }
0x82: {  	_ =	shalt  }
0x83: {  	_ =	shalt  }
0x84: {  	_ =	shalt  }
0x85: {  	_ =	shalt  }
0x86: {  	_ =	shalt  }
0x87: {  	_ =	shalt  }
.Lfunc_end0:
.L_simem_size_0:
called_computation.2_lowered:
.L_overlay_start_0:
0x88: {  	s2 =	sld [smem:$0x3FD9]  }
0x89: {  	s3 =	sld [smem:$0x3FFE];
	_ =	sdelay $0x1  }
0x8a: {  	s1 =	srdreg.scid  }
0x8b: {  	s0 =	sand.u32 $0x1, s1  }
0x8c: {  	s17 =	sshll.u32 s0, $0xA;
	s2 =	sadd.s32 s3, s2  }
0x8d: {  	s2 =	sadd.s32 s2, s17  }
0x8e: {  	[smem:$0x3FBE] =	sst s2  }
0x8f: {  	_ = 	snop  }
0x90: {  	s2 =	sld [smem:$0x3FD0];
	(tm) =	ssettm $0x1  }
0x91: {  	s18 =	sld [smem:$0x3FFB];
	_ =	sdelay $0x3  }
0x92: {  	_ =	strace s18  }
0x93: {  	s3 =	sld [smem:$0x3FFC];
	_ =	sdelay $0x3  }
0x94: {  	_ =	strace s3  }
0x95: {  	s3 =	sld [smem:$0x3FFD];
	_ =	sdelay $0x3  }
0x96: {  	_ =	strace s3  }
0x97: {  	_ =	strace $0x8FFFFFFF  }
0x98: {  	s19 =	sld [smem:$0x3FDB];
	_ =	sdelay $0x1  }
0x99: {  	s4 =	simm.s32 $_scs_section_size  }
0x9a: {  	s5 =	simm.s32 $_size__tile_overlayer_lowered;
	s6 =	simm.s32 $_tile_overlayer_lowered  }
0x9b: {  	s22 =	simm.s32 $0x1BFF;
	s21 =	sshll.u32 s6, $0x1;
	s3 =	sadd.s32 s4, s19  }
0x9c: {  	s7 =	simm.s32 $0x0;
	s20 =	sshll.u32 s5, $0x1;
	s5 =	sadd.s32 s21, s3  }
0x9d: {  	[timem:s7], [sflag:s22] =	dma.local [hbm:s5], s20  }
0x9e: {  	_ =	swait.ge [sflag:s22], s20  }
0x9f: {  	s4 =	ssub.s32 $0x0, s20;
	[sflag:s22] =	ssyncset.done $0x0  }
0xa0: {  	[sflag:s22] =	ssyncadd.s32 s4;
	_ =	sdelay $0x1  }
0xa1: {  	s23 =	simm.s32 $0x1B8B  }
0xa2: {  	_ =	swait.ge [sflag:s23], $0x1  }
0xa3: {  	[sflag:s23] =	ssyncset.done $0x0  }
0xa4: {  	s25 =	simm.s32 $0x1B8E;
	s24 =	sld [smem:$0x3FFE];
	[sflag:s23] =	ssyncadd.s32 $0xFFFFFFFF  }
0xa5: {  	s26 =	simm.s32 $execute0_lowered;
	[smem:$0x3FD2] =	sst s25  }
0xa6: {  	s5 =	sshll.u32 s26, $0x1;
	_ =	strace $0x8000004C;
	[dreg:$0x1] =	wrdreg $0xFFFFFFFF  }
0xa7: {  	s28 =	simm.s32 $_size_execute0_lowered;
	s3 =	sadd.s32 s3, s5;
	[dreg:$0x0] =	wrdreg $0x0  }
0xa8: {  	s5 =	sshll.u32 s28, $0x1;
	[dreg:$0x2] =	wrdreg s3  }
0xa9: {  	[dreg:$0x3] =	wrdreg s5  }
0xaa: {  	[dreg:$0x4] =	wrdreg $0xC0  }
0xab: {  	_ =	task [dreg:s7], $0x5FFFF  }
0xac: {  	[dreg:$0x1] =	wrdreg $0xFFFFFFFF  }
0xad: {  	[dreg:$0x0] =	wrdreg $0x60  }
0xae: {  	[dreg:$0x2] =	wrdreg s2  }
0xaf: {  	[dreg:$0x3] =	wrdreg s24  }
0xb0: {  	[dreg:$0x4] =	wrdreg $0x0  }
0xb1: {  	[dreg:$0x5] =	wrdreg $0xA0000  }
0xb2: {  	[dreg:$0x6] =	wrdreg $0x9  }
0xb3: {  	_ =	task.clear_ibuf [dreg:s7], $0x7FFFF;
	_ =	strace $0x9000004C  }
0xb4: {  	s29 =	simm.s32 $0x9;
	_ =	strace $0x8000004E  }
0xb5: {  	_ =	swait.ge [sflag:s29], $0x1  }
0xb6: {  	[sflag:s29] =	ssyncadd.s32 $0xFFFFFFFF  }
0xb7: {  	_ =	strace $0x9000004E  }
0xb8: {  	_ =	sfence  }
0xb9: {  	s30 =	sld [smem:$0x0];
	_ =	sdelay $0x2  }
0xba: {  	s31 =	sshll.u32 s1, $0xD;
	s1 =	sshrl.u32 s1, $0x2  }
0xbb: {  	s3 =	sand.u32 $0x4000, s31;
	s1 =	sadd.s32 s1, s30  }
0xbc: {  	s0 =	sor.u32 s3, s0;
	s1 =	sshll.u32 s1, $0x11  }
0xbd: {  	s0 =	sor.u32 s1, s0  }
0xbe: {  	s0 =	sadd.s32 $0x8F2B, s0  }
0xbf: {  	[sflag:s0] =	ssyncadd.remote.s32 $0x1  }
0xc0: {  	_ =	sfence.sel $0xFFFF  }
0xc1: {  	[dreg:$0x0] =	wrdreg $0xFFFFFFFF;
	(pc) =	sbr.abs _section_cstart, $3  }
0xc2: {  	[dreg:$0x1] =	wrdreg $0xFFFFFFFF  }
0xc3: {  	_ =	task.clear_ibuf [dreg:s7], $0x2FFFF;
	_ =	strace $0x9FFFFFFF  }
0xc4: {  	(tm) =	ssettm $0x7FFFFFFF  }
0xc5: {  	_ =	shalt  }
tec
execute0_lowered:
.L_overlay_start_1:
0x0: {  	(tag) =	ssettag $0x1  }
0x1: {  	s0 =	rddreg [dreg:$0x0]  }
0x2: {  	s1 =	rddreg [dreg:$0x1]  }
0x3: {  	s2 =	rddreg [dreg:$0x2]  }
0x4: {  	s3 =	rddreg [dreg:$0x3]  }
0x5: {  	s10 =	stileid.u32;
	s6 =	srdreg.scid  }
0x6: {  	s4 =	simm.s32 $0x0;
	s28 =	simm.s32 $0x14100;
	s5 =	smul.u32 $0x500, s10  }
0x7: {  	s29 =	simm.s32 $0x14080;
	s30 =	simm.s32 $0x16200;
	s7 =	smul.u32 $0x280, s10  }
0x8: {  	s31 =	simm.s32 $0x14180;
	s6 =	sand.u32 $0x1, s6;
	s15 =	smul.u32 $0x28000, s10  }
0x9: {  	[smem:$0x7FF] =	sst s4;
	s16 =	sshll.u32 s10, $0x6;
	s8 =	smul.u32 $0x2800, s6  }
0xa: {  	_ =	strace $0x8000004D;
	s6 =	ssub.s32 $0x2, s6;
	s11 =	sadd.s32 s5, s1  }
0xb: {  	s5 =	sadd.s32 $0x6A00, s1;
	s9 =	sshrl.u32 s6, $0x1;
	s7 =	sadd.s32 s7, s8  }
0xc: {  	s6 =	ssub.s32 s6, s9;
	s8 =	sshrl.u32 s15, $0x2;
	s9 =	sadd.s32 $0x7600, s11  }
0xd: {  	s10 =	sadd.s32 $0x1A00, s11;
	s17 =	sadd.s32 $0x1A10, s11;
	s11 =	simm.s32 $0x6  }
0xe: {  	s7 =	sshll.u32 s7, $0x3;
	[dreg:$0x6] =	wrdreg s17;
	s18 =	smax.u32 s6, $0x1  }
0xf: {  	s12 =	sadd.s32 s8, s2;
	s0 =	sadd.s32 s0, s7;
	[dreg:$0x7] =	wrdreg s18  }
0x10: {  	s15 =	sadd.s32 s8, s3;
	s26 =	sshrl.u32 s12, $0x3;
	[dreg:$0x5] =	wrdreg s0  }
0x11: {  	s1 =	sadd.s32 s7, s1;
	s14 =	sadd.s32 $0x2000, s15;
	[dreg:$0x11] =	wrdreg s26  }
0x12: {  	s7 =	sor.u32 $0x1C09, s16;
	s16 =	sadd.s32 $0x4000, s15;
	[dreg:$0x8] =	wrdreg s14  }
0x13: {  	s6 =	simm.s32 $0x2;
	s21 =	sadd.s32 $0x6000, s15;
	[dreg:$0x9] =	wrdreg s16  }
0x14: {  	s17 =	simm.s32 $0x3;
	s22 =	sadd.s32 $0x8000, s15;
	[dreg:$0xa] =	wrdreg s21  }
0x15: {  	s12 =	simm.s32 $0x7;
	s19 =	sadd.s32 $0x5C600, s1;
	[dreg:$0xb] =	wrdreg s22  }
0x16: {  	s18 =	simm.s32 $0x8;
	s20 =	sadd.s32 $0x5CA00, s1;
	[dreg:$0xc] =	wrdreg s19  }
0x17: {  	s23 =	sadd.s32 $0x5CE00, s1;
	s24 =	sadd.s32 $0x5D200, s1;
	[dreg:$0xd] =	wrdreg s20  }
0x18: {  	s25 =	sadd.s32 $0x5D600, s1;
	s26 =	simm.s32 $0x14200;
	[dreg:$0xe] =	wrdreg s23  }
0x19: {  	s0 =	simm.s32 $0x1;
	s1 =	simm.s32 $0x5;
	[dreg:$0xf] =	wrdreg s24  }
0x1a: {  	[dreg:$0x10] =	wrdreg s25;
	s23 =	simm.s32 $0x9;
	s24 =	simm.s32 $0x14000  }
0x1b: {  	s25 =	simm.s32 $0x80;
	s19 =	simm.s32 $0x4;
	s20 =	simm.s32 $0x0  }
.LBB2_1:
0x1c: {  	s13 =	rddreg [dreg:$0x5]  }
0x1d: {  	s8 =	rddreg [dreg:$0x11]  }
0x1e: {  	[spmem:s8], [sflag:s7] =	dma.local [hbm:s13], $0x1400  }
0x1f: {  	_ =	swait.ge [sflag:s23], $0x1400  }
0x20: {  	[sflag:s23] =	ssyncset.done $0x0  }
0x21: {  	s8 =	smov.u32 s15;
	s15 =	sshrl.u32 s15, $0x3;
	[sflag:s23] =	ssyncadd.s32 $0xFFFFEC00  }
0x22: {  	[spmem:s15], [sflag:s7] =	dma.local [hbm:s5], $0x400  }
0x23: {  	_ =	swait.ge [sflag:s23], $0x400  }
0x24: {  	[sflag:s23] =	ssyncset.done $0x0  }
0x25: {  	s15 =	sshrl.u32 s14, $0x3;
	[sflag:s23] =	ssyncadd.s32 $0xFFFFFC00  }
0x26: {  	[spmem:s15], [sflag:s7] =	dma.local [hbm:s5], $0x400  }
0x27: {  	_ =	swait.ge [sflag:s23], $0x400  }
0x28: {  	[sflag:s23] =	ssyncset.done $0x0  }
0x29: {  	s16 =	sshrl.u32 s16, $0x3;
	[sflag:s23] =	ssyncadd.s32 $0xFFFFFC00  }
0x2a: {  	[spmem:s16], [sflag:s7] =	dma.local [hbm:s5], $0x400  }
0x2b: {  	_ =	swait.ge [sflag:s23], $0x400  }
0x2c: {  	[sflag:s23] =	ssyncset.done $0x0  }
0x2d: {  	s21 =	sshrl.u32 s21, $0x3;
	[sflag:s23] =	ssyncadd.s32 $0xFFFFFC00  }
0x2e: {  	[spmem:s21], [sflag:s7] =	dma.local [hbm:s5], $0x400  }
0x2f: {  	_ =	swait.ge [sflag:s23], $0x400  }
0x30: {  	[sflag:s23] =	ssyncset.done $0x0  }
0x31: {  	s22 =	sshrl.u32 s22, $0x3;
	[sflag:s23] =	ssyncadd.s32 $0xFFFFFC00  }
0x32: {  	[spmem:s22], [sflag:s7] =	dma.local [hbm:s5], $0x400  }
0x33: {  	_ =	swait.ge [sflag:s23], $0x400  }
0x34: {  	[sflag:s23] =	ssyncset.done $0x0  }
0x35: {  	[sflag:s23] =	ssyncadd.s32 $0xFFFFFC00  }
0x36: {  	[bflag:$0x0] =	sbarrier.arrive $0xFFFF  }
0x37: {  	[tilespmem:s24], [sflag:$0x9] =	stream.linear.gather [hbm4b:s9+s4], $0x100, $0x38;
	[tilespmem:$0x18200] =	vst v63  }
0x38: {  	_ =	swait.ge [sflag:s23], $0x100  }
0x39: {  	[sflag:s23] =	ssyncset.done $0x0  }
0x3a: {  	[sflag:s23] =	ssyncadd.s32 $0xFFFFFF00  }
0x3b: {  	[tilespmem:s26], [sflag:$0x1] =	stream.indirect.gather [spmem:s2], $0x40, s24, s25, $0xb8;
	[tilespmem:$0x18200] =	vst v63  }
0x3c: {  	_ = 	snop  }
0x3d: {  	[tilespmem:s28], [sflag:$0x5] =	stream.linear.gather [hbm4b:s10+s4], $0x80, $0x38;
	[tilespmem:$0x18200] =	vst v63  }
0x3e: {  	_ = 	snop  }
0x3f: {  	[tilespmem:s30], [sflag:$0x2] =	stream.indirect.gather [spmem:s2], $0x40, s29, s25, $0xb8;
	[tilespmem:$0x18200] =	vst v63  }
0x40: {  	s14 =	rddreg [dreg:$0x6]  }
0x41: {  	[tilespmem:s31], [sflag:$0x6] =	stream.linear.gather [hbm4b:s14+s4], $0x80, $0x38;
	[tilespmem:$0x18200] =	vst v63  }
0x42: {  	_ =	swait.ge [sflag:s0], $0x2000  }
0x43: {  	s15 =	sadd.s32 $0xFFFFFB20, s9;
	[sflag:s0] =	ssyncset.done $0x0  }
0x44: {  	s16 =	sadd.s32 $0x500, s15;
	[sflag:s0] =	ssyncadd.s32 $0xFFFFE000  }
0x45: {  	[tilespmem:s24], [sflag:$0x3] =	stream.linear.gather [hbm4b:s16+s4], $0x80, $0x38;
	[tilespmem:$0x18200] =	vst v63  }
0x46: {  	_ =	swait.ge [sflag:s1], $0x80  }
0x47: {  	[sflag:s1] =	ssyncset.done $0x0  }
0x48: {  	[sflag:s1] =	ssyncadd.s32 $0xFFFFFF80  }
0x49: {  	[spmem:s3] =	stream.indirect.scatter.add.f32 [tilespmem:s26], [sflag:$0x7], $0x40, s28, s25, $0xb8;
	[tilespmem:$0x18200] =	vst v63  }
0x4a: {  	_ =	swait.ge [sflag:s6], $0x2000  }
0x4b: {  	[sflag:s6] =	ssyncset.done $0x0  }
0x4c: {  	s13 =	sadd.s32 $0x510, s15;
	[sflag:s6] =	ssyncadd.s32 $0xFFFFE000  }
0x4d: {  	[tilespmem:s29], [sflag:$0x4] =	stream.linear.gather [hbm4b:s13+s4], $0x80, $0x38;
	[tilespmem:$0x18200] =	vst v63  }
0x4e: {  	_ =	swait.ge [sflag:s11], $0x80  }
0x4f: {  	[sflag:s11] =	ssyncset.done $0x0  }
0x50: {  	[sflag:s11] =	ssyncadd.s32 $0xFFFFFF80  }
0x51: {  	[spmem:s3] =	stream.indirect.scatter.add.f32 [tilespmem:s30], [sflag:$0x8], $0x40, s31, s25, $0xb8;
	[tilespmem:$0x18200] =	vst v63  }
0x52: {  	_ =	swait.ge [sflag:s12], $0x2000  }
0x53: {  	s21 =	sadd.s32 $0xFFFFFB20, s10;
	[sflag:s12] =	ssyncset.done $0x0  }
0x54: {  	s22 =	sadd.s32 $0x500, s21;
	[sflag:s12] =	ssyncadd.s32 $0xFFFFE000  }
0x55: {  	[tilespmem:s28], [sflag:$0x5] =	stream.linear.gather [hbm4b:s22+s4], $0x80, $0x38;
	[tilespmem:$0x18200] =	vst v63  }
0x56: {  	_ =	swait.ge [sflag:s17], $0x80  }
0x57: {  	[sflag:s17] =	ssyncset.done $0x0  }
0x58: {  	[sflag:s17] =	ssyncadd.s32 $0xFFFFFF80  }
0x59: {  	[tilespmem:s26], [sflag:$0x1] =	stream.indirect.gather [spmem:s2], $0x40, s24, s25, $0xb8;
	[tilespmem:$0x18200] =	vst v63  }
0x5a: {  	_ =	swait.ge [sflag:s18], $0x2000  }
0x5b: {  	[sflag:s18] =	ssyncset.done $0x0  }
0x5c: {  	s13 =	sadd.s32 $0x510, s21;
	[sflag:s18] =	ssyncadd.s32 $0xFFFFE000  }
0x5d: {  	[tilespmem:s31], [sflag:$0x6] =	stream.linear.gather [hbm4b:s13+s4], $0x80, $0x38;
	[tilespmem:$0x18200] =	vst v63  }
0x5e: {  	_ =	swait.ge [sflag:s19], $0x80  }
0x5f: {  	[sflag:s19] =	ssyncset.done $0x0  }
0x60: {  	[sflag:s19] =	ssyncadd.s32 $0xFFFFFF80  }
0x61: {  	[tilespmem:s30], [sflag:$0x2] =	stream.indirect.gather [spmem:s2], $0x40, s29, s25, $0xb8;
	[tilespmem:$0x18200] =	vst v63  }
0x62: {  	s21 =	simm.s32 $0xFFFFFB40;
	_ =	swait.ge [sflag:s0], $0x2000  }
0x63: {  	s22 =	simm.s32 $0xFFFFFB60;
	s13 =	sadd.s32 $0xFFFFFB40, s9;
	[sflag:s0] =	ssyncset.done $0x0  }
.LBB2_2:
0x64: {  	s15 =	sadd.s32 $0x500, s13  }
0x65: {  	[sflag:s0] =	ssyncadd.s32 $0xFFFFE000;
	s16 =	smov.u32 s22;
	s14 =	sadd.s32 $0x20, s22  }
0x66: {  	[tilespmem:s24], [sflag:$0x3] =	stream.linear.gather [hbm4b:s15+s4], $0x80, $0x38;
	[tilespmem:$0x18200] =	vst v63  }
0x67: {  	p0 =	sne.s32 s22, $0xFFFFFFE0;
	_ =	swait.ge [sflag:s1], $0x80  }
0x68: {  	[sflag:s1] =	ssyncset.done $0x0  }
0x69: {  	[sflag:s1] =	ssyncadd.s32 $0xFFFFFF80  }
0x6a: {  	[spmem:s3] =	stream.indirect.scatter.add.f32 [tilespmem:s26], [sflag:$0x7], $0x40, s28, s25, $0xb8;
	[tilespmem:$0x18200] =	vst v63  }
0x6b: {  	_ =	swait.ge [sflag:s6], $0x2000  }
0x6c: {  	[sflag:s6] =	ssyncset.done $0x0  }
0x6d: {  	s13 =	sadd.s32 $0x510, s13;
	[sflag:s6] =	ssyncadd.s32 $0xFFFFE000  }
0x6e: {  	[tilespmem:s29], [sflag:$0x4] =	stream.linear.gather [hbm4b:s13+s4], $0x80, $0x38;
	[tilespmem:$0x18200] =	vst v63  }
0x6f: {  	_ =	swait.ge [sflag:s11], $0x80  }
0x70: {  	[sflag:s11] =	ssyncset.done $0x0  }
0x71: {  	[sflag:s11] =	ssyncadd.s32 $0xFFFFFF80  }
0x72: {  	[spmem:s3] =	stream.indirect.scatter.add.f32 [tilespmem:s30], [sflag:$0x8], $0x40, s31, s25, $0xb8;
	[tilespmem:$0x18200] =	vst v63  }
0x73: {  	_ =	swait.ge [sflag:s12], $0x2000  }
0x74: {  	s13 =	sadd.s32 s21, s10;
	s21 =	smov.u32 s16;
	[sflag:s12] =	ssyncset.done $0x0  }
0x75: {  	s15 =	sadd.s32 $0x500, s13;
	[sflag:s12] =	ssyncadd.s32 $0xFFFFE000  }
0x76: {  	[tilespmem:s28], [sflag:$0x5] =	stream.linear.gather [hbm4b:s15+s4], $0x80, $0x38;
	[tilespmem:$0x18200] =	vst v63  }
0x77: {  	_ =	swait.ge [sflag:s17], $0x80  }
0x78: {  	[sflag:s17] =	ssyncset.done $0x0  }
0x79: {  	[sflag:s17] =	ssyncadd.s32 $0xFFFFFF80  }
0x7a: {  	[tilespmem:s26], [sflag:$0x1] =	stream.indirect.gather [spmem:s2], $0x40, s24, s25, $0xb8;
	[tilespmem:$0x18200] =	vst v63  }
0x7b: {  	_ =	swait.ge [sflag:s18], $0x2000  }
0x7c: {  	[sflag:s18] =	ssyncset.done $0x0  }
0x7d: {  	s13 =	sadd.s32 $0x510, s13;
	[sflag:s18] =	ssyncadd.s32 $0xFFFFE000  }
0x7e: {  	[tilespmem:s31], [sflag:$0x6] =	stream.linear.gather [hbm4b:s13+s4], $0x80, $0x38;
	[tilespmem:$0x18200] =	vst v63  }
0x7f: {  	_ =	swait.ge [sflag:s19], $0x80  }
.Ltmp0:
0x80: {  	[sflag:s19] =	ssyncset.done $0x0;
	(pc) =	sbr.rel @p0 .LBB2_2-.Ltmp0, $4  }
0x81: {  	[sflag:s19] =	ssyncadd.s32 $0xFFFFFF80  }
0x82: {  	[tilespmem:s30], [sflag:$0x2] =	stream.indirect.gather [spmem:s2], $0x40, s29, s25, $0xb8;
	[tilespmem:$0x18200] =	vst v63  }
0x83: {  	_ =	swait.ge [sflag:s0], $0x2000  }
0x84: {  	s22 =	smov.u32 s14;
	s13 =	sadd.s32 s21, s9;
	[sflag:s0] =	ssyncset.done $0x0  }
0x85: {  	s14 =	sadd.s32 $0x500, s13;
	[sflag:s0] =	ssyncadd.s32 $0xFFFFE000  }
0x86: {  	[tilespmem:s24], [sflag:$0x3] =	stream.linear.gather [hbm4b:s14+s4], $0x80, $0x38;
	[tilespmem:$0x18200] =	vst v63  }
0x87: {  	_ =	swait.ge [sflag:s1], $0x80  }
0x88: {  	[sflag:s1] =	ssyncset.done $0x0  }
0x89: {  	[sflag:s1] =	ssyncadd.s32 $0xFFFFFF80  }
0x8a: {  	[spmem:s3] =	stream.indirect.scatter.add.f32 [tilespmem:s26], [sflag:$0x7], $0x40, s28, s25, $0xb8;
	[tilespmem:$0x18200] =	vst v63  }
0x8b: {  	_ =	swait.ge [sflag:s6], $0x2000  }
0x8c: {  	[sflag:s6] =	ssyncset.done $0x0  }
0x8d: {  	s16 =	sadd.s32 $0x510, s13;
	[sflag:s6] =	ssyncadd.s32 $0xFFFFE000  }
0x8e: {  	[tilespmem:s29], [sflag:$0x4] =	stream.linear.gather [hbm4b:s16+s4], $0x80, $0x38;
	[tilespmem:$0x18200] =	vst v63  }
0x8f: {  	_ =	swait.ge [sflag:s11], $0x80  }
0x90: {  	[sflag:s11] =	ssyncset.done $0x0  }
0x91: {  	[sflag:s11] =	ssyncadd.s32 $0xFFFFFF80  }
0x92: {  	[spmem:s3] =	stream.indirect.scatter.add.f32 [tilespmem:s30], [sflag:$0x8], $0x40, s31, s25, $0xb8;
	[tilespmem:$0x18200] =	vst v63  }
0x93: {  	_ =	swait.ge [sflag:s12], $0x2000  }
0x94: {  	s21 =	sadd.s32 s21, s10;
	[sflag:s12] =	ssyncset.done $0x0  }
0x95: {  	s22 =	sadd.s32 $0x500, s21;
	[sflag:s12] =	ssyncadd.s32 $0xFFFFE000  }
0x96: {  	[tilespmem:s28], [sflag:$0x5] =	stream.linear.gather [hbm4b:s22+s4], $0x80, $0x38;
	[tilespmem:$0x18200] =	vst v63  }
0x97: {  	_ =	swait.ge [sflag:s17], $0x80  }
0x98: {  	[sflag:s17] =	ssyncset.done $0x0  }
0x99: {  	[sflag:s17] =	ssyncadd.s32 $0xFFFFFF80  }
0x9a: {  	[tilespmem:s26], [sflag:$0x1] =	stream.indirect.gather [spmem:s2], $0x40, s24, s25, $0xb8;
	[tilespmem:$0x18200] =	vst v63  }
0x9b: {  	_ =	swait.ge [sflag:s18], $0x2000  }
0x9c: {  	[sflag:s18] =	ssyncset.done $0x0  }
0x9d: {  	s13 =	sadd.s32 $0x510, s21;
	[sflag:s18] =	ssyncadd.s32 $0xFFFFE000  }
0x9e: {  	[tilespmem:s31], [sflag:$0x6] =	stream.linear.gather [hbm4b:s13+s4], $0x80, $0x38;
	[tilespmem:$0x18200] =	vst v63  }
0x9f: {  	_ =	swait.ge [sflag:s19], $0x80  }
0xa0: {  	[sflag:s19] =	ssyncset.done $0x0  }
0xa1: {  	[sflag:s19] =	ssyncadd.s32 $0xFFFFFF80  }
0xa2: {  	[tilespmem:s30], [sflag:$0x2] =	stream.indirect.gather [spmem:s2], $0x40, s29, s25, $0xb8;
	[tilespmem:$0x18200] =	vst v63  }
0xa3: {  	_ =	swait.ge [sflag:s0], $0x2000  }
0xa4: {  	[sflag:s0] =	ssyncset.done $0x0  }
0xa5: {  	[sflag:s0] =	ssyncadd.s32 $0xFFFFE000  }
0xa6: {  	_ =	swait.ge [sflag:s1], $0x80  }
0xa7: {  	[sflag:s1] =	ssyncset.done $0x0  }
0xa8: {  	[sflag:s1] =	ssyncadd.s32 $0xFFFFFF80  }
0xa9: {  	[spmem:s3] =	stream.indirect.scatter.add.f32 [tilespmem:s26], [sflag:$0x7], $0x40, s28, s25, $0xb8;
	[tilespmem:$0x18200] =	vst v63  }
0xaa: {  	_ =	swait.ge [sflag:s6], $0x2000  }
0xab: {  	[sflag:s6] =	ssyncset.done $0x0  }
0xac: {  	[sflag:s6] =	ssyncadd.s32 $0xFFFFE000  }
0xad: {  	_ =	swait.ge [sflag:s11], $0x80  }
0xae: {  	[sflag:s11] =	ssyncset.done $0x0  }
0xaf: {  	[sflag:s11] =	ssyncadd.s32 $0xFFFFFF80  }
0xb0: {  	[spmem:s3] =	stream.indirect.scatter.add.f32 [tilespmem:s30], [sflag:$0x8], $0x40, s31, s25, $0xb8;
	[tilespmem:$0x18200] =	vst v63  }
0xb1: {  	_ =	swait.ge [sflag:s12], $0x2000  }
0xb2: {  	[sflag:s12] =	ssyncset.done $0x0  }
0xb3: {  	[sflag:s12] =	ssyncadd.s32 $0xFFFFE000  }
0xb4: {  	_ =	swait.ge [sflag:s18], $0x2000  }
0xb5: {  	[sflag:s18] =	ssyncset.done $0x0  }
0xb6: {  	[sflag:s18] =	ssyncadd.s32 $0xFFFFE000  }
0xb7: {  	[bflag:$0x0] =	sbarrier.arrive $0xFFFF  }
0xb8: {  	[tilespmem:s26], [sflag:$0x9] =	stream.linear.gather [spmem:s8], $0x2000, $0x38;
	[tilespmem:$0x18200] =	vst v63  }
0xb9: {  	_ =	swait.ge [sflag:s23], $0x2000  }
0xba: {  	[sflag:s23] =	ssyncset.done $0x0  }
0xbb: {  	s14 =	rddreg [dreg:$0xc];
	[sflag:s23] =	ssyncadd.s32 $0xFFFFE000  }
0xbc: {  	[hbm4b:s14+s4] =	stream.linear.scatter [tilespmem:s26], [sflag:$0x9], $0x2000, $0x38;
	[tilespmem:$0x18200] =	vst v63  }
0xbd: {  	_ =	swait.ge [sflag:s23], $0x2000  }
0xbe: {  	[sflag:s23] =	ssyncset.done $0x0  }
0xbf: {  	s14 =	rddreg [dreg:$0x8];
	[sflag:s23] =	ssyncadd.s32 $0xFFFFE000  }
0xc0: {  	[tilespmem:s26], [sflag:$0x9] =	stream.linear.gather [spmem:s14], $0x2000, $0x38;
	[tilespmem:$0x18200] =	vst v63  }
0xc1: {  	_ =	swait.ge [sflag:s23], $0x2000  }
0xc2: {  	[sflag:s23] =	ssyncset.done $0x0  }
0xc3: {  	s16 =	rddreg [dreg:$0xd];
	[sflag:s23] =	ssyncadd.s32 $0xFFFFE000  }
0xc4: {  	[hbm4b:s16+s4] =	stream.linear.scatter [tilespmem:s26], [sflag:$0x9], $0x2000, $0x38;
	[tilespmem:$0x18200] =	vst v63  }
0xc5: {  	_ =	swait.ge [sflag:s23], $0x2000  }
0xc6: {  	[sflag:s23] =	ssyncset.done $0x0  }
0xc7: {  	s16 =	rddreg [dreg:$0x9];
	[sflag:s23] =	ssyncadd.s32 $0xFFFFE000  }
0xc8: {  	[tilespmem:s26], [sflag:$0x9] =	stream.linear.gather [spmem:s16], $0x2000, $0x38;
	[tilespmem:$0x18200] =	vst v63  }
0xc9: {  	_ =	swait.ge [sflag:s23], $0x2000  }
0xca: {  	[sflag:s23] =	ssyncset.done $0x0  }
0xcb: {  	s21 =	rddreg [dreg:$0xe];
	[sflag:s23] =	ssyncadd.s32 $0xFFFFE000  }
0xcc: {  	[hbm4b:s21+s4] =	stream.linear.scatter [tilespmem:s26], [sflag:$0x9], $0x2000, $0x38;
	[tilespmem:$0x18200] =	vst v63  }
0xcd: {  	_ =	swait.ge [sflag:s23], $0x2000  }
0xce: {  	[sflag:s23] =	ssyncset.done $0x0  }
0xcf: {  	s21 =	rddreg [dreg:$0xa];
	[sflag:s23] =	ssyncadd.s32 $0xFFFFE000  }
0xd0: {  	[tilespmem:s26], [sflag:$0x9] =	stream.linear.gather [spmem:s21], $0x2000, $0x38;
	[tilespmem:$0x18200] =	vst v63  }
0xd1: {  	_ =	swait.ge [sflag:s23], $0x2000  }
0xd2: {  	[sflag:s23] =	ssyncset.done $0x0  }
0xd3: {  	s22 =	rddreg [dreg:$0xf];
	[sflag:s23] =	ssyncadd.s32 $0xFFFFE000  }
0xd4: {  	[hbm4b:s22+s4] =	stream.linear.scatter [tilespmem:s26], [sflag:$0x9], $0x2000, $0x38;
	[tilespmem:$0x18200] =	vst v63  }
0xd5: {  	_ =	swait.ge [sflag:s23], $0x2000  }
0xd6: {  	[sflag:s23] =	ssyncset.done $0x0  }
0xd7: {  	s22 =	rddreg [dreg:$0xb];
	[sflag:s23] =	ssyncadd.s32 $0xFFFFE000  }
0xd8: {  	[tilespmem:s26], [sflag:$0x9] =	stream.linear.gather [spmem:s22], $0x2000, $0x38;
	[tilespmem:$0x18200] =	vst v63  }
0xd9: {  	_ =	swait.ge [sflag:s23], $0x2000  }
0xda: {  	[sflag:s23] =	ssyncset.done $0x0  }
0xdb: {  	s13 =	rddreg [dreg:$0x10];
	[sflag:s23] =	ssyncadd.s32 $0xFFFFE000  }
0xdc: {  	[hbm4b:s13+s4] =	stream.linear.scatter [tilespmem:s26], [sflag:$0x9], $0x2000, $0x38;
	[tilespmem:$0x18200] =	vst v63  }
0xdd: {  	_ =	swait.ge [sflag:s23], $0x2000  }
0xde: {  	s15 =	smov.u32 s8;
	s20 =	sadd.s32 $0x1, s20;
	s8 =	rddreg [dreg:$0x7]  }
0xdf: {  	p0 =	sne.s32 s20, s8  }
.Ltmp1:
0xe0: {  	_ = 	snop;
	(pc) =	sbr.rel @p0 .LBB2_1-.Ltmp1, $3  }
0xe1: {  	_ =	sdelay $0x1  }
0xe2: {  	[sflag:s23] =	ssyncset.done $0x0  }
0xe3: {  	[sflag:s23] =	ssyncadd.s32 $0xFFFFE000  }
0xe4: {  	_ =	sfence.sel $0x180000  }
0xe5: {  	[bflag:$0x0] =	sbarrier.arrive $0xFFFF  }
0xe6: {  	_ =	strace $0x9000004D  }
0xe7: {  	s0 =	stileid.u32;
	[bflag:$0x2] =	sbarrier.arrive $0xFFFF  }
0xe8: {  	p0 =	sne.s32 s0, $0x0;
	s0 =	rddreg [dreg:$0x4]  }
0xe9: {  	s0 =	sadd.s32 @!p0 $0x100000, s0  }
0xea: {  	[sflag:s0] =	ssyncadd.tile.s32 @!p0 $0x1;
	_ =	shalt  }
.Lfunc_end2:
_tile_overlayer_lowered:
.L_overlay_start_2:
0xeb: {  	(tag) =	ssettag $0x2  }
0xec: {  	s0 =	rddreg [dreg:$0x0];
	s2 =	stileid.u32  }
0xed: {  	s1 =	rddreg [dreg:$0x1];
	p0 =	sne.s32 s2, $0x0  }
0xee: {  	s3 =	rddreg [dreg:$0x2];
	[bflag:$0x3] =	sbarrier.arrive $0xFFFF;
	s2 =	simm.s32 @!p0 $0x1C09  }
0xef: {  	[timem:s3], [sflag:s2] =	dma.local @!p0 [hbm:s0], s1  }
0xf0: {  	s0 =	simm.s32 @!p0 $0x9  }
0xf1: {  	_ =	swait.ge @!p0 [sflag:s0], s1  }
0xf2: {  	s1 =	ssub.s32 @!p0 $0x0, s1;
	[sflag:s0] =	ssyncset.done @!p0 $0x0  }
0xf3: {  	[sflag:s0] =	ssyncadd.s32 @!p0 s1  }
0xf4: {  	[bflag:$0x3] =	sbarrier.arrive $0xFFFF  }
0xf5: {  	_ =	shalt  }

// kernel: kernel.8.cloned.1.call-start
scs
__scs_entry_jumppad:
0x0: {  	(pc) =	sbr.rel $0x88, $3  }
0x1: {  	(tag) =	ssettag $0x0;
	lr =	simm.s32 $0x1  }
0x2: {  	[smem:$0x3F97] =	sst lr;
	_ =	strace $0xD0000000  }
0x3: {  	_ = 	snop  }
0x4: {  	_ = 	snop  }
0x5: {  	_ = 	snop  }
0x6: {  	_ = 	snop  }
0x7: {  	_ = 	snop  }
__scs_overlays_trampoline_lowered:
0x8: {  	[smem:$0x3FA6] =	sst s0  }
0x9: {  	[smem:$0x3FA7] =	sst s1  }
0xa: {  	[smem:$0x3FA8] =	sst s2  }
0xb: {  	[smem:$0x3FA9] =	sst s3  }
0xc: {  	[smem:$0x3FAA] =	sst s4  }
0xd: {  	[smem:$0x3FAB] =	sst s5  }
0xe: {  	[smem:$0x3FAC] =	sst s6  }
0xf: {  	[smem:$0x3FAD] =	sst s7  }
0x10: {  	[smem:$0x3FAE] =	sst s8  }
0x11: {  	[smem:$0x3FAF] =	sst s9;
	s0 =	simm.s32 @!p0 $0x0  }
0x12: {  	s1 =	sld [smem:$0x3F95];
	s0 =	simm.s32 @p0 $0x1  }
0x13: {  	[smem:$0x3FB0] =	sst s0;
	s0 =	simm.s32 @!p1 $0x0  }
0x14: {  	s2 =	sld [smem:$0x3F94];
	s0 =	simm.s32 @p1 $0x1  }
0x15: {  	[smem:$0x3FB1] =	sst s0;
	s0 =	simm.s32 @!p2 $0x0  }
0x16: {  	s3 =	sld [smem:$0x3FDB];
	s0 =	simm.s32 @p2 $0x1  }
0x17: {  	s4 =	simm.s32 $0x1BF5;
	[smem:$0x3FB3] =	sst s0  }
0x18: {  	s0 =	sld [smem:$0x3F96];
	_ =	swait.ge [sflag:s4], $0x0  }
0x19: {  	s7 =	sld [smem:$0x3F97]  }
0x1a: {  	s8 =	sadd.s32 $0xFFFFE003, lr  }
0x1b: {  	s9 =	sadd.s32 $0xFFFFFEF7, lr;
	s5 =	simm.s32 $0xFFFFFFFF;
	p2 =	slt.u32 s8, $0xFFFFF086  }
0x1c: {  	p1 =	slt.u32 s9, $0xF7A;
	s5 =	simm.s32 @!p2 $0x0  }
0x1d: {  	s5 =	simm.s32 @p1 $0x1;
	p0 =	seq.s32 s7, s2  }
0x1e: {  	s7 =	smul.u32 @!p0 $0xF7A, s2;
	p2 =	seq.s32 @!p0 s5, $0x0  }
0x1f: {  	s9 =	smul.u32 $0xF7A, s1;
	s8 =	simm.s32 @!p0 $0x1BF5;
	p2 =	por !p2, p0  }
0x20: {  	[sflag:s8] =	ssyncset.s32 @!p0 $0xFFFFF086;
	s6 =	sadd.s32 @!p0 s3, s7;
	s7 =	simm.s32 @!p0 $0x108  }
0x21: {  	s3 =	sadd.s32 s3, s9;
	s6 =	sadd.s32 @!p0 $0x88, s6;
	s7 =	simm.s32 @p2 $0x1082  }
0x22: {  	[simem:s7], [sflag:s8] =	dma.local @!p0 [hbm:s6], $0xF7A  }
0x23: {  	s9 =	sor.u32 $0xD0000000, s2;
	s6 =	simm.s32 $0x108;
	_ =	swait.ge @!p0 [sflag:s8], $0x0  }
0x24: {  	s3 =	sadd.s32 $0x88, s3;
	s6 =	simm.s32 @!p1 $0x1082;
	[sflag:s4] =	ssyncset.s32 $0xFFFFF086  }
0x25: {  	[simem:s6], [sflag:s4] =	dma.local [hbm:s3], $0xF7A  }
0x26: {  	[smem:$0x3F97] =	sst s1;
	(tag) =	ssettag s2;
	_ =	strace s9  }
0x27: {  	s1 =	sld [smem:$0x3FA7]  }
0x28: {  	s2 =	sld [smem:$0x3FA8]  }
0x29: {  	s4 =	sld [smem:$0x3FAA]  }
0x2a: {  	p0 =	seq.s32 s5, $0x0;
	s5 =	sld [smem:$0x3FAB]  }
0x2b: {  	s6 =	sld [smem:$0x3FAC]  }
0x2c: {  	s7 =	sld [smem:$0x3FAD]  }
0x2d: {  	s3 =	simm.s32 $0x108;
	s8 =	sld [smem:$0x3FAE]  }
0x2e: {  	s3 =	simm.s32 @!p0 $0x1082;
	s9 =	sld [smem:$0x3FAF]  }
0x2f: {  	lr =	sadd.s32 s0, s3;
	s0 =	sld [smem:$0x3FA6]  }
0x30: {  	s3 =	sld [smem:$0x3FA9]  }
0x31: {  	[smem:$0x3FB2] =	sst s10  }
0x32: {  	s10 =	sld [smem:$0x3FB0];
	_ =	sdelay $0x3  }
0x33: {  	p0 =	seq.s32 s10, $0x1;
	s10 =	sld [smem:$0x3FB2];
	_ =	sdelay $0x3  }
0x34: {  	[smem:$0x3FB2] =	sst s10  }
0x35: {  	s10 =	sld [smem:$0x3FB1];
	_ =	sdelay $0x3  }
0x36: {  	p1 =	seq.s32 s10, $0x1;
	s10 =	sld [smem:$0x3FB2];
	_ =	sdelay $0x3  }
0x37: {  	[smem:$0x3FB2] =	sst s10  }
0x38: {  	s10 =	sld [smem:$0x3FB3]  }
0x39: {  	_ = 	snop;
	(pc) =	sbr.ind lr, $3  }
0x3a: {  	_ = 	snop  }
0x3b: {  	_ = 	snop  }
0x3c: {  	p2 =	seq.s32 s10, $0x1;
	s10 =	sld [smem:$0x3FB2]  }
0x3d: {  	_ =	shalt  }
0x3e: {  	_ =	shalt  }
0x3f: {  	_ =	shalt  }
0x40: {  	_ =	shalt  }
0x41: {  	_ =	shalt  }
0x42: {  	_ =	shalt  }
0x43: {  	_ =	shalt  }
0x44: {  	_ =	shalt  }
0x45: {  	_ =	shalt  }
0x46: {  	_ =	shalt  }
0x47: {  	_ =	shalt  }
0x48: {  	_ =	shalt  }
0x49: {  	_ =	shalt  }
0x4a: {  	_ =	shalt  }
0x4b: {  	_ =	shalt  }
0x4c: {  	_ =	shalt  }
0x4d: {  	_ =	shalt  }
0x4e: {  	_ =	shalt  }
0x4f: {  	_ =	shalt  }
0x50: {  	_ =	shalt  }
0x51: {  	_ =	shalt  }
0x52: {  	_ =	shalt  }
0x53: {  	_ =	shalt  }
0x54: {  	_ =	shalt  }
0x55: {  	_ =	shalt  }
0x56: {  	_ =	shalt  }
0x57: {  	_ =	shalt  }
0x58: {  	_ =	shalt  }
0x59: {  	_ =	shalt  }
0x5a: {  	_ =	shalt  }
0x5b: {  	_ =	shalt  }
0x5c: {  	_ =	shalt  }
0x5d: {  	_ =	shalt  }
0x5e: {  	_ =	shalt  }
0x5f: {  	_ =	shalt  }
0x60: {  	_ =	shalt  }
0x61: {  	_ =	shalt  }
0x62: {  	_ =	shalt  }
0x63: {  	_ =	shalt  }
0x64: {  	_ =	shalt  }
0x65: {  	_ =	shalt  }
0x66: {  	_ =	shalt  }
0x67: {  	_ =	shalt  }
0x68: {  	_ =	shalt  }
0x69: {  	_ =	shalt  }
0x6a: {  	_ =	shalt  }
0x6b: {  	_ =	shalt  }
0x6c: {  	_ =	shalt  }
0x6d: {  	_ =	shalt  }
0x6e: {  	_ =	shalt  }
0x6f: {  	_ =	shalt  }
0x70: {  	_ =	shalt  }
0x71: {  	_ =	shalt  }
0x72: {  	_ =	shalt  }
0x73: {  	_ =	shalt  }
0x74: {  	_ =	shalt  }
0x75: {  	_ =	shalt  }
0x76: {  	_ =	shalt  }
0x77: {  	_ =	shalt  }
0x78: {  	_ =	shalt  }
0x79: {  	_ =	shalt  }
0x7a: {  	_ =	shalt  }
0x7b: {  	_ =	shalt  }
0x7c: {  	_ =	shalt  }
0x7d: {  	_ =	shalt  }
0x7e: {  	_ =	shalt  }
0x7f: {  	_ =	shalt  }
0x80: {  	_ =	shalt  }
0x81: {  	_ =	shalt  }
0x82: {  	_ =	shalt  }
0x83: {  	_ =	shalt  }
0x84: {  	_ =	shalt  }
0x85: {  	_ =	shalt  }
0x86: {  	_ =	shalt  }
0x87: {  	_ =	shalt  }
.Lfunc_end0:
.L_simem_size_0:
called_computation_lowered:
.L_overlay_start_0:
0x88: {  	s2 =	sld [smem:$0x3FD9]  }
0x89: {  	s3 =	sld [smem:$0x3FFE];
	_ =	sdelay $0x1  }
0x8a: {  	s1 =	srdreg.scid  }
0x8b: {  	s0 =	sand.u32 $0x1, s1  }
0x8c: {  	s17 =	sshll.u32 s0, $0xA;
	s2 =	sadd.s32 s3, s2  }
0x8d: {  	s2 =	sadd.s32 s2, s17  }
0x8e: {  	[smem:$0x3FBE] =	sst s2  }
0x8f: {  	_ = 	snop  }
0x90: {  	s2 =	sld [smem:$0x3FD0];
	(tm) =	ssettm $0x1  }
0x91: {  	s18 =	sld [smem:$0x3FFB];
	_ =	sdelay $0x3  }
0x92: {  	_ =	strace s18  }
0x93: {  	s3 =	sld [smem:$0x3FFC];
	_ =	sdelay $0x3  }
0x94: {  	_ =	strace s3  }
0x95: {  	s3 =	sld [smem:$0x3FFD];
	_ =	sdelay $0x3  }
0x96: {  	_ =	strace s3  }
0x97: {  	_ =	strace $0x8FFFFFFF  }
0x98: {  	s19 =	sld [smem:$0x3FDB];
	_ =	sdelay $0x1  }
0x99: {  	s4 =	simm.s32 $_scs_section_size  }
0x9a: {  	s5 =	simm.s32 $_size__tile_overlayer_lowered;
	s6 =	simm.s32 $_tile_overlayer_lowered  }
0x9b: {  	s22 =	simm.s32 $0x1BFF;
	s21 =	sshll.u32 s6, $0x1;
	s3 =	sadd.s32 s4, s19  }
0x9c: {  	s7 =	simm.s32 $0x0;
	s20 =	sshll.u32 s5, $0x1;
	s5 =	sadd.s32 s21, s3  }
0x9d: {  	[timem:s7], [sflag:s22] =	dma.local [hbm:s5], s20  }
0x9e: {  	_ =	swait.ge [sflag:s22], s20  }
0x9f: {  	s4 =	ssub.s32 $0x0, s20;
	[sflag:s22] =	ssyncset.done $0x0  }
0xa0: {  	[sflag:s22] =	ssyncadd.s32 s4;
	_ =	sdelay $0x1  }
0xa1: {  	s23 =	simm.s32 $0x1B8B  }
0xa2: {  	_ =	swait.ge [sflag:s23], $0x1  }
0xa3: {  	[sflag:s23] =	ssyncset.done $0x0  }
0xa4: {  	s25 =	simm.s32 $0x1B8E;
	s24 =	sld [smem:$0x3FFE];
	[sflag:s23] =	ssyncadd.s32 $0xFFFFFFFF  }
0xa5: {  	s26 =	simm.s32 $execute0_lowered;
	[smem:$0x3FD2] =	sst s25  }
0xa6: {  	s5 =	sshll.u32 s26, $0x1;
	_ =	strace $0x80000046;
	[dreg:$0x1] =	wrdreg $0xFFFFFFFF  }
0xa7: {  	s28 =	simm.s32 $_size_execute0_lowered;
	s3 =	sadd.s32 s3, s5;
	[dreg:$0x0] =	wrdreg $0x0  }
0xa8: {  	s5 =	sshll.u32 s28, $0x1;
	[dreg:$0x2] =	wrdreg s3  }
0xa9: {  	[dreg:$0x3] =	wrdreg s5  }
0xaa: {  	[dreg:$0x4] =	wrdreg $0xC0  }
0xab: {  	_ =	task [dreg:s7], $0x5FFFF  }
0xac: {  	[dreg:$0x1] =	wrdreg $0xFFFFFFFF  }
0xad: {  	[dreg:$0x0] =	wrdreg $0x60  }
0xae: {  	[dreg:$0x2] =	wrdreg s2  }
0xaf: {  	[dreg:$0x3] =	wrdreg s24  }
0xb0: {  	[dreg:$0x4] =	wrdreg $0x0  }
0xb1: {  	[dreg:$0x5] =	wrdreg $0x9  }
0xb2: {  	_ =	task.clear_ibuf [dreg:s7], $0x6FFFF;
	_ =	strace $0x90000046  }
0xb3: {  	s29 =	simm.s32 $0x9;
	_ =	strace $0x80000048  }
0xb4: {  	_ =	swait.ge [sflag:s29], $0x1  }
0xb5: {  	[sflag:s29] =	ssyncadd.s32 $0xFFFFFFFF  }
0xb6: {  	_ =	strace $0x90000048  }
0xb7: {  	_ =	sfence  }
0xb8: {  	s30 =	sld [smem:$0x0];
	_ =	sdelay $0x2  }
0xb9: {  	s31 =	sshll.u32 s1, $0xD;
	s1 =	sshrl.u32 s1, $0x2  }
0xba: {  	s3 =	sand.u32 $0x4000, s31;
	s1 =	sadd.s32 s1, s30  }
0xbb: {  	s0 =	sor.u32 s3, s0;
	s1 =	sshll.u32 s1, $0x11  }
0xbc: {  	s0 =	sor.u32 s1, s0  }
0xbd: {  	s0 =	sadd.s32 $0x8F2B, s0  }
0xbe: {  	[sflag:s0] =	ssyncadd.remote.s32 $0x1  }
0xbf: {  	_ =	sfence.sel $0xFFFF  }
0xc0: {  	[dreg:$0x0] =	wrdreg $0xFFFFFFFF;
	(pc) =	sbr.abs _section_cstart, $3  }
0xc1: {  	[dreg:$0x1] =	wrdreg $0xFFFFFFFF  }
0xc2: {  	_ =	task.clear_ibuf [dreg:s7], $0x2FFFF;
	_ =	strace $0x9FFFFFFF  }
0xc3: {  	(tm) =	ssettm $0x7FFFFFFF  }
tec
execute0_lowered:
.L_overlay_start_1:
0x0: {  	(tag) =	ssettag $0x1  }
0x1: {  	s7 =	rddreg [dreg:$0x0]  }
0x2: {  	s5 =	rddreg [dreg:$0x1]  }
0x3: {  	s2 =	rddreg [dreg:$0x2]  }
0x4: {  	s0 =	rddreg [dreg:$0x3];
	s4 =	srdreg.scid  }
0x5: {  	s1 =	stileid.u32;
	s3 =	simm.s32 $0x0;
	s12 =	simm.s32 $0x580  }
0x6: {  	s13 =	simm.s32 $0x80;
	s14 =	simm.s32 $0x500;
	s15 =	simm.s32 $0x280  }
0x7: {  	s16 =	simm.s32 $0x0;
	s6 =	sand.u32 $0x1, s4;
	s8 =	smul.u32 $0x280, s1  }
0x8: {  	[smem:$0x7FF] =	sst s3;
	s4 =	sadd.s32 $0x6A00, s5;
	s9 =	smul.u32 $0x2800, s6  }
0x9: {  	s31 =	sshll.u32 s1, $0x6;
	_ =	strace $0x80000047;
	s10 =	sshll.u32 s6, $0x4  }
0xa: {  	s6 =	ssub.s32 $0x2, s6;
	s10 =	sor.u32 s1, s10;
	s9 =	sadd.s32 s8, s9  }
0xb: {  	s11 =	sshrl.u32 s6, $0x1;
	s10 =	smul.u32 $0x280, s10;
	s9 =	sshrl.u32 s9, $0x3  }
0xc: {  	s11 =	ssub.s32 s6, s11;
	s6 =	sor.u32 $0x1C01, s31;
	s9 =	sadd.s32 s9, s5  }
0xd: {  	s5 =	sadd.s32 s8, s2;
	s7 =	sadd.s32 s7, s10;
	s8 =	sadd.s32 $0x6C00, s9  }
0xe: {  	v0 =	vimm.f32 $1.000000000e+00;
	s9 =	smax.u32 s11, $0x1;
	s10 =	sshrl.u32 s5, $0x3;
	s11 =	simm.s32 $0x1  }
.LBB2_1:
0xf: {  	[spmem:s10], [sflag:s6] =	dma.local [hbm:s4], $0x50  }
0x10: {  	_ =	swait.ge [sflag:s11], $0x50  }
0x11: {  	[sflag:s11] =	ssyncset.done $0x0  }
0x12: {  	[sflag:s11] =	ssyncadd.s32 $0xFFFFFFB0  }
0x13: {  	[tilespmem:$0x500] =	vst v0  }
0x14: {  	[tilespmem:$0x510] =	vst v0  }
0x15: {  	[tilespmem:$0x520] =	vst v0  }
0x16: {  	[tilespmem:$0x530] =	vst v0  }
0x17: {  	[tilespmem:$0x540] =	vst v0  }
0x18: {  	[tilespmem:$0x550] =	vst v0  }
0x19: {  	[tilespmem:$0x560] =	vst v0  }
0x1a: {  	[tilespmem:$0x570] =	vst v0  }
0x1b: {  	[bflag:$0x0] =	sbarrier.arrive $0xFFFF  }
0x1c: {  	[tilespmem:s12], [sflag:$0x1] =	stream.linear.gather [hbm4b:s7+s3], $0x1400, $0x38;
	[tilespmem:$0x1980] =	vst v63  }
0x1d: {  	_ =	swait.ge [sflag:s11], $0x1400  }
0x1e: {  	[sflag:s11] =	ssyncset.done $0x0  }
0x1f: {  	s17 =	simm.s32 $0x580;
	[sflag:s11] =	ssyncadd.s32 $0xFFFFEC00  }
0x20: {  	[spmem:s2] =	stream.indirect.scatter.add.f32 [tilespmem:s14], [sflag:$0x1], $0x1, s17, s13, $0xb8;
	[tilespmem:$0x1980] =	vst v63  }
0x21: {  	s17 =	simm.s32 $0x200;
	_ =	swait.ge [sflag:s11], $0x80  }
.LBB2_2:
0x22: {  	s18 =	sshra.s32 s17, $0x2;
	[sflag:s11] =	ssyncset.done $0x0;
	p0 =	sne.s32 s17, $0x4E00  }
.Ltmp0:
0x23: {  	s18 =	sadd.s32 $0x580, s18;
	[sflag:s11] =	ssyncadd.s32 $0xFFFFFF80;
	(pc) =	sbr.rel @p0 .LBB2_2-.Ltmp0, $3  }
0x24: {  	[spmem:s2] =	stream.indirect.scatter.add.f32 [tilespmem:s14], [sflag:$0x1], $0x1, s18, s13, $0xb8;
	[tilespmem:$0x1980] =	vst v63  }
0x25: {  	s17 =	sadd.s32 $0x200, s17;
	_ =	sdelay $0x1  }
0x26: {  	_ =	swait.ge [sflag:s11], $0x80  }
0x27: {  	[sflag:s11] =	ssyncset.done $0x0  }
0x28: {  	[sflag:s11] =	ssyncadd.s32 $0xFFFFFF80  }
0x29: {  	[bflag:$0x0] =	sbarrier.arrive $0xFFFF  }
0x2a: {  	[tilespmem:s15], [sflag:$0x1] =	stream.linear.gather [spmem:s5], $0x280, $0x38;
	[tilespmem:$0x1980] =	vst v63  }
0x2b: {  	s16 =	sadd.s32 $0x1, s16;
	_ =	swait.ge [sflag:s11], $0x280  }
0x2c: {  	p0 =	sne.s32 s16, s9;
	[sflag:s11] =	ssyncset.done $0x0  }
.Ltmp1:
0x2d: {  	[sflag:s11] =	ssyncadd.s32 $0xFFFFFD80;
	(pc) =	sbr.rel @p0 .LBB2_1-.Ltmp1, $4  }
0x2e: {  	[hbm4b:s8+s3] =	stream.linear.scatter [tilespmem:s15], [sflag:$0x1], $0x280, $0x38;
	[tilespmem:$0x1980] =	vst v63  }
0x2f: {  	_ =	swait.ge [sflag:s11], $0x280  }
0x30: {  	[sflag:s11] =	ssyncset.done $0x0  }
0x31: {  	[sflag:s11] =	ssyncadd.s32 $0xFFFFFD80  }
0x32: {  	_ =	sfence.sel $0x180000  }
0x33: {  	[bflag:$0x0] =	sbarrier.arrive $0xFFFF  }
0x34: {  	p0 =	sne.s32 s1, $0x0;
	_ =	strace $0x90000047  }
0x35: {  	s0 =	sadd.s32 @!p0 $0x100000, s0;
	[bflag:$0x2] =	sbarrier.arrive $0xFFFF  }
0x36: {  	[sflag:s0] =	ssyncadd.tile.s32 @!p0 $0x1;
	_ =	shalt  }
.Lfunc_end2:
_tile_overlayer_lowered:
.L_overlay_start_2:
0x37: {  	(tag) =	ssettag $0x2  }
0x38: {  	s0 =	rddreg [dreg:$0x0];
	s2 =	stileid.u32  }
0x39: {  	s1 =	rddreg [dreg:$0x1];
	p0 =	sne.s32 s2, $0x0  }
0x3a: {  	s3 =	rddreg [dreg:$0x2];
	[bflag:$0x3] =	sbarrier.arrive $0xFFFF;
	s2 =	simm.s32 @!p0 $0x1C01  }
0x3b: {  	[timem:s3], [sflag:s2] =	dma.local @!p0 [hbm:s0], s1  }
0x3c: {  	s0 =	simm.s32 @!p0 $0x1  }
0x3d: {  	_ =	swait.ge @!p0 [sflag:s0], s1  }
0x3e: {  	s1 =	ssub.s32 @!p0 $0x0, s1;
	[sflag:s0] =	ssyncset.done @!p0 $0x0  }
0x3f: {  	[sflag:s0] =	ssyncadd.s32 @!p0 s1  }
0x40: {  	[bflag:$0x3] =	sbarrier.arrive $0xFFFF  }
0x41: {  	_ =	shalt  }

</sc_bundles>
